<compile_context>
chip_gen: v7x
topology: tpu7x:2x2x1
jax: 0.10.2.dev20260603
libtpu: 0.0.44.dev20260713+nightly
codegen_flags: <defaults>
</compile_context>

<pallas_src>
import functools

import jax
import jax.numpy as jnp
from jax import lax
from jax.experimental import pallas as pl
from jax.experimental.pallas import tpu as pltpu
from jax.experimental.pallas import tpu_sc as plsc

NC = 2
NS = 16
NW = NC * NS
SL = 128


@functools.cache
def _build(n_ctx, n_q, vocab, dim):
    ctx_sl = n_ctx // SL // NW
    q_sl = n_q // SL // NW
    assert ctx_sl * SL * NW == n_ctx and q_sl * SL * NW == n_q
    g_ctx = 10
    n_groups = ctx_sl // g_ctx
    assert n_groups * g_ctx == ctx_sl and q_sl <= g_ctx
    mesh = plsc.VectorSubcoreMesh(core_axis_name="c", subcore_axis_name="s")

    @functools.partial(
        pl.kernel,
        out_type=(
            jax.ShapeDtypeStruct((n_ctx, dim), jnp.float32),
            jax.ShapeDtypeStruct((n_q, dim), jnp.float32),
        ),
        mesh=mesh,
        scratch_types=[
            pltpu.VMEM(((ctx_sl + q_sl) * SL,), jnp.int32),
            pltpu.VMEM((2 * g_ctx * SL, dim), jnp.float32),
            pltpu.SemaphoreType.DMA,
            pltpu.SemaphoreType.DMA,
        ],
        compiler_params=pltpu.CompilerParams(use_tc_tiling_on_sc=False),
    )
    def emb_gather(ctx_idx, q_idx, table, out_ctx, out_q, idx_v, rows_v,
                   gsem, osem):
        wid = lax.axis_index("s") * NC + lax.axis_index("c")

        pltpu.sync_copy(ctx_idx.at[pl.ds(wid * ctx_sl * SL, ctx_sl * SL)],
                        idx_v.at[pl.ds(0, ctx_sl * SL)])
        pltpu.sync_copy(q_idx.at[pl.ds(wid * q_sl * SL, q_sl * SL)],
                        idx_v.at[pl.ds(ctx_sl * SL, q_sl * SL)])

        work = [(out_ctx, g * g_ctx * SL, wid * ctx_sl * SL + g * g_ctx * SL,
                 g_ctx) for g in range(n_groups)]
        work.append((out_q, ctx_sl * SL, wid * q_sl * SL, q_sl))

        pending = [None, None]
        for g, (out, idx_base, out_base, n_slices) in enumerate(work):
            rows_lo = (g % 2) * g_ctx * SL
            if pending[g % 2] is not None:
                pending[g % 2].wait()
            gathers = [
                pltpu.async_copy(
                    table.at[idx_v.at[pl.ds(idx_base + j * SL, SL)]],
                    rows_v.at[pl.ds(rows_lo + j * SL, SL)], gsem)
                for j in range(n_slices)
            ]
            for gat in gathers:
                gat.wait()
            pending[g % 2] = pltpu.async_copy(
                rows_v.at[pl.ds(rows_lo, n_slices * SL)],
                out.at[pl.ds(out_base, n_slices * SL)], osem)
        for p in pending:
            if p is not None:
                p.wait()

    return emb_gather


def kernel(input_context, input_question, word_embeddings):
    b, l_ctx = input_context.shape
    _, l_q = input_question.shape
    vocab, dim = word_embeddings.shape
    n_ctx = b * l_ctx
    n_q = b * l_q
    fn = _build(n_ctx, n_q, vocab, dim)
    out_ctx, out_q = fn(
        input_context.reshape(n_ctx),
        input_question.reshape(n_q),
        word_embeddings,
    )
    return (out_ctx.reshape(b, l_ctx, dim), out_q.reshape(b, l_q, dim))

# --- scband reference (transcript-rebuilt; emitter-appended) ---
"""Pipeline reference for scband-word-pair-embedding-66666482368761 (READ-ONLY COPY).

The authoritative reference and input builder live on the scoring server;
editing this copy changes nothing except your own understanding.
"""

import jax, jax.numpy as jnp
import numpy as np

VOCAB = 1000000
DIM = 32
B = 1024
L_CTX = 200
L_Q = 20


def setup_inputs(seed: int = 0) -> dict:
    key = jax.random.key(seed)
    k1, k2, k3 = jax.random.split(key, 3)
    word_embeddings = jax.random.normal(k1, (VOCAB, DIM), dtype=jnp.float32) * 0.02
    input_context = jax.random.randint(k2, (B, L_CTX), 0, VOCAB, dtype=jnp.int32)
    input_question = jax.random.randint(k3, (B, L_Q), 0, VOCAB, dtype=jnp.int32)
    return {
        "input_context": input_context,
        "input_question": input_question,
        "word_embeddings": word_embeddings,
    }


def reference(input_context, input_question, word_embeddings):
    # WordPairEmbedding.forward with mixed=False, eval mode (dropout p=0.1 inactive).
    context_word_emb = jnp.take(word_embeddings, input_context, axis=0)
    question_word_emb = jnp.take(word_embeddings, input_question, axis=0)
    return (context_word_emb, question_word_emb)

if __name__ == "__main__":
    import jax
    _d = setup_inputs()
    print(jax.jit(kernel)(*tuple(_d.values())))

</pallas_src>

<mosaic_0001>
#map = affine_map<(d0, d1) -> (0)>
#map1 = affine_map<(d0, d1) -> (0, 0)>
module attributes {stable_mosaic.version = 14 : i64} {
  func.func @emb_gather(%arg0: i32, %arg1: i32, %arg2: memref<204800xi32, #tpu.memory_space<hbm>>, %arg3: memref<20480xi32, #tpu.memory_space<hbm>>, %arg4: memref<1000000x32xf32, #tpu.memory_space<hbm>>, %arg5: memref<204800x32xf32, #tpu.memory_space<hbm>>, %arg6: memref<20480x32xf32, #tpu.memory_space<hbm>>, %arg7: memref<7040xi32, #tpu.memory_space<vmem>>, %arg8: memref<2560x32xf32, #tpu.memory_space<vmem>>, %arg9: memref<!tpu.dma_semaphore, #tpu.memory_space<semaphore_mem>>, %arg10: memref<!tpu.dma_semaphore, #tpu.memory_space<semaphore_mem>>) attributes {dimension_semantics = [#tpu.dimension_semantics<core_parallel>, #tpu.dimension_semantics<subcore_parallel>], iteration_bounds = array<i64: 2, 16>, scalar_prefetch = 0 : i64, scratch_operands = 4 : i64, tpu.core_type = #tpu.core_type<sc_vector_subcore>, window_params = [{transform_indices = #map}, {transform_indices = #map}, {transform_indices = #map1}, {transform_indices = #map1}, {transform_indices = #map1}]} {
    %mul3A = arith.constant 2 : i32
    %mul3A_0 = arith.muli %arg1, %mul3A : i32
    %add3A = arith.addi %mul3A_0, %arg0 : i32
    %mul3A_1 = arith.constant 50 : i32
    %mul3A_2 = arith.muli %add3A, %mul3A_1 : i32
    %mul3A_3 = arith.constant 128 : i32
    %mul3A_4 = arith.muli %mul3A_2, %mul3A_3 : i32
    "tpu.region"() ({
      %run_scoped3A = tpu.sem_alloc : memref<!tpu.dma_semaphore, #tpu.memory_space<semaphore_mem>>
      %dma_start3A_1041 = arith.constant 0 : i32
      %dma_start3A_1042 = tpu.memref_slice %arg7[%dma_start3A_1041] : memref<7040xi32, #tpu.memory_space<vmem>> -> memref<6400xi32, #tpu.memory_space<vmem>>
      %dma_start3A_1043 = tpu.memref_slice %arg2[%mul3A_4] : memref<204800xi32, #tpu.memory_space<hbm>> -> memref<6400xi32, #tpu.memory_space<hbm>>
      %dma_start3A_1044 = arith.constant 0 : i32
      %dma_start3A_1045 = tpu.memref_slice %arg7[%dma_start3A_1044] : memref<7040xi32, #tpu.memory_space<vmem>> -> memref<6400xi32, #tpu.memory_space<vmem>>
      %dma_start3A_1046 = tpu.memref_slice %arg2[%mul3A_4] : memref<204800xi32, #tpu.memory_space<hbm>> -> memref<6400xi32, #tpu.memory_space<hbm>>
      tpu.enqueue_dma source(%dma_start3A_1046 : memref<6400xi32, #tpu.memory_space<hbm>>) target(%dma_start3A_1045 : memref<6400xi32, #tpu.memory_space<vmem>>) target_semaphore(%run_scoped3A : memref<!tpu.dma_semaphore, #tpu.memory_space<semaphore_mem>>)
      %dma_wait3A_1047 = arith.constant 0 : i32
      %dma_wait3A_1048 = tpu.memref_slice %arg7[%dma_wait3A_1047] : memref<7040xi32, #tpu.memory_space<vmem>> -> memref<6400xi32, #tpu.memory_space<vmem>>
      %dma_wait3A_1049 = tpu.memref_slice %arg2[%mul3A_4] : memref<204800xi32, #tpu.memory_space<hbm>> -> memref<6400xi32, #tpu.memory_space<hbm>>
      %dma_wait3A_1050 = arith.constant 0 : i32
      %dma_wait3A_1051 = tpu.memref_slice %arg7[%dma_wait3A_1050] : memref<7040xi32, #tpu.memory_space<vmem>> -> memref<6400xi32, #tpu.memory_space<vmem>>
      %dma_wait3A_1052 = tpu.memref_slice %arg2[%mul3A_4] : memref<204800xi32, #tpu.memory_space<hbm>> -> memref<6400xi32, #tpu.memory_space<hbm>>
      tpu.wait_dma2 semaphore(%run_scoped3A : memref<!tpu.dma_semaphore, #tpu.memory_space<semaphore_mem>>) src(%dma_wait3A_1052 : memref<6400xi32, #tpu.memory_space<hbm>>) dst(%dma_wait3A_1051 : memref<6400xi32, #tpu.memory_space<vmem>>)
      tpu.yield
    }) : () -> ()
    %mul3A_5 = arith.constant 5 : i32
    %mul3A_6 = arith.muli %add3A, %mul3A_5 : i32
    %mul3A_7 = arith.constant 128 : i32
    %mul3A_8 = arith.muli %mul3A_6, %mul3A_7 : i32
    "tpu.region"() ({
      %run_scoped3A = tpu.sem_alloc : memref<!tpu.dma_semaphore, #tpu.memory_space<semaphore_mem>>
      %dma_start3A_1041 = arith.constant 6400 : i32
      %dma_start3A_1042 = tpu.memref_slice %arg7[%dma_start3A_1041] : memref<7040xi32, #tpu.memory_space<vmem>> -> memref<640xi32, #tpu.memory_space<vmem>>
      %dma_start3A_1043 = tpu.memref_slice %arg3[%mul3A_8] : memref<20480xi32, #tpu.memory_space<hbm>> -> memref<640xi32, #tpu.memory_space<hbm>>
      %dma_start3A_1044 = arith.constant 6400 : i32
      %dma_start3A_1045 = tpu.memref_slice %arg7[%dma_start3A_1044] : memref<7040xi32, #tpu.memory_space<vmem>> -> memref<640xi32, #tpu.memory_space<vmem>>
      %dma_start3A_1046 = tpu.memref_slice %arg3[%mul3A_8] : memref<20480xi32, #tpu.memory_space<hbm>> -> memref<640xi32, #tpu.memory_space<hbm>>
      tpu.enqueue_dma source(%dma_start3A_1046 : memref<640xi32, #tpu.memory_space<hbm>>) target(%dma_start3A_1045 : memref<640xi32, #tpu.memory_space<vmem>>) target_semaphore(%run_scoped3A : memref<!tpu.dma_semaphore, #tpu.memory_space<semaphore_mem>>)
      %dma_wait3A_1047 = arith.constant 6400 : i32
      %dma_wait3A_1048 = tpu.memref_slice %arg7[%dma_wait3A_1047] : memref<7040xi32, #tpu.memory_space<vmem>> -> memref<640xi32, #tpu.memory_space<vmem>>
      %dma_wait3A_1049 = tpu.memref_slice %arg3[%mul3A_8] : memref<20480xi32, #tpu.memory_space<hbm>> -> memref<640xi32, #tpu.memory_space<hbm>>
      %dma_wait3A_1050 = arith.constant 6400 : i32
      %dma_wait3A_1051 = tpu.memref_slice %arg7[%dma_wait3A_1050] : memref<7040xi32, #tpu.memory_space<vmem>> -> memref<640xi32, #tpu.memory_space<vmem>>
      %dma_wait3A_1052 = tpu.memref_slice %arg3[%mul3A_8] : memref<20480xi32, #tpu.memory_space<hbm>> -> memref<640xi32, #tpu.memory_space<hbm>>
      tpu.wait_dma2 semaphore(%run_scoped3A : memref<!tpu.dma_semaphore, #tpu.memory_space<semaphore_mem>>) src(%dma_wait3A_1052 : memref<640xi32, #tpu.memory_space<hbm>>) dst(%dma_wait3A_1051 : memref<640xi32, #tpu.memory_space<vmem>>)
      tpu.yield
    }) : () -> ()
    %mul3A_9 = arith.constant 50 : i32
    %mul3A_10 = arith.muli %add3A, %mul3A_9 : i32
    %mul3A_11 = arith.constant 128 : i32
    %mul3A_12 = arith.muli %mul3A_10, %mul3A_11 : i32
    %add3A_13 = arith.constant 0 : i32
    %add3A_14 = arith.addi %mul3A_12, %add3A_13 : i32
    %mul3A_15 = arith.constant 50 : i32
    %mul3A_16 = arith.muli %add3A, %mul3A_15 : i32
    %mul3A_17 = arith.constant 128 : i32
    %mul3A_18 = arith.muli %mul3A_16, %mul3A_17 : i32
    %add3A_19 = arith.constant 1280 : i32
    %add3A_20 = arith.addi %mul3A_18, %add3A_19 : i32
    %mul3A_21 = arith.constant 50 : i32
    %mul3A_22 = arith.muli %add3A, %mul3A_21 : i32
    %mul3A_23 = arith.constant 128 : i32
    %mul3A_24 = arith.muli %mul3A_22, %mul3A_23 : i32
    %add3A_25 = arith.constant 2560 : i32
    %add3A_26 = arith.addi %mul3A_24, %add3A_25 : i32
    %mul3A_27 = arith.constant 50 : i32
    %mul3A_28 = arith.muli %add3A, %mul3A_27 : i32
    %mul3A_29 = arith.constant 128 : i32
    %mul3A_30 = arith.muli %mul3A_28, %mul3A_29 : i32
    %add3A_31 = arith.constant 3840 : i32
    %add3A_32 = arith.addi %mul3A_30, %add3A_31 : i32
    %mul3A_33 = arith.constant 50 : i32
    %mul3A_34 = arith.muli %add3A, %mul3A_33 : i32
    %mul3A_35 = arith.constant 128 : i32
    %mul3A_36 = arith.muli %mul3A_34, %mul3A_35 : i32
    %add3A_37 = arith.constant 5120 : i32
    %add3A_38 = arith.addi %mul3A_36, %add3A_37 : i32
    %mul3A_39 = arith.constant 5 : i32
    %mul3A_40 = arith.muli %add3A, %mul3A_39 : i32
    %mul3A_41 = arith.constant 128 : i32
    %mul3A_42 = arith.muli %mul3A_40, %mul3A_41 : i32
    %dma_start3A = arith.constant 0 : i32
    %dma_start3A_43 = arith.constant 0 : i32
    %dma_start3A_44 = tpu.memref_slice %arg8[%dma_start3A, %dma_start3A_43] : memref<2560x32xf32, #tpu.memory_space<vmem>> -> memref<128x32xf32, #tpu.memory_space<vmem>>
    %dma_start3A_45 = arith.constant 0 : i32
    %dma_start3A_46 = tpu.memref_slice %arg7[%dma_start3A_45] : memref<7040xi32, #tpu.memory_space<vmem>> -> memref<128xi32, #tpu.memory_space<vmem>>
    %dma_start3A_47 = arith.constant 0 : i32
    %dma_start3A_48 = arith.constant 0 : i32
    %dma_start3A_49 = tpu.memref_slice %arg4[%dma_start3A_47, %dma_start3A_48] : memref<1000000x32xf32, #tpu.memory_space<hbm>> -> memref<1000000x32xf32, #tpu.memory_space<hbm>>
    tpu.enqueue_indirect_dma source(%dma_start3A_49 : memref<1000000x32xf32, #tpu.memory_space<hbm>>) target(%dma_start3A_44 : memref<128x32xf32, #tpu.memory_space<vmem>>) offsets(%dma_start3A_46 : memref<128xi32, #tpu.memory_space<vmem>>) semaphore(%arg9 : memref<!tpu.dma_semaphore, #tpu.memory_space<semaphore_mem>>)
    %dma_start3A_50 = arith.constant 128 : i32
    %dma_start3A_51 = arith.constant 0 : i32
    %dma_start3A_52 = tpu.memref_slice %arg8[%dma_start3A_50, %dma_start3A_51] : memref<2560x32xf32, #tpu.memory_space<vmem>> -> memref<128x32xf32, #tpu.memory_space<vmem>>
    %dma_start3A_53 = arith.constant 128 : i32
    %dma_start3A_54 = tpu.memref_slice %arg7[%dma_start3A_53] : memref<7040xi32, #tpu.memory_space<vmem>> -> memref<128xi32, #tpu.memory_space<vmem>>
    %dma_start3A_55 = arith.constant 0 : i32
    %dma_start3A_56 = arith.constant 0 : i32
    %dma_start3A_57 = tpu.memref_slice %arg4[%dma_start3A_55, %dma_start3A_56] : memref<1000000x32xf32, #tpu.memory_space<hbm>> -> memref<1000000x32xf32, #tpu.memory_space<hbm>>
    tpu.enqueue_indirect_dma source(%dma_start3A_57 : memref<1000000x32xf32, #tpu.memory_space<hbm>>) target(%dma_start3A_52 : memref<128x32xf32, #tpu.memory_space<vmem>>) offsets(%dma_start3A_54 : memref<128xi32, #tpu.memory_space<vmem>>) semaphore(%arg9 : memref<!tpu.dma_semaphore, #tpu.memory_space<semaphore_mem>>)
    %dma_start3A_58 = arith.constant 256 : i32
    %dma_start3A_59 = arith.constant 0 : i32
    %dma_start3A_60 = tpu.memref_slice %arg8[%dma_start3A_58, %dma_start3A_59] : memref<2560x32xf32, #tpu.memory_space<vmem>> -> memref<128x32xf32, #tpu.memory_space<vmem>>
    %dma_start3A_61 = arith.constant 256 : i32
    %dma_start3A_62 = tpu.memref_slice %arg7[%dma_start3A_61] : memref<7040xi32, #tpu.memory_space<vmem>> -> memref<128xi32, #tpu.memory_space<vmem>>
    %dma_start3A_63 = arith.constant 0 : i32
    %dma_start3A_64 = arith.constant 0 : i32
    %dma_start3A_65 = tpu.memref_slice %arg4[%dma_start3A_63, %dma_start3A_64] : memref<1000000x32xf32, #tpu.memory_space<hbm>> -> memref<1000000x32xf32, #tpu.memory_space<hbm>>
    tpu.enqueue_indirect_dma source(%dma_start3A_65 : memref<1000000x32xf32, #tpu.memory_space<hbm>>) target(%dma_start3A_60 : memref<128x32xf32, #tpu.memory_space<vmem>>) offsets(%dma_start3A_62 : memref<128xi32, #tpu.memory_space<vmem>>) semaphore(%arg9 : memref<!tpu.dma_semaphore, #tpu.memory_space<semaphore_mem>>)
    %dma_start3A_66 = arith.constant 384 : i32
    %dma_start3A_67 = arith.constant 0 : i32
    %dma_start3A_68 = tpu.memref_slice %arg8[%dma_start3A_66, %dma_start3A_67] : memref<2560x32xf32, #tpu.memory_space<vmem>> -> memref<128x32xf32, #tpu.memory_space<vmem>>
    %dma_start3A_69 = arith.constant 384 : i32
    %dma_start3A_70 = tpu.memref_slice %arg7[%dma_start3A_69] : memref<7040xi32, #tpu.memory_space<vmem>> -> memref<128xi32, #tpu.memory_space<vmem>>
    %dma_start3A_71 = arith.constant 0 : i32
    %dma_start3A_72 = arith.constant 0 : i32
    %dma_start3A_73 = tpu.memref_slice %arg4[%dma_start3A_71, %dma_start3A_72] : memref<1000000x32xf32, #tpu.memory_space<hbm>> -> memref<1000000x32xf32, #tpu.memory_space<hbm>>
    tpu.enqueue_indirect_dma source(%dma_start3A_73 : memref<1000000x32xf32, #tpu.memory_space<hbm>>) target(%dma_start3A_68 : memref<128x32xf32, #tpu.memory_space<vmem>>) offsets(%dma_start3A_70 : memref<128xi32, #tpu.memory_space<vmem>>) semaphore(%arg9 : memref<!tpu.dma_semaphore, #tpu.memory_space<semaphore_mem>>)
    %dma_start3A_74 = arith.constant 512 : i32
    %dma_start3A_75 = arith.constant 0 : i32
    %dma_start3A_76 = tpu.memref_slice %arg8[%dma_start3A_74, %dma_start3A_75] : memref<2560x32xf32, #tpu.memory_space<vmem>> -> memref<128x32xf32, #tpu.memory_space<vmem>>
    %dma_start3A_77 = arith.constant 512 : i32
    %dma_start3A_78 = tpu.memref_slice %arg7[%dma_start3A_77] : memref<7040xi32, #tpu.memory_space<vmem>> -> memref<128xi32, #tpu.memory_space<vmem>>
    %dma_start3A_79 = arith.constant 0 : i32
    %dma_start3A_80 = arith.constant 0 : i32
    %dma_start3A_81 = tpu.memref_slice %arg4[%dma_start3A_79, %dma_start3A_80] : memref<1000000x32xf32, #tpu.memory_space<hbm>> -> memref<1000000x32xf32, #tpu.memory_space<hbm>>
    tpu.enqueue_indirect_dma source(%dma_start3A_81 : memref<1000000x32xf32, #tpu.memory_space<hbm>>) target(%dma_start3A_76 : memref<128x32xf32, #tpu.memory_space<vmem>>) offsets(%dma_start3A_78 : memref<128xi32, #tpu.memory_space<vmem>>) semaphore(%arg9 : memref<!tpu.dma_semaphore, #tpu.memory_space<semaphore_mem>>)
    %dma_start3A_82 = arith.constant 640 : i32
    %dma_start3A_83 = arith.constant 0 : i32
    %dma_start3A_84 = tpu.memref_slice %arg8[%dma_start3A_82, %dma_start3A_83] : memref<2560x32xf32, #tpu.memory_space<vmem>> -> memref<128x32xf32, #tpu.memory_space<vmem>>
    %dma_start3A_85 = arith.constant 640 : i32
    %dma_start3A_86 = tpu.memref_slice %arg7[%dma_start3A_85] : memref<7040xi32, #tpu.memory_space<vmem>> -> memref<128xi32, #tpu.memory_space<vmem>>
    %dma_start3A_87 = arith.constant 0 : i32
    %dma_start3A_88 = arith.constant 0 : i32
    %dma_start3A_89 = tpu.memref_slice %arg4[%dma_start3A_87, %dma_start3A_88] : memref<1000000x32xf32, #tpu.memory_space<hbm>> -> memref<1000000x32xf32, #tpu.memory_space<hbm>>
    tpu.enqueue_indirect_dma source(%dma_start3A_89 : memref<1000000x32xf32, #tpu.memory_space<hbm>>) target(%dma_start3A_84 : memref<128x32xf32, #tpu.memory_space<vmem>>) offsets(%dma_start3A_86 : memref<128xi32, #tpu.memory_space<vmem>>) semaphore(%arg9 : memref<!tpu.dma_semaphore, #tpu.memory_space<semaphore_mem>>)
    %dma_start3A_90 = arith.constant 768 : i32
    %dma_start3A_91 = arith.constant 0 : i32
    %dma_start3A_92 = tpu.memref_slice %arg8[%dma_start3A_90, %dma_start3A_91] : memref<2560x32xf32, #tpu.memory_space<vmem>> -> memref<128x32xf32, #tpu.memory_space<vmem>>
    %dma_start3A_93 = arith.constant 768 : i32
    %dma_start3A_94 = tpu.memref_slice %arg7[%dma_start3A_93] : memref<7040xi32, #tpu.memory_space<vmem>> -> memref<128xi32, #tpu.memory_space<vmem>>
    %dma_start3A_95 = arith.constant 0 : i32
    %dma_start3A_96 = arith.constant 0 : i32
    %dma_start3A_97 = tpu.memref_slice %arg4[%dma_start3A_95, %dma_start3A_96] : memref<1000000x32xf32, #tpu.memory_space<hbm>> -> memref<1000000x32xf32, #tpu.memory_space<hbm>>
    tpu.enqueue_indirect_dma source(%dma_start3A_97 : memref<1000000x32xf32, #tpu.memory_space<hbm>>) target(%dma_start3A_92 : memref<128x32xf32, #tpu.memory_space<vmem>>) offsets(%dma_start3A_94 : memref<128xi32, #tpu.memory_space<vmem>>) semaphore(%arg9 : memref<!tpu.dma_semaphore, #tpu.memory_space<semaphore_mem>>)
    %dma_start3A_98 = arith.constant 896 : i32
    %dma_start3A_99 = arith.constant 0 : i32
    %dma_start3A_100 = tpu.memref_slice %arg8[%dma_start3A_98, %dma_start3A_99] : memref<2560x32xf32, #tpu.memory_space<vmem>> -> memref<128x32xf32, #tpu.memory_space<vmem>>
    %dma_start3A_101 = arith.constant 896 : i32
    %dma_start3A_102 = tpu.memref_slice %arg7[%dma_start3A_101] : memref<7040xi32, #tpu.memory_space<vmem>> -> memref<128xi32, #tpu.memory_space<vmem>>
    %dma_start3A_103 = arith.constant 0 : i32
    %dma_start3A_104 = arith.constant 0 : i32
    %dma_start3A_105 = tpu.memref_slice %arg4[%dma_start3A_103, %dma_start3A_104] : memref<1000000x32xf32, #tpu.memory_space<hbm>> -> memref<1000000x32xf32, #tpu.memory_space<hbm>>
    tpu.enqueue_indirect_dma source(%dma_start3A_105 : memref<1000000x32xf32, #tpu.memory_space<hbm>>) target(%dma_start3A_100 : memref<128x32xf32, #tpu.memory_space<vmem>>) offsets(%dma_start3A_102 : memref<128xi32, #tpu.memory_space<vmem>>) semaphore(%arg9 : memref<!tpu.dma_semaphore, #tpu.memory_space<semaphore_mem>>)
    %dma_start3A_106 = arith.constant 1024 : i32
    %dma_start3A_107 = arith.constant 0 : i32
    %dma_start3A_108 = tpu.memref_slice %arg8[%dma_start3A_106, %dma_start3A_107] : memref<2560x32xf32, #tpu.memory_space<vmem>> -> memref<128x32xf32, #tpu.memory_space<vmem>>
    %dma_start3A_109 = arith.constant 1024 : i32
    %dma_start3A_110 = tpu.memref_slice %arg7[%dma_start3A_109] : memref<7040xi32, #tpu.memory_space<vmem>> -> memref<128xi32, #tpu.memory_space<vmem>>
    %dma_start3A_111 = arith.constant 0 : i32
    %dma_start3A_112 = arith.constant 0 : i32
    %dma_start3A_113 = tpu.memref_slice %arg4[%dma_start3A_111, %dma_start3A_112] : memref<1000000x32xf32, #tpu.memory_space<hbm>> -> memref<1000000x32xf32, #tpu.memory_space<hbm>>
    tpu.enqueue_indirect_dma source(%dma_start3A_113 : memref<1000000x32xf32, #tpu.memory_space<hbm>>) target(%dma_start3A_108 : memref<128x32xf32, #tpu.memory_space<vmem>>) offsets(%dma_start3A_110 : memref<128xi32, #tpu.memory_space<vmem>>) semaphore(%arg9 : memref<!tpu.dma_semaphore, #tpu.memory_space<semaphore_mem>>)
    %dma_start3A_114 = arith.constant 1152 : i32
    %dma_start3A_115 = arith.constant 0 : i32
    %dma_start3A_116 = tpu.memref_slice %arg8[%dma_start3A_114, %dma_start3A_115] : memref<2560x32xf32, #tpu.memory_space<vmem>> -> memref<128x32xf32, #tpu.memory_space<vmem>>
    %dma_start3A_117 = arith.constant 1152 : i32
    %dma_start3A_118 = tpu.memref_slice %arg7[%dma_start3A_117] : memref<7040xi32, #tpu.memory_space<vmem>> -> memref<128xi32, #tpu.memory_space<vmem>>
    %dma_start3A_119 = arith.constant 0 : i32
    %dma_start3A_120 = arith.constant 0 : i32
    %dma_start3A_121 = tpu.memref_slice %arg4[%dma_start3A_119, %dma_start3A_120] : memref<1000000x32xf32, #tpu.memory_space<hbm>> -> memref<1000000x32xf32, #tpu.memory_space<hbm>>
    tpu.enqueue_indirect_dma source(%dma_start3A_121 : memref<1000000x32xf32, #tpu.memory_space<hbm>>) target(%dma_start3A_116 : memref<128x32xf32, #tpu.memory_space<vmem>>) offsets(%dma_start3A_118 : memref<128xi32, #tpu.memory_space<vmem>>) semaphore(%arg9 : memref<!tpu.dma_semaphore, #tpu.memory_space<semaphore_mem>>)
    %dma_wait3A = arith.constant 0 : i32
    %dma_wait3A_122 = arith.constant 0 : i32
    %dma_wait3A_123 = tpu.memref_slice %arg8[%dma_wait3A, %dma_wait3A_122] : memref<2560x32xf32, #tpu.memory_space<vmem>> -> memref<128x32xf32, #tpu.memory_space<vmem>>
    %dma_wait3A_124 = arith.constant 0 : i32
    %dma_wait3A_125 = tpu.memref_slice %arg7[%dma_wait3A_124] : memref<7040xi32, #tpu.memory_space<vmem>> -> memref<128xi32, #tpu.memory_space<vmem>>
    %dma_wait3A_126 = arith.constant 0 : i32
    %dma_wait3A_127 = arith.constant 0 : i32
    %dma_wait3A_128 = tpu.memref_slice %arg4[%dma_wait3A_126, %dma_wait3A_127] : memref<1000000x32xf32, #tpu.memory_space<hbm>> -> memref<1000000x32xf32, #tpu.memory_space<hbm>>
    tpu.wait_indirect_dma semaphore(%arg9 : memref<!tpu.dma_semaphore, #tpu.memory_space<semaphore_mem>>) src(%dma_wait3A_128 : memref<1000000x32xf32, #tpu.memory_space<hbm>>) dst(%dma_wait3A_123 : memref<128x32xf32, #tpu.memory_space<vmem>>)
    %dma_wait3A_129 = arith.constant 128 : i32
    %dma_wait3A_130 = arith.constant 0 : i32
    %dma_wait3A_131 = tpu.memref_slice %arg8[%dma_wait3A_129, %dma_wait3A_130] : memref<2560x32xf32, #tpu.memory_space<vmem>> -> memref<128x32xf32, #tpu.memory_space<vmem>>
    %dma_wait3A_132 = arith.constant 128 : i32
    %dma_wait3A_133 = tpu.memref_slice %arg7[%dma_wait3A_132] : memref<7040xi32, #tpu.memory_space<vmem>> -> memref<128xi32, #tpu.memory_space<vmem>>
    %dma_wait3A_134 = arith.constant 0 : i32
    %dma_wait3A_135 = arith.constant 0 : i32
    %dma_wait3A_136 = tpu.memref_slice %arg4[%dma_wait3A_134, %dma_wait3A_135] : memref<1000000x32xf32, #tpu.memory_space<hbm>> -> memref<1000000x32xf32, #tpu.memory_space<hbm>>
    tpu.wait_indirect_dma semaphore(%arg9 : memref<!tpu.dma_semaphore, #tpu.memory_space<semaphore_mem>>) src(%dma_wait3A_136 : memref<1000000x32xf32, #tpu.memory_space<hbm>>) dst(%dma_wait3A_131 : memref<128x32xf32, #tpu.memory_space<vmem>>)
    %dma_wait3A_137 = arith.constant 256 : i32
    %dma_wait3A_138 = arith.constant 0 : i32
    %dma_wait3A_139 = tpu.memref_slice %arg8[%dma_wait3A_137, %dma_wait3A_138] : memref<2560x32xf32, #tpu.memory_space<vmem>> -> memref<128x32xf32, #tpu.memory_space<vmem>>
    %dma_wait3A_140 = arith.constant 256 : i32
    %dma_wait3A_141 = tpu.memref_slice %arg7[%dma_wait3A_140] : memref<7040xi32, #tpu.memory_space<vmem>> -> memref<128xi32, #tpu.memory_space<vmem>>
    %dma_wait3A_142 = arith.constant 0 : i32
    %dma_wait3A_143 = arith.constant 0 : i32
    %dma_wait3A_144 = tpu.memref_slice %arg4[%dma_wait3A_142, %dma_wait3A_143] : memref<1000000x32xf32, #tpu.memory_space<hbm>> -> memref<1000000x32xf32, #tpu.memory_space<hbm>>
    tpu.wait_indirect_dma semaphore(%arg9 : memref<!tpu.dma_semaphore, #tpu.memory_space<semaphore_mem>>) src(%dma_wait3A_144 : memref<1000000x32xf32, #tpu.memory_space<hbm>>) dst(%dma_wait3A_139 : memref<128x32xf32, #tpu.memory_space<vmem>>)
    %dma_wait3A_145 = arith.constant 384 : i32
    %dma_wait3A_146 = arith.constant 0 : i32
    %dma_wait3A_147 = tpu.memref_slice %arg8[%dma_wait3A_145, %dma_wait3A_146] : memref<2560x32xf32, #tpu.memory_space<vmem>> -> memref<128x32xf32, #tpu.memory_space<vmem>>
    %dma_wait3A_148 = arith.constant 384 : i32
    %dma_wait3A_149 = tpu.memref_slice %arg7[%dma_wait3A_148] : memref<7040xi32, #tpu.memory_space<vmem>> -> memref<128xi32, #tpu.memory_space<vmem>>
    %dma_wait3A_150 = arith.constant 0 : i32
    %dma_wait3A_151 = arith.constant 0 : i32
    %dma_wait3A_152 = tpu.memref_slice %arg4[%dma_wait3A_150, %dma_wait3A_151] : memref<1000000x32xf32, #tpu.memory_space<hbm>> -> memref<1000000x32xf32, #tpu.memory_space<hbm>>
    tpu.wait_indirect_dma semaphore(%arg9 : memref<!tpu.dma_semaphore, #tpu.memory_space<semaphore_mem>>) src(%dma_wait3A_152 : memref<1000000x32xf32, #tpu.memory_space<hbm>>) dst(%dma_wait3A_147 : memref<128x32xf32, #tpu.memory_space<vmem>>)
    %dma_wait3A_153 = arith.constant 512 : i32
    %dma_wait3A_154 = arith.constant 0 : i32
    %dma_wait3A_155 = tpu.memref_slice %arg8[%dma_wait3A_153, %dma_wait3A_154] : memref<2560x32xf32, #tpu.memory_space<vmem>> -> memref<128x32xf32, #tpu.memory_space<vmem>>
    %dma_wait3A_156 = arith.constant 512 : i32
    %dma_wait3A_157 = tpu.memref_slice %arg7[%dma_wait3A_156] : memref<7040xi32, #tpu.memory_space<vmem>> -> memref<128xi32, #tpu.memory_space<vmem>>
    %dma_wait3A_158 = arith.constant 0 : i32
    %dma_wait3A_159 = arith.constant 0 : i32
    %dma_wait3A_160 = tpu.memref_slice %arg4[%dma_wait3A_158, %dma_wait3A_159] : memref<1000000x32xf32, #tpu.memory_space<hbm>> -> memref<1000000x32xf32, #tpu.memory_space<hbm>>
    tpu.wait_indirect_dma semaphore(%arg9 : memref<!tpu.dma_semaphore, #tpu.memory_space<semaphore_mem>>) src(%dma_wait3A_160 : memref<1000000x32xf32, #tpu.memory_space<hbm>>) dst(%dma_wait3A_155 : memref<128x32xf32, #tpu.memory_space<vmem>>)
    %dma_wait3A_161 = arith.constant 640 : i32
    %dma_wait3A_162 = arith.constant 0 : i32
    %dma_wait3A_163 = tpu.memref_slice %arg8[%dma_wait3A_161, %dma_wait3A_162] : memref<2560x32xf32, #tpu.memory_space<vmem>> -> memref<128x32xf32, #tpu.memory_space<vmem>>
    %dma_wait3A_164 = arith.constant 640 : i32
    %dma_wait3A_165 = tpu.memref_slice %arg7[%dma_wait3A_164] : memref<7040xi32, #tpu.memory_space<vmem>> -> memref<128xi32, #tpu.memory_space<vmem>>
    %dma_wait3A_166 = arith.constant 0 : i32
    %dma_wait3A_167 = arith.constant 0 : i32
    %dma_wait3A_168 = tpu.memref_slice %arg4[%dma_wait3A_166, %dma_wait3A_167] : memref<1000000x32xf32, #tpu.memory_space<hbm>> -> memref<1000000x32xf32, #tpu.memory_space<hbm>>
    tpu.wait_indirect_dma semaphore(%arg9 : memref<!tpu.dma_semaphore, #tpu.memory_space<semaphore_mem>>) src(%dma_wait3A_168 : memref<1000000x32xf32, #tpu.memory_space<hbm>>) dst(%dma_wait3A_163 : memref<128x32xf32, #tpu.memory_space<vmem>>)
    %dma_wait3A_169 = arith.constant 768 : i32
    %dma_wait3A_170 = arith.constant 0 : i32
    %dma_wait3A_171 = tpu.memref_slice %arg8[%dma_wait3A_169, %dma_wait3A_170] : memref<2560x32xf32, #tpu.memory_space<vmem>> -> memref<128x32xf32, #tpu.memory_space<vmem>>
    %dma_wait3A_172 = arith.constant 768 : i32
    %dma_wait3A_173 = tpu.memref_slice %arg7[%dma_wait3A_172] : memref<7040xi32, #tpu.memory_space<vmem>> -> memref<128xi32, #tpu.memory_space<vmem>>
    %dma_wait3A_174 = arith.constant 0 : i32
    %dma_wait3A_175 = arith.constant 0 : i32
    %dma_wait3A_176 = tpu.memref_slice %arg4[%dma_wait3A_174, %dma_wait3A_175] : memref<1000000x32xf32, #tpu.memory_space<hbm>> -> memref<1000000x32xf32, #tpu.memory_space<hbm>>
    tpu.wait_indirect_dma semaphore(%arg9 : memref<!tpu.dma_semaphore, #tpu.memory_space<semaphore_mem>>) src(%dma_wait3A_176 : memref<1000000x32xf32, #tpu.memory_space<hbm>>) dst(%dma_wait3A_171 : memref<128x32xf32, #tpu.memory_space<vmem>>)
    %dma_wait3A_177 = arith.constant 896 : i32
    %dma_wait3A_178 = arith.constant 0 : i32
    %dma_wait3A_179 = tpu.memref_slice %arg8[%dma_wait3A_177, %dma_wait3A_178] : memref<2560x32xf32, #tpu.memory_space<vmem>> -> memref<128x32xf32, #tpu.memory_space<vmem>>
    %dma_wait3A_180 = arith.constant 896 : i32
    %dma_wait3A_181 = tpu.memref_slice %arg7[%dma_wait3A_180] : memref<7040xi32, #tpu.memory_space<vmem>> -> memref<128xi32, #tpu.memory_space<vmem>>
    %dma_wait3A_182 = arith.constant 0 : i32
    %dma_wait3A_183 = arith.constant 0 : i32
    %dma_wait3A_184 = tpu.memref_slice %arg4[%dma_wait3A_182, %dma_wait3A_183] : memref<1000000x32xf32, #tpu.memory_space<hbm>> -> memref<1000000x32xf32, #tpu.memory_space<hbm>>
    tpu.wait_indirect_dma semaphore(%arg9 : memref<!tpu.dma_semaphore, #tpu.memory_space<semaphore_mem>>) src(%dma_wait3A_184 : memref<1000000x32xf32, #tpu.memory_space<hbm>>) dst(%dma_wait3A_179 : memref<128x32xf32, #tpu.memory_space<vmem>>)
    %dma_wait3A_185 = arith.constant 1024 : i32
    %dma_wait3A_186 = arith.constant 0 : i32
    %dma_wait3A_187 = tpu.memref_slice %arg8[%dma_wait3A_185, %dma_wait3A_186] : memref<2560x32xf32, #tpu.memory_space<vmem>> -> memref<128x32xf32, #tpu.memory_space<vmem>>
    %dma_wait3A_188 = arith.constant 1024 : i32
    %dma_wait3A_189 = tpu.memref_slice %arg7[%dma_wait3A_188] : memref<7040xi32, #tpu.memory_space<vmem>> -> memref<128xi32, #tpu.memory_space<vmem>>
    %dma_wait3A_190 = arith.constant 0 : i32
    %dma_wait3A_191 = arith.constant 0 : i32
    %dma_wait3A_192 = tpu.memref_slice %arg4[%dma_wait3A_190, %dma_wait3A_191] : memref<1000000x32xf32, #tpu.memory_space<hbm>> -> memref<1000000x32xf32, #tpu.memory_space<hbm>>
    tpu.wait_indirect_dma semaphore(%arg9 : memref<!tpu.dma_semaphore, #tpu.memory_space<semaphore_mem>>) src(%dma_wait3A_192 : memref<1000000x32xf32, #tpu.memory_space<hbm>>) dst(%dma_wait3A_187 : memref<128x32xf32, #tpu.memory_space<vmem>>)
    %dma_wait3A_193 = arith.constant 1152 : i32
    %dma_wait3A_194 = arith.constant 0 : i32
    %dma_wait3A_195 = tpu.memref_slice %arg8[%dma_wait3A_193, %dma_wait3A_194] : memref<2560x32xf32, #tpu.memory_space<vmem>> -> memref<128x32xf32, #tpu.memory_space<vmem>>
    %dma_wait3A_196 = arith.constant 1152 : i32
    %dma_wait3A_197 = tpu.memref_slice %arg7[%dma_wait3A_196] : memref<7040xi32, #tpu.memory_space<vmem>> -> memref<128xi32, #tpu.memory_space<vmem>>
    %dma_wait3A_198 = arith.constant 0 : i32
    %dma_wait3A_199 = arith.constant 0 : i32
    %dma_wait3A_200 = tpu.memref_slice %arg4[%dma_wait3A_198, %dma_wait3A_199] : memref<1000000x32xf32, #tpu.memory_space<hbm>> -> memref<1000000x32xf32, #tpu.memory_space<hbm>>
    tpu.wait_indirect_dma semaphore(%arg9 : memref<!tpu.dma_semaphore, #tpu.memory_space<semaphore_mem>>) src(%dma_wait3A_200 : memref<1000000x32xf32, #tpu.memory_space<hbm>>) dst(%dma_wait3A_195 : memref<128x32xf32, #tpu.memory_space<vmem>>)
    %dma_start3A_201 = arith.constant 0 : i32
    %dma_start3A_202 = arith.constant 0 : i32
    %dma_start3A_203 = tpu.memref_slice %arg8[%dma_start3A_201, %dma_start3A_202] : memref<2560x32xf32, #tpu.memory_space<vmem>> -> memref<1280x32xf32, #tpu.memory_space<vmem>>
    %dma_start3A_204 = arith.constant 0 : i32
    %dma_start3A_205 = tpu.memref_slice %arg5[%add3A_14, %dma_start3A_204] : memref<204800x32xf32, #tpu.memory_space<hbm>> -> memref<1280x32xf32, #tpu.memory_space<hbm>>
    %dma_start3A_206 = arith.constant 0 : i32
    %dma_start3A_207 = tpu.memref_slice %arg5[%add3A_14, %dma_start3A_206] : memref<204800x32xf32, #tpu.memory_space<hbm>> -> memref<1280x32xf32, #tpu.memory_space<hbm>>
    %dma_start3A_208 = arith.constant 0 : i32
    %dma_start3A_209 = arith.constant 0 : i32
    %dma_start3A_210 = tpu.memref_slice %arg8[%dma_start3A_208, %dma_start3A_209] : memref<2560x32xf32, #tpu.memory_space<vmem>> -> memref<1280x32xf32, #tpu.memory_space<vmem>>
    tpu.enqueue_dma source(%dma_start3A_210 : memref<1280x32xf32, #tpu.memory_space<vmem>>) target(%dma_start3A_207 : memref<1280x32xf32, #tpu.memory_space<hbm>>) target_semaphore(%arg10 : memref<!tpu.dma_semaphore, #tpu.memory_space<semaphore_mem>>)
    %dma_start3A_211 = arith.constant 1280 : i32
    %dma_start3A_212 = arith.constant 0 : i32
    %dma_start3A_213 = tpu.memref_slice %arg8[%dma_start3A_211, %dma_start3A_212] : memref<2560x32xf32, #tpu.memory_space<vmem>> -> memref<128x32xf32, #tpu.memory_space<vmem>>
    %dma_start3A_214 = arith.constant 1280 : i32
    %dma_start3A_215 = tpu.memref_slice %arg7[%dma_start3A_214] : memref<7040xi32, #tpu.memory_space<vmem>> -> memref<128xi32, #tpu.memory_space<vmem>>
    %dma_start3A_216 = arith.constant 0 : i32
    %dma_start3A_217 = arith.constant 0 : i32
    %dma_start3A_218 = tpu.memref_slice %arg4[%dma_start3A_216, %dma_start3A_217] : memref<1000000x32xf32, #tpu.memory_space<hbm>> -> memref<1000000x32xf32, #tpu.memory_space<hbm>>
    tpu.enqueue_indirect_dma source(%dma_start3A_218 : memref<1000000x32xf32, #tpu.memory_space<hbm>>) target(%dma_start3A_213 : memref<128x32xf32, #tpu.memory_space<vmem>>) offsets(%dma_start3A_215 : memref<128xi32, #tpu.memory_space<vmem>>) semaphore(%arg9 : memref<!tpu.dma_semaphore, #tpu.memory_space<semaphore_mem>>)
    %dma_start3A_219 = arith.constant 1408 : i32
    %dma_start3A_220 = arith.constant 0 : i32
    %dma_start3A_221 = tpu.memref_slice %arg8[%dma_start3A_219, %dma_start3A_220] : memref<2560x32xf32, #tpu.memory_space<vmem>> -> memref<128x32xf32, #tpu.memory_space<vmem>>
    %dma_start3A_222 = arith.constant 1408 : i32
    %dma_start3A_223 = tpu.memref_slice %arg7[%dma_start3A_222] : memref<7040xi32, #tpu.memory_space<vmem>> -> memref<128xi32, #tpu.memory_space<vmem>>
    %dma_start3A_224 = arith.constant 0 : i32
    %dma_start3A_225 = arith.constant 0 : i32
    %dma_start3A_226 = tpu.memref_slice %arg4[%dma_start3A_224, %dma_start3A_225] : memref<1000000x32xf32, #tpu.memory_space<hbm>> -> memref<1000000x32xf32, #tpu.memory_space<hbm>>
    tpu.enqueue_indirect_dma source(%dma_start3A_226 : memref<1000000x32xf32, #tpu.memory_space<hbm>>) target(%dma_start3A_221 : memref<128x32xf32, #tpu.memory_space<vmem>>) offsets(%dma_start3A_223 : memref<128xi32, #tpu.memory_space<vmem>>) semaphore(%arg9 : memref<!tpu.dma_semaphore, #tpu.memory_space<semaphore_mem>>)
    %dma_start3A_227 = arith.constant 1536 : i32
    %dma_start3A_228 = arith.constant 0 : i32
    %dma_start3A_229 = tpu.memref_slice %arg8[%dma_start3A_227, %dma_start3A_228] : memref<2560x32xf32, #tpu.memory_space<vmem>> -> memref<128x32xf32, #tpu.memory_space<vmem>>
    %dma_start3A_230 = arith.constant 1536 : i32
    %dma_start3A_231 = tpu.memref_slice %arg7[%dma_start3A_230] : memref<7040xi32, #tpu.memory_space<vmem>> -> memref<128xi32, #tpu.memory_space<vmem>>
    %dma_start3A_232 = arith.constant 0 : i32
    %dma_start3A_233 = arith.constant 0 : i32
    %dma_start3A_234 = tpu.memref_slice %arg4[%dma_start3A_232, %dma_start3A_233] : memref<1000000x32xf32, #tpu.memory_space<hbm>> -> memref<1000000x32xf32, #tpu.memory_space<hbm>>
    tpu.enqueue_indirect_dma source(%dma_start3A_234 : memref<1000000x32xf32, #tpu.memory_space<hbm>>) target(%dma_start3A_229 : memref<128x32xf32, #tpu.memory_space<vmem>>) offsets(%dma_start3A_231 : memref<128xi32, #tpu.memory_space<vmem>>) semaphore(%arg9 : memref<!tpu.dma_semaphore, #tpu.memory_space<semaphore_mem>>)
    %dma_start3A_235 = arith.constant 1664 : i32
    %dma_start3A_236 = arith.constant 0 : i32
    %dma_start3A_237 = tpu.memref_slice %arg8[%dma_start3A_235, %dma_start3A_236] : memref<2560x32xf32, #tpu.memory_space<vmem>> -> memref<128x32xf32, #tpu.memory_space<vmem>>
    %dma_start3A_238 = arith.constant 1664 : i32
    %dma_start3A_239 = tpu.memref_slice %arg7[%dma_start3A_238] : memref<7040xi32, #tpu.memory_space<vmem>> -> memref<128xi32, #tpu.memory_space<vmem>>
    %dma_start3A_240 = arith.constant 0 : i32
    %dma_start3A_241 = arith.constant 0 : i32
    %dma_start3A_242 = tpu.memref_slice %arg4[%dma_start3A_240, %dma_start3A_241] : memref<1000000x32xf32, #tpu.memory_space<hbm>> -> memref<1000000x32xf32, #tpu.memory_space<hbm>>
    tpu.enqueue_indirect_dma source(%dma_start3A_242 : memref<1000000x32xf32, #tpu.memory_space<hbm>>) target(%dma_start3A_237 : memref<128x32xf32, #tpu.memory_space<vmem>>) offsets(%dma_start3A_239 : memref<128xi32, #tpu.memory_space<vmem>>) semaphore(%arg9 : memref<!tpu.dma_semaphore, #tpu.memory_space<semaphore_mem>>)
    %dma_start3A_243 = arith.constant 1792 : i32
    %dma_start3A_244 = arith.constant 0 : i32
    %dma_start3A_245 = tpu.memref_slice %arg8[%dma_start3A_243, %dma_start3A_244] : memref<2560x32xf32, #tpu.memory_space<vmem>> -> memref<128x32xf32, #tpu.memory_space<vmem>>
    %dma_start3A_246 = arith.constant 1792 : i32
    %dma_start3A_247 = tpu.memref_slice %arg7[%dma_start3A_246] : memref<7040xi32, #tpu.memory_space<vmem>> -> memref<128xi32, #tpu.memory_space<vmem>>
    %dma_start3A_248 = arith.constant 0 : i32
    %dma_start3A_249 = arith.constant 0 : i32
    %dma_start3A_250 = tpu.memref_slice %arg4[%dma_start3A_248, %dma_start3A_249] : memref<1000000x32xf32, #tpu.memory_space<hbm>> -> memref<1000000x32xf32, #tpu.memory_space<hbm>>
    tpu.enqueue_indirect_dma source(%dma_start3A_250 : memref<1000000x32xf32, #tpu.memory_space<hbm>>) target(%dma_start3A_245 : memref<128x32xf32, #tpu.memory_space<vmem>>) offsets(%dma_start3A_247 : memref<128xi32, #tpu.memory_space<vmem>>) semaphore(%arg9 : memref<!tpu.dma_semaphore, #tpu.memory_space<semaphore_mem>>)
    %dma_start3A_251 = arith.constant 1920 : i32
    %dma_start3A_252 = arith.constant 0 : i32
    %dma_start3A_253 = tpu.memref_slice %arg8[%dma_start3A_251, %dma_start3A_252] : memref<2560x32xf32, #tpu.memory_space<vmem>> -> memref<128x32xf32, #tpu.memory_space<vmem>>
    %dma_start3A_254 = arith.constant 1920 : i32
    %dma_start3A_255 = tpu.memref_slice %arg7[%dma_start3A_254] : memref<7040xi32, #tpu.memory_space<vmem>> -> memref<128xi32, #tpu.memory_space<vmem>>
    %dma_start3A_256 = arith.constant 0 : i32
    %dma_start3A_257 = arith.constant 0 : i32
    %dma_start3A_258 = tpu.memref_slice %arg4[%dma_start3A_256, %dma_start3A_257] : memref<1000000x32xf32, #tpu.memory_space<hbm>> -> memref<1000000x32xf32, #tpu.memory_space<hbm>>
    tpu.enqueue_indirect_dma source(%dma_start3A_258 : memref<1000000x32xf32, #tpu.memory_space<hbm>>) target(%dma_start3A_253 : memref<128x32xf32, #tpu.memory_space<vmem>>) offsets(%dma_start3A_255 : memref<128xi32, #tpu.memory_space<vmem>>) semaphore(%arg9 : memref<!tpu.dma_semaphore, #tpu.memory_space<semaphore_mem>>)
    %dma_start3A_259 = arith.constant 2048 : i32
    %dma_start3A_260 = arith.constant 0 : i32
    %dma_start3A_261 = tpu.memref_slice %arg8[%dma_start3A_259, %dma_start3A_260] : memref<2560x32xf32, #tpu.memory_space<vmem>> -> memref<128x32xf32, #tpu.memory_space<vmem>>
    %dma_start3A_262 = arith.constant 2048 : i32
    %dma_start3A_263 = tpu.memref_slice %arg7[%dma_start3A_262] : memref<7040xi32, #tpu.memory_space<vmem>> -> memref<128xi32, #tpu.memory_space<vmem>>
    %dma_start3A_264 = arith.constant 0 : i32
    %dma_start3A_265 = arith.constant 0 : i32
    %dma_start3A_266 = tpu.memref_slice %arg4[%dma_start3A_264, %dma_start3A_265] : memref<1000000x32xf32, #tpu.memory_space<hbm>> -> memref<1000000x32xf32, #tpu.memory_space<hbm>>
    tpu.enqueue_indirect_dma source(%dma_start3A_266 : memref<1000000x32xf32, #tpu.memory_space<hbm>>) target(%dma_start3A_261 : memref<128x32xf32, #tpu.memory_space<vmem>>) offsets(%dma_start3A_263 : memref<128xi32, #tpu.memory_space<vmem>>) semaphore(%arg9 : memref<!tpu.dma_semaphore, #tpu.memory_space<semaphore_mem>>)
    %dma_start3A_267 = arith.constant 2176 : i32
    %dma_start3A_268 = arith.constant 0 : i32
    %dma_start3A_269 = tpu.memref_slice %arg8[%dma_start3A_267, %dma_start3A_268] : memref<2560x32xf32, #tpu.memory_space<vmem>> -> memref<128x32xf32, #tpu.memory_space<vmem>>
    %dma_start3A_270 = arith.constant 2176 : i32
    %dma_start3A_271 = tpu.memref_slice %arg7[%dma_start3A_270] : memref<7040xi32, #tpu.memory_space<vmem>> -> memref<128xi32, #tpu.memory_space<vmem>>
    %dma_start3A_272 = arith.constant 0 : i32
    %dma_start3A_273 = arith.constant 0 : i32
    %dma_start3A_274 = tpu.memref_slice %arg4[%dma_start3A_272, %dma_start3A_273] : memref<1000000x32xf32, #tpu.memory_space<hbm>> -> memref<1000000x32xf32, #tpu.memory_space<hbm>>
    tpu.enqueue_indirect_dma source(%dma_start3A_274 : memref<1000000x32xf32, #tpu.memory_space<hbm>>) target(%dma_start3A_269 : memref<128x32xf32, #tpu.memory_space<vmem>>) offsets(%dma_start3A_271 : memref<128xi32, #tpu.memory_space<vmem>>) semaphore(%arg9 : memref<!tpu.dma_semaphore, #tpu.memory_space<semaphore_mem>>)
    %dma_start3A_275 = arith.constant 2304 : i32
    %dma_start3A_276 = arith.constant 0 : i32
    %dma_start3A_277 = tpu.memref_slice %arg8[%dma_start3A_275, %dma_start3A_276] : memref<2560x32xf32, #tpu.memory_space<vmem>> -> memref<128x32xf32, #tpu.memory_space<vmem>>
    %dma_start3A_278 = arith.constant 2304 : i32
    %dma_start3A_279 = tpu.memref_slice %arg7[%dma_start3A_278] : memref<7040xi32, #tpu.memory_space<vmem>> -> memref<128xi32, #tpu.memory_space<vmem>>
    %dma_start3A_280 = arith.constant 0 : i32
    %dma_start3A_281 = arith.constant 0 : i32
    %dma_start3A_282 = tpu.memref_slice %arg4[%dma_start3A_280, %dma_start3A_281] : memref<1000000x32xf32, #tpu.memory_space<hbm>> -> memref<1000000x32xf32, #tpu.memory_space<hbm>>
    tpu.enqueue_indirect_dma source(%dma_start3A_282 : memref<1000000x32xf32, #tpu.memory_space<hbm>>) target(%dma_start3A_277 : memref<128x32xf32, #tpu.memory_space<vmem>>) offsets(%dma_start3A_279 : memref<128xi32, #tpu.memory_space<vmem>>) semaphore(%arg9 : memref<!tpu.dma_semaphore, #tpu.memory_space<semaphore_mem>>)
    %dma_start3A_283 = arith.constant 2432 : i32
    %dma_start3A_284 = arith.constant 0 : i32
    %dma_start3A_285 = tpu.memref_slice %arg8[%dma_start3A_283, %dma_start3A_284] : memref<2560x32xf32, #tpu.memory_space<vmem>> -> memref<128x32xf32, #tpu.memory_space<vmem>>
    %dma_start3A_286 = arith.constant 2432 : i32
    %dma_start3A_287 = tpu.memref_slice %arg7[%dma_start3A_286] : memref<7040xi32, #tpu.memory_space<vmem>> -> memref<128xi32, #tpu.memory_space<vmem>>
    %dma_start3A_288 = arith.constant 0 : i32
    %dma_start3A_289 = arith.constant 0 : i32
    %dma_start3A_290 = tpu.memref_slice %arg4[%dma_start3A_288, %dma_start3A_289] : memref<1000000x32xf32, #tpu.memory_space<hbm>> -> memref<1000000x32xf32, #tpu.memory_space<hbm>>
    tpu.enqueue_indirect_dma source(%dma_start3A_290 : memref<1000000x32xf32, #tpu.memory_space<hbm>>) target(%dma_start3A_285 : memref<128x32xf32, #tpu.memory_space<vmem>>) offsets(%dma_start3A_287 : memref<128xi32, #tpu.memory_space<vmem>>) semaphore(%arg9 : memref<!tpu.dma_semaphore, #tpu.memory_space<semaphore_mem>>)
    %dma_wait3A_291 = arith.constant 1280 : i32
    %dma_wait3A_292 = arith.constant 0 : i32
    %dma_wait3A_293 = tpu.memref_slice %arg8[%dma_wait3A_291, %dma_wait3A_292] : memref<2560x32xf32, #tpu.memory_space<vmem>> -> memref<128x32xf32, #tpu.memory_space<vmem>>
    %dma_wait3A_294 = arith.constant 1280 : i32
    %dma_wait3A_295 = tpu.memref_slice %arg7[%dma_wait3A_294] : memref<7040xi32, #tpu.memory_space<vmem>> -> memref<128xi32, #tpu.memory_space<vmem>>
    %dma_wait3A_296 = arith.constant 0 : i32
    %dma_wait3A_297 = arith.constant 0 : i32
    %dma_wait3A_298 = tpu.memref_slice %arg4[%dma_wait3A_296, %dma_wait3A_297] : memref<1000000x32xf32, #tpu.memory_space<hbm>> -> memref<1000000x32xf32, #tpu.memory_space<hbm>>
    tpu.wait_indirect_dma semaphore(%arg9 : memref<!tpu.dma_semaphore, #tpu.memory_space<semaphore_mem>>) src(%dma_wait3A_298 : memref<1000000x32xf32, #tpu.memory_space<hbm>>) dst(%dma_wait3A_293 : memref<128x32xf32, #tpu.memory_space<vmem>>)
    %dma_wait3A_299 = arith.constant 1408 : i32
    %dma_wait3A_300 = arith.constant 0 : i32
    %dma_wait3A_301 = tpu.memref_slice %arg8[%dma_wait3A_299, %dma_wait3A_300] : memref<2560x32xf32, #tpu.memory_space<vmem>> -> memref<128x32xf32, #tpu.memory_space<vmem>>
    %dma_wait3A_302 = arith.constant 1408 : i32
    %dma_wait3A_303 = tpu.memref_slice %arg7[%dma_wait3A_302] : memref<7040xi32, #tpu.memory_space<vmem>> -> memref<128xi32, #tpu.memory_space<vmem>>
    %dma_wait3A_304 = arith.constant 0 : i32
    %dma_wait3A_305 = arith.constant 0 : i32
    %dma_wait3A_306 = tpu.memref_slice %arg4[%dma_wait3A_304, %dma_wait3A_305] : memref<1000000x32xf32, #tpu.memory_space<hbm>> -> memref<1000000x32xf32, #tpu.memory_space<hbm>>
    tpu.wait_indirect_dma semaphore(%arg9 : memref<!tpu.dma_semaphore, #tpu.memory_space<semaphore_mem>>) src(%dma_wait3A_306 : memref<1000000x32xf32, #tpu.memory_space<hbm>>) dst(%dma_wait3A_301 : memref<128x32xf32, #tpu.memory_space<vmem>>)
    %dma_wait3A_307 = arith.constant 1536 : i32
    %dma_wait3A_308 = arith.constant 0 : i32
    %dma_wait3A_309 = tpu.memref_slice %arg8[%dma_wait3A_307, %dma_wait3A_308] : memref<2560x32xf32, #tpu.memory_space<vmem>> -> memref<128x32xf32, #tpu.memory_space<vmem>>
    %dma_wait3A_310 = arith.constant 1536 : i32
    %dma_wait3A_311 = tpu.memref_slice %arg7[%dma_wait3A_310] : memref<7040xi32, #tpu.memory_space<vmem>> -> memref<128xi32, #tpu.memory_space<vmem>>
    %dma_wait3A_312 = arith.constant 0 : i32
    %dma_wait3A_313 = arith.constant 0 : i32
    %dma_wait3A_314 = tpu.memref_slice %arg4[%dma_wait3A_312, %dma_wait3A_313] : memref<1000000x32xf32, #tpu.memory_space<hbm>> -> memref<1000000x32xf32, #tpu.memory_space<hbm>>
    tpu.wait_indirect_dma semaphore(%arg9 : memref<!tpu.dma_semaphore, #tpu.memory_space<semaphore_mem>>) src(%dma_wait3A_314 : memref<1000000x32xf32, #tpu.memory_space<hbm>>) dst(%dma_wait3A_309 : memref<128x32xf32, #tpu.memory_space<vmem>>)
    %dma_wait3A_315 = arith.constant 1664 : i32
    %dma_wait3A_316 = arith.constant 0 : i32
    %dma_wait3A_317 = tpu.memref_slice %arg8[%dma_wait3A_315, %dma_wait3A_316] : memref<2560x32xf32, #tpu.memory_space<vmem>> -> memref<128x32xf32, #tpu.memory_space<vmem>>
    %dma_wait3A_318 = arith.constant 1664 : i32
    %dma_wait3A_319 = tpu.memref_slice %arg7[%dma_wait3A_318] : memref<7040xi32, #tpu.memory_space<vmem>> -> memref<128xi32, #tpu.memory_space<vmem>>
    %dma_wait3A_320 = arith.constant 0 : i32
    %dma_wait3A_321 = arith.constant 0 : i32
    %dma_wait3A_322 = tpu.memref_slice %arg4[%dma_wait3A_320, %dma_wait3A_321] : memref<1000000x32xf32, #tpu.memory_space<hbm>> -> memref<1000000x32xf32, #tpu.memory_space<hbm>>
    tpu.wait_indirect_dma semaphore(%arg9 : memref<!tpu.dma_semaphore, #tpu.memory_space<semaphore_mem>>) src(%dma_wait3A_322 : memref<1000000x32xf32, #tpu.memory_space<hbm>>) dst(%dma_wait3A_317 : memref<128x32xf32, #tpu.memory_space<vmem>>)
    %dma_wait3A_323 = arith.constant 1792 : i32
    %dma_wait3A_324 = arith.constant 0 : i32
    %dma_wait3A_325 = tpu.memref_slice %arg8[%dma_wait3A_323, %dma_wait3A_324] : memref<2560x32xf32, #tpu.memory_space<vmem>> -> memref<128x32xf32, #tpu.memory_space<vmem>>
    %dma_wait3A_326 = arith.constant 1792 : i32
    %dma_wait3A_327 = tpu.memref_slice %arg7[%dma_wait3A_326] : memref<7040xi32, #tpu.memory_space<vmem>> -> memref<128xi32, #tpu.memory_space<vmem>>
    %dma_wait3A_328 = arith.constant 0 : i32
    %dma_wait3A_329 = arith.constant 0 : i32
    %dma_wait3A_330 = tpu.memref_slice %arg4[%dma_wait3A_328, %dma_wait3A_329] : memref<1000000x32xf32, #tpu.memory_space<hbm>> -> memref<1000000x32xf32, #tpu.memory_space<hbm>>
    tpu.wait_indirect_dma semaphore(%arg9 : memref<!tpu.dma_semaphore, #tpu.memory_space<semaphore_mem>>) src(%dma_wait3A_330 : memref<1000000x32xf32, #tpu.memory_space<hbm>>) dst(%dma_wait3A_325 : memref<128x32xf32, #tpu.memory_space<vmem>>)
    %dma_wait3A_331 = arith.constant 1920 : i32
    %dma_wait3A_332 = arith.constant 0 : i32
    %dma_wait3A_333 = tpu.memref_slice %arg8[%dma_wait3A_331, %dma_wait3A_332] : memref<2560x32xf32, #tpu.memory_space<vmem>> -> memref<128x32xf32, #tpu.memory_space<vmem>>
    %dma_wait3A_334 = arith.constant 1920 : i32
    %dma_wait3A_335 = tpu.memref_slice %arg7[%dma_wait3A_334] : memref<7040xi32, #tpu.memory_space<vmem>> -> memref<128xi32, #tpu.memory_space<vmem>>
    %dma_wait3A_336 = arith.constant 0 : i32
    %dma_wait3A_337 = arith.constant 0 : i32
    %dma_wait3A_338 = tpu.memref_slice %arg4[%dma_wait3A_336, %dma_wait3A_337] : memref<1000000x32xf32, #tpu.memory_space<hbm>> -> memref<1000000x32xf32, #tpu.memory_space<hbm>>
    tpu.wait_indirect_dma semaphore(%arg9 : memref<!tpu.dma_semaphore, #tpu.memory_space<semaphore_mem>>) src(%dma_wait3A_338 : memref<1000000x32xf32, #tpu.memory_space<hbm>>) dst(%dma_wait3A_333 : memref<128x32xf32, #tpu.memory_space<vmem>>)
    %dma_wait3A_339 = arith.constant 2048 : i32
    %dma_wait3A_340 = arith.constant 0 : i32
    %dma_wait3A_341 = tpu.memref_slice %arg8[%dma_wait3A_339, %dma_wait3A_340] : memref<2560x32xf32, #tpu.memory_space<vmem>> -> memref<128x32xf32, #tpu.memory_space<vmem>>
    %dma_wait3A_342 = arith.constant 2048 : i32
    %dma_wait3A_343 = tpu.memref_slice %arg7[%dma_wait3A_342] : memref<7040xi32, #tpu.memory_space<vmem>> -> memref<128xi32, #tpu.memory_space<vmem>>
    %dma_wait3A_344 = arith.constant 0 : i32
    %dma_wait3A_345 = arith.constant 0 : i32
    %dma_wait3A_346 = tpu.memref_slice %arg4[%dma_wait3A_344, %dma_wait3A_345] : memref<1000000x32xf32, #tpu.memory_space<hbm>> -> memref<1000000x32xf32, #tpu.memory_space<hbm>>
    tpu.wait_indirect_dma semaphore(%arg9 : memref<!tpu.dma_semaphore, #tpu.memory_space<semaphore_mem>>) src(%dma_wait3A_346 : memref<1000000x32xf32, #tpu.memory_space<hbm>>) dst(%dma_wait3A_341 : memref<128x32xf32, #tpu.memory_space<vmem>>)
    %dma_wait3A_347 = arith.constant 2176 : i32
    %dma_wait3A_348 = arith.constant 0 : i32
    %dma_wait3A_349 = tpu.memref_slice %arg8[%dma_wait3A_347, %dma_wait3A_348] : memref<2560x32xf32, #tpu.memory_space<vmem>> -> memref<128x32xf32, #tpu.memory_space<vmem>>
    %dma_wait3A_350 = arith.constant 2176 : i32
    %dma_wait3A_351 = tpu.memref_slice %arg7[%dma_wait3A_350] : memref<7040xi32, #tpu.memory_space<vmem>> -> memref<128xi32, #tpu.memory_space<vmem>>
    %dma_wait3A_352 = arith.constant 0 : i32
    %dma_wait3A_353 = arith.constant 0 : i32
    %dma_wait3A_354 = tpu.memref_slice %arg4[%dma_wait3A_352, %dma_wait3A_353] : memref<1000000x32xf32, #tpu.memory_space<hbm>> -> memref<1000000x32xf32, #tpu.memory_space<hbm>>
    tpu.wait_indirect_dma semaphore(%arg9 : memref<!tpu.dma_semaphore, #tpu.memory_space<semaphore_mem>>) src(%dma_wait3A_354 : memref<1000000x32xf32, #tpu.memory_space<hbm>>) dst(%dma_wait3A_349 : memref<128x32xf32, #tpu.memory_space<vmem>>)
    %dma_wait3A_355 = arith.constant 2304 : i32
    %dma_wait3A_356 = arith.constant 0 : i32
    %dma_wait3A_357 = tpu.memref_slice %arg8[%dma_wait3A_355, %dma_wait3A_356] : memref<2560x32xf32, #tpu.memory_space<vmem>> -> memref<128x32xf32, #tpu.memory_space<vmem>>
    %dma_wait3A_358 = arith.constant 2304 : i32
    %dma_wait3A_359 = tpu.memref_slice %arg7[%dma_wait3A_358] : memref<7040xi32, #tpu.memory_space<vmem>> -> memref<128xi32, #tpu.memory_space<vmem>>
    %dma_wait3A_360 = arith.constant 0 : i32
    %dma_wait3A_361 = arith.constant 0 : i32
    %dma_wait3A_362 = tpu.memref_slice %arg4[%dma_wait3A_360, %dma_wait3A_361] : memref<1000000x32xf32, #tpu.memory_space<hbm>> -> memref<1000000x32xf32, #tpu.memory_space<hbm>>
    tpu.wait_indirect_dma semaphore(%arg9 : memref<!tpu.dma_semaphore, #tpu.memory_space<semaphore_mem>>) src(%dma_wait3A_362 : memref<1000000x32xf32, #tpu.memory_space<hbm>>) dst(%dma_wait3A_357 : memref<128x32xf32, #tpu.memory_space<vmem>>)
    %dma_wait3A_363 = arith.constant 2432 : i32
    %dma_wait3A_364 = arith.constant 0 : i32
    %dma_wait3A_365 = tpu.memref_slice %arg8[%dma_wait3A_363, %dma_wait3A_364] : memref<2560x32xf32, #tpu.memory_space<vmem>> -> memref<128x32xf32, #tpu.memory_space<vmem>>
    %dma_wait3A_366 = arith.constant 2432 : i32
    %dma_wait3A_367 = tpu.memref_slice %arg7[%dma_wait3A_366] : memref<7040xi32, #tpu.memory_space<vmem>> -> memref<128xi32, #tpu.memory_space<vmem>>
    %dma_wait3A_368 = arith.constant 0 : i32
    %dma_wait3A_369 = arith.constant 0 : i32
    %dma_wait3A_370 = tpu.memref_slice %arg4[%dma_wait3A_368, %dma_wait3A_369] : memref<1000000x32xf32, #tpu.memory_space<hbm>> -> memref<1000000x32xf32, #tpu.memory_space<hbm>>
    tpu.wait_indirect_dma semaphore(%arg9 : memref<!tpu.dma_semaphore, #tpu.memory_space<semaphore_mem>>) src(%dma_wait3A_370 : memref<1000000x32xf32, #tpu.memory_space<hbm>>) dst(%dma_wait3A_365 : memref<128x32xf32, #tpu.memory_space<vmem>>)
    %dma_start3A_371 = arith.constant 1280 : i32
    %dma_start3A_372 = arith.constant 0 : i32
    %dma_start3A_373 = tpu.memref_slice %arg8[%dma_start3A_371, %dma_start3A_372] : memref<2560x32xf32, #tpu.memory_space<vmem>> -> memref<1280x32xf32, #tpu.memory_space<vmem>>
    %dma_start3A_374 = arith.constant 0 : i32
    %dma_start3A_375 = tpu.memref_slice %arg5[%add3A_20, %dma_start3A_374] : memref<204800x32xf32, #tpu.memory_space<hbm>> -> memref<1280x32xf32, #tpu.memory_space<hbm>>
    %dma_start3A_376 = arith.constant 0 : i32
    %dma_start3A_377 = tpu.memref_slice %arg5[%add3A_20, %dma_start3A_376] : memref<204800x32xf32, #tpu.memory_space<hbm>> -> memref<1280x32xf32, #tpu.memory_space<hbm>>
    %dma_start3A_378 = arith.constant 1280 : i32
    %dma_start3A_379 = arith.constant 0 : i32
    %dma_start3A_380 = tpu.memref_slice %arg8[%dma_start3A_378, %dma_start3A_379] : memref<2560x32xf32, #tpu.memory_space<vmem>> -> memref<1280x32xf32, #tpu.memory_space<vmem>>
    tpu.enqueue_dma source(%dma_start3A_380 : memref<1280x32xf32, #tpu.memory_space<vmem>>) target(%dma_start3A_377 : memref<1280x32xf32, #tpu.memory_space<hbm>>) target_semaphore(%arg10 : memref<!tpu.dma_semaphore, #tpu.memory_space<semaphore_mem>>)
    %dma_wait3A_381 = arith.constant 0 : i32
    %dma_wait3A_382 = arith.constant 0 : i32
    %dma_wait3A_383 = tpu.memref_slice %arg8[%dma_wait3A_381, %dma_wait3A_382] : memref<2560x32xf32, #tpu.memory_space<vmem>> -> memref<1280x32xf32, #tpu.memory_space<vmem>>
    %dma_wait3A_384 = arith.constant 0 : i32
    %dma_wait3A_385 = tpu.memref_slice %arg5[%add3A_14, %dma_wait3A_384] : memref<204800x32xf32, #tpu.memory_space<hbm>> -> memref<1280x32xf32, #tpu.memory_space<hbm>>
    %dma_wait3A_386 = arith.constant 0 : i32
    %dma_wait3A_387 = tpu.memref_slice %arg5[%add3A_14, %dma_wait3A_386] : memref<204800x32xf32, #tpu.memory_space<hbm>> -> memref<1280x32xf32, #tpu.memory_space<hbm>>
    %dma_wait3A_388 = arith.constant 0 : i32
    %dma_wait3A_389 = arith.constant 0 : i32
    %dma_wait3A_390 = tpu.memref_slice %arg8[%dma_wait3A_388, %dma_wait3A_389] : memref<2560x32xf32, #tpu.memory_space<vmem>> -> memref<1280x32xf32, #tpu.memory_space<vmem>>
    tpu.wait_dma2 semaphore(%arg10 : memref<!tpu.dma_semaphore, #tpu.memory_space<semaphore_mem>>) src(%dma_wait3A_390 : memref<1280x32xf32, #tpu.memory_space<vmem>>) dst(%dma_wait3A_387 : memref<1280x32xf32, #tpu.memory_space<hbm>>)
    %dma_start3A_391 = arith.constant 0 : i32
    %dma_start3A_392 = arith.constant 0 : i32
    %dma_start3A_393 = tpu.memref_slice %arg8[%dma_start3A_391, %dma_start3A_392] : memref<2560x32xf32, #tpu.memory_space<vmem>> -> memref<128x32xf32, #tpu.memory_space<vmem>>
    %dma_start3A_394 = arith.constant 2560 : i32
    %dma_start3A_395 = tpu.memref_slice %arg7[%dma_start3A_394] : memref<7040xi32, #tpu.memory_space<vmem>> -> memref<128xi32, #tpu.memory_space<vmem>>
    %dma_start3A_396 = arith.constant 0 : i32
    %dma_start3A_397 = arith.constant 0 : i32
    %dma_start3A_398 = tpu.memref_slice %arg4[%dma_start3A_396, %dma_start3A_397] : memref<1000000x32xf32, #tpu.memory_space<hbm>> -> memref<1000000x32xf32, #tpu.memory_space<hbm>>
    tpu.enqueue_indirect_dma source(%dma_start3A_398 : memref<1000000x32xf32, #tpu.memory_space<hbm>>) target(%dma_start3A_393 : memref<128x32xf32, #tpu.memory_space<vmem>>) offsets(%dma_start3A_395 : memref<128xi32, #tpu.memory_space<vmem>>) semaphore(%arg9 : memref<!tpu.dma_semaphore, #tpu.memory_space<semaphore_mem>>)
    %dma_start3A_399 = arith.constant 128 : i32
    %dma_start3A_400 = arith.constant 0 : i32
    %dma_start3A_401 = tpu.memref_slice %arg8[%dma_start3A_399, %dma_start3A_400] : memref<2560x32xf32, #tpu.memory_space<vmem>> -> memref<128x32xf32, #tpu.memory_space<vmem>>
    %dma_start3A_402 = arith.constant 2688 : i32
    %dma_start3A_403 = tpu.memref_slice %arg7[%dma_start3A_402] : memref<7040xi32, #tpu.memory_space<vmem>> -> memref<128xi32, #tpu.memory_space<vmem>>
    %dma_start3A_404 = arith.constant 0 : i32
    %dma_start3A_405 = arith.constant 0 : i32
    %dma_start3A_406 = tpu.memref_slice %arg4[%dma_start3A_404, %dma_start3A_405] : memref<1000000x32xf32, #tpu.memory_space<hbm>> -> memref<1000000x32xf32, #tpu.memory_space<hbm>>
    tpu.enqueue_indirect_dma source(%dma_start3A_406 : memref<1000000x32xf32, #tpu.memory_space<hbm>>) target(%dma_start3A_401 : memref<128x32xf32, #tpu.memory_space<vmem>>) offsets(%dma_start3A_403 : memref<128xi32, #tpu.memory_space<vmem>>) semaphore(%arg9 : memref<!tpu.dma_semaphore, #tpu.memory_space<semaphore_mem>>)
    %dma_start3A_407 = arith.constant 256 : i32
    %dma_start3A_408 = arith.constant 0 : i32
    %dma_start3A_409 = tpu.memref_slice %arg8[%dma_start3A_407, %dma_start3A_408] : memref<2560x32xf32, #tpu.memory_space<vmem>> -> memref<128x32xf32, #tpu.memory_space<vmem>>
    %dma_start3A_410 = arith.constant 2816 : i32
    %dma_start3A_411 = tpu.memref_slice %arg7[%dma_start3A_410] : memref<7040xi32, #tpu.memory_space<vmem>> -> memref<128xi32, #tpu.memory_space<vmem>>
    %dma_start3A_412 = arith.constant 0 : i32
    %dma_start3A_413 = arith.constant 0 : i32
    %dma_start3A_414 = tpu.memref_slice %arg4[%dma_start3A_412, %dma_start3A_413] : memref<1000000x32xf32, #tpu.memory_space<hbm>> -> memref<1000000x32xf32, #tpu.memory_space<hbm>>
    tpu.enqueue_indirect_dma source(%dma_start3A_414 : memref<1000000x32xf32, #tpu.memory_space<hbm>>) target(%dma_start3A_409 : memref<128x32xf32, #tpu.memory_space<vmem>>) offsets(%dma_start3A_411 : memref<128xi32, #tpu.memory_space<vmem>>) semaphore(%arg9 : memref<!tpu.dma_semaphore, #tpu.memory_space<semaphore_mem>>)
    %dma_start3A_415 = arith.constant 384 : i32
    %dma_start3A_416 = arith.constant 0 : i32
    %dma_start3A_417 = tpu.memref_slice %arg8[%dma_start3A_415, %dma_start3A_416] : memref<2560x32xf32, #tpu.memory_space<vmem>> -> memref<128x32xf32, #tpu.memory_space<vmem>>
    %dma_start3A_418 = arith.constant 2944 : i32
    %dma_start3A_419 = tpu.memref_slice %arg7[%dma_start3A_418] : memref<7040xi32, #tpu.memory_space<vmem>> -> memref<128xi32, #tpu.memory_space<vmem>>
    %dma_start3A_420 = arith.constant 0 : i32
    %dma_start3A_421 = arith.constant 0 : i32
    %dma_start3A_422 = tpu.memref_slice %arg4[%dma_start3A_420, %dma_start3A_421] : memref<1000000x32xf32, #tpu.memory_space<hbm>> -> memref<1000000x32xf32, #tpu.memory_space<hbm>>
    tpu.enqueue_indirect_dma source(%dma_start3A_422 : memref<1000000x32xf32, #tpu.memory_space<hbm>>) target(%dma_start3A_417 : memref<128x32xf32, #tpu.memory_space<vmem>>) offsets(%dma_start3A_419 : memref<128xi32, #tpu.memory_space<vmem>>) semaphore(%arg9 : memref<!tpu.dma_semaphore, #tpu.memory_space<semaphore_mem>>)
    %dma_start3A_423 = arith.constant 512 : i32
    %dma_start3A_424 = arith.constant 0 : i32
    %dma_start3A_425 = tpu.memref_slice %arg8[%dma_start3A_423, %dma_start3A_424] : memref<2560x32xf32, #tpu.memory_space<vmem>> -> memref<128x32xf32, #tpu.memory_space<vmem>>
    %dma_start3A_426 = arith.constant 3072 : i32
    %dma_start3A_427 = tpu.memref_slice %arg7[%dma_start3A_426] : memref<7040xi32, #tpu.memory_space<vmem>> -> memref<128xi32, #tpu.memory_space<vmem>>
    %dma_start3A_428 = arith.constant 0 : i32
    %dma_start3A_429 = arith.constant 0 : i32
    %dma_start3A_430 = tpu.memref_slice %arg4[%dma_start3A_428, %dma_start3A_429] : memref<1000000x32xf32, #tpu.memory_space<hbm>> -> memref<1000000x32xf32, #tpu.memory_space<hbm>>
    tpu.enqueue_indirect_dma source(%dma_start3A_430 : memref<1000000x32xf32, #tpu.memory_space<hbm>>) target(%dma_start3A_425 : memref<128x32xf32, #tpu.memory_space<vmem>>) offsets(%dma_start3A_427 : memref<128xi32, #tpu.memory_space<vmem>>) semaphore(%arg9 : memref<!tpu.dma_semaphore, #tpu.memory_space<semaphore_mem>>)
    %dma_start3A_431 = arith.constant 640 : i32
    %dma_start3A_432 = arith.constant 0 : i32
    %dma_start3A_433 = tpu.memref_slice %arg8[%dma_start3A_431, %dma_start3A_432] : memref<2560x32xf32, #tpu.memory_space<vmem>> -> memref<128x32xf32, #tpu.memory_space<vmem>>
    %dma_start3A_434 = arith.constant 3200 : i32
    %dma_start3A_435 = tpu.memref_slice %arg7[%dma_start3A_434] : memref<7040xi32, #tpu.memory_space<vmem>> -> memref<128xi32, #tpu.memory_space<vmem>>
    %dma_start3A_436 = arith.constant 0 : i32
    %dma_start3A_437 = arith.constant 0 : i32
    %dma_start3A_438 = tpu.memref_slice %arg4[%dma_start3A_436, %dma_start3A_437] : memref<1000000x32xf32, #tpu.memory_space<hbm>> -> memref<1000000x32xf32, #tpu.memory_space<hbm>>
    tpu.enqueue_indirect_dma source(%dma_start3A_438 : memref<1000000x32xf32, #tpu.memory_space<hbm>>) target(%dma_start3A_433 : memref<128x32xf32, #tpu.memory_space<vmem>>) offsets(%dma_start3A_435 : memref<128xi32, #tpu.memory_space<vmem>>) semaphore(%arg9 : memref<!tpu.dma_semaphore, #tpu.memory_space<semaphore_mem>>)
    %dma_start3A_439 = arith.constant 768 : i32
    %dma_start3A_440 = arith.constant 0 : i32
    %dma_start3A_441 = tpu.memref_slice %arg8[%dma_start3A_439, %dma_start3A_440] : memref<2560x32xf32, #tpu.memory_space<vmem>> -> memref<128x32xf32, #tpu.memory_space<vmem>>
    %dma_start3A_442 = arith.constant 3328 : i32
    %dma_start3A_443 = tpu.memref_slice %arg7[%dma_start3A_442] : memref<7040xi32, #tpu.memory_space<vmem>> -> memref<128xi32, #tpu.memory_space<vmem>>
    %dma_start3A_444 = arith.constant 0 : i32
    %dma_start3A_445 = arith.constant 0 : i32
    %dma_start3A_446 = tpu.memref_slice %arg4[%dma_start3A_444, %dma_start3A_445] : memref<1000000x32xf32, #tpu.memory_space<hbm>> -> memref<1000000x32xf32, #tpu.memory_space<hbm>>
    tpu.enqueue_indirect_dma source(%dma_start3A_446 : memref<1000000x32xf32, #tpu.memory_space<hbm>>) target(%dma_start3A_441 : memref<128x32xf32, #tpu.memory_space<vmem>>) offsets(%dma_start3A_443 : memref<128xi32, #tpu.memory_space<vmem>>) semaphore(%arg9 : memref<!tpu.dma_semaphore, #tpu.memory_space<semaphore_mem>>)
    %dma_start3A_447 = arith.constant 896 : i32
    %dma_start3A_448 = arith.constant 0 : i32
    %dma_start3A_449 = tpu.memref_slice %arg8[%dma_start3A_447, %dma_start3A_448] : memref<2560x32xf32, #tpu.memory_space<vmem>> -> memref<128x32xf32, #tpu.memory_space<vmem>>
    %dma_start3A_450 = arith.constant 3456 : i32
    %dma_start3A_451 = tpu.memref_slice %arg7[%dma_start3A_450] : memref<7040xi32, #tpu.memory_space<vmem>> -> memref<128xi32, #tpu.memory_space<vmem>>
    %dma_start3A_452 = arith.constant 0 : i32
    %dma_start3A_453 = arith.constant 0 : i32
    %dma_start3A_454 = tpu.memref_slice %arg4[%dma_start3A_452, %dma_start3A_453] : memref<1000000x32xf32, #tpu.memory_space<hbm>> -> memref<1000000x32xf32, #tpu.memory_space<hbm>>
    tpu.enqueue_indirect_dma source(%dma_start3A_454 : memref<1000000x32xf32, #tpu.memory_space<hbm>>) target(%dma_start3A_449 : memref<128x32xf32, #tpu.memory_space<vmem>>) offsets(%dma_start3A_451 : memref<128xi32, #tpu.memory_space<vmem>>) semaphore(%arg9 : memref<!tpu.dma_semaphore, #tpu.memory_space<semaphore_mem>>)
    %dma_start3A_455 = arith.constant 1024 : i32
    %dma_start3A_456 = arith.constant 0 : i32
    %dma_start3A_457 = tpu.memref_slice %arg8[%dma_start3A_455, %dma_start3A_456] : memref<2560x32xf32, #tpu.memory_space<vmem>> -> memref<128x32xf32, #tpu.memory_space<vmem>>
    %dma_start3A_458 = arith.constant 3584 : i32
    %dma_start3A_459 = tpu.memref_slice %arg7[%dma_start3A_458] : memref<7040xi32, #tpu.memory_space<vmem>> -> memref<128xi32, #tpu.memory_space<vmem>>
    %dma_start3A_460 = arith.constant 0 : i32
    %dma_start3A_461 = arith.constant 0 : i32
    %dma_start3A_462 = tpu.memref_slice %arg4[%dma_start3A_460, %dma_start3A_461] : memref<1000000x32xf32, #tpu.memory_space<hbm>> -> memref<1000000x32xf32, #tpu.memory_space<hbm>>
    tpu.enqueue_indirect_dma source(%dma_start3A_462 : memref<1000000x32xf32, #tpu.memory_space<hbm>>) target(%dma_start3A_457 : memref<128x32xf32, #tpu.memory_space<vmem>>) offsets(%dma_start3A_459 : memref<128xi32, #tpu.memory_space<vmem>>) semaphore(%arg9 : memref<!tpu.dma_semaphore, #tpu.memory_space<semaphore_mem>>)
    %dma_start3A_463 = arith.constant 1152 : i32
    %dma_start3A_464 = arith.constant 0 : i32
    %dma_start3A_465 = tpu.memref_slice %arg8[%dma_start3A_463, %dma_start3A_464] : memref<2560x32xf32, #tpu.memory_space<vmem>> -> memref<128x32xf32, #tpu.memory_space<vmem>>
    %dma_start3A_466 = arith.constant 3712 : i32
    %dma_start3A_467 = tpu.memref_slice %arg7[%dma_start3A_466] : memref<7040xi32, #tpu.memory_space<vmem>> -> memref<128xi32, #tpu.memory_space<vmem>>
    %dma_start3A_468 = arith.constant 0 : i32
    %dma_start3A_469 = arith.constant 0 : i32
    %dma_start3A_470 = tpu.memref_slice %arg4[%dma_start3A_468, %dma_start3A_469] : memref<1000000x32xf32, #tpu.memory_space<hbm>> -> memref<1000000x32xf32, #tpu.memory_space<hbm>>
    tpu.enqueue_indirect_dma source(%dma_start3A_470 : memref<1000000x32xf32, #tpu.memory_space<hbm>>) target(%dma_start3A_465 : memref<128x32xf32, #tpu.memory_space<vmem>>) offsets(%dma_start3A_467 : memref<128xi32, #tpu.memory_space<vmem>>) semaphore(%arg9 : memref<!tpu.dma_semaphore, #tpu.memory_space<semaphore_mem>>)
    %dma_wait3A_471 = arith.constant 0 : i32
    %dma_wait3A_472 = arith.constant 0 : i32
    %dma_wait3A_473 = tpu.memref_slice %arg8[%dma_wait3A_471, %dma_wait3A_472] : memref<2560x32xf32, #tpu.memory_space<vmem>> -> memref<128x32xf32, #tpu.memory_space<vmem>>
    %dma_wait3A_474 = arith.constant 2560 : i32
    %dma_wait3A_475 = tpu.memref_slice %arg7[%dma_wait3A_474] : memref<7040xi32, #tpu.memory_space<vmem>> -> memref<128xi32, #tpu.memory_space<vmem>>
    %dma_wait3A_476 = arith.constant 0 : i32
    %dma_wait3A_477 = arith.constant 0 : i32
    %dma_wait3A_478 = tpu.memref_slice %arg4[%dma_wait3A_476, %dma_wait3A_477] : memref<1000000x32xf32, #tpu.memory_space<hbm>> -> memref<1000000x32xf32, #tpu.memory_space<hbm>>
    tpu.wait_indirect_dma semaphore(%arg9 : memref<!tpu.dma_semaphore, #tpu.memory_space<semaphore_mem>>) src(%dma_wait3A_478 : memref<1000000x32xf32, #tpu.memory_space<hbm>>) dst(%dma_wait3A_473 : memref<128x32xf32, #tpu.memory_space<vmem>>)
    %dma_wait3A_479 = arith.constant 128 : i32
    %dma_wait3A_480 = arith.constant 0 : i32
    %dma_wait3A_481 = tpu.memref_slice %arg8[%dma_wait3A_479, %dma_wait3A_480] : memref<2560x32xf32, #tpu.memory_space<vmem>> -> memref<128x32xf32, #tpu.memory_space<vmem>>
    %dma_wait3A_482 = arith.constant 2688 : i32
    %dma_wait3A_483 = tpu.memref_slice %arg7[%dma_wait3A_482] : memref<7040xi32, #tpu.memory_space<vmem>> -> memref<128xi32, #tpu.memory_space<vmem>>
    %dma_wait3A_484 = arith.constant 0 : i32
    %dma_wait3A_485 = arith.constant 0 : i32
    %dma_wait3A_486 = tpu.memref_slice %arg4[%dma_wait3A_484, %dma_wait3A_485] : memref<1000000x32xf32, #tpu.memory_space<hbm>> -> memref<1000000x32xf32, #tpu.memory_space<hbm>>
    tpu.wait_indirect_dma semaphore(%arg9 : memref<!tpu.dma_semaphore, #tpu.memory_space<semaphore_mem>>) src(%dma_wait3A_486 : memref<1000000x32xf32, #tpu.memory_space<hbm>>) dst(%dma_wait3A_481 : memref<128x32xf32, #tpu.memory_space<vmem>>)
    %dma_wait3A_487 = arith.constant 256 : i32
    %dma_wait3A_488 = arith.constant 0 : i32
    %dma_wait3A_489 = tpu.memref_slice %arg8[%dma_wait3A_487, %dma_wait3A_488] : memref<2560x32xf32, #tpu.memory_space<vmem>> -> memref<128x32xf32, #tpu.memory_space<vmem>>
    %dma_wait3A_490 = arith.constant 2816 : i32
    %dma_wait3A_491 = tpu.memref_slice %arg7[%dma_wait3A_490] : memref<7040xi32, #tpu.memory_space<vmem>> -> memref<128xi32, #tpu.memory_space<vmem>>
    %dma_wait3A_492 = arith.constant 0 : i32
    %dma_wait3A_493 = arith.constant 0 : i32
    %dma_wait3A_494 = tpu.memref_slice %arg4[%dma_wait3A_492, %dma_wait3A_493] : memref<1000000x32xf32, #tpu.memory_space<hbm>> -> memref<1000000x32xf32, #tpu.memory_space<hbm>>
    tpu.wait_indirect_dma semaphore(%arg9 : memref<!tpu.dma_semaphore, #tpu.memory_space<semaphore_mem>>) src(%dma_wait3A_494 : memref<1000000x32xf32, #tpu.memory_space<hbm>>) dst(%dma_wait3A_489 : memref<128x32xf32, #tpu.memory_space<vmem>>)
    %dma_wait3A_495 = arith.constant 384 : i32
    %dma_wait3A_496 = arith.constant 0 : i32
    %dma_wait3A_497 = tpu.memref_slice %arg8[%dma_wait3A_495, %dma_wait3A_496] : memref<2560x32xf32, #tpu.memory_space<vmem>> -> memref<128x32xf32, #tpu.memory_space<vmem>>
    %dma_wait3A_498 = arith.constant 2944 : i32
    %dma_wait3A_499 = tpu.memref_slice %arg7[%dma_wait3A_498] : memref<7040xi32, #tpu.memory_space<vmem>> -> memref<128xi32, #tpu.memory_space<vmem>>
    %dma_wait3A_500 = arith.constant 0 : i32
    %dma_wait3A_501 = arith.constant 0 : i32
    %dma_wait3A_502 = tpu.memref_slice %arg4[%dma_wait3A_500, %dma_wait3A_501] : memref<1000000x32xf32, #tpu.memory_space<hbm>> -> memref<1000000x32xf32, #tpu.memory_space<hbm>>
    tpu.wait_indirect_dma semaphore(%arg9 : memref<!tpu.dma_semaphore, #tpu.memory_space<semaphore_mem>>) src(%dma_wait3A_502 : memref<1000000x32xf32, #tpu.memory_space<hbm>>) dst(%dma_wait3A_497 : memref<128x32xf32, #tpu.memory_space<vmem>>)
    %dma_wait3A_503 = arith.constant 512 : i32
    %dma_wait3A_504 = arith.constant 0 : i32
    %dma_wait3A_505 = tpu.memref_slice %arg8[%dma_wait3A_503, %dma_wait3A_504] : memref<2560x32xf32, #tpu.memory_space<vmem>> -> memref<128x32xf32, #tpu.memory_space<vmem>>
    %dma_wait3A_506 = arith.constant 3072 : i32
    %dma_wait3A_507 = tpu.memref_slice %arg7[%dma_wait3A_506] : memref<7040xi32, #tpu.memory_space<vmem>> -> memref<128xi32, #tpu.memory_space<vmem>>
    %dma_wait3A_508 = arith.constant 0 : i32
    %dma_wait3A_509 = arith.constant 0 : i32
    %dma_wait3A_510 = tpu.memref_slice %arg4[%dma_wait3A_508, %dma_wait3A_509] : memref<1000000x32xf32, #tpu.memory_space<hbm>> -> memref<1000000x32xf32, #tpu.memory_space<hbm>>
    tpu.wait_indirect_dma semaphore(%arg9 : memref<!tpu.dma_semaphore, #tpu.memory_space<semaphore_mem>>) src(%dma_wait3A_510 : memref<1000000x32xf32, #tpu.memory_space<hbm>>) dst(%dma_wait3A_505 : memref<128x32xf32, #tpu.memory_space<vmem>>)
    %dma_wait3A_511 = arith.constant 640 : i32
    %dma_wait3A_512 = arith.constant 0 : i32
    %dma_wait3A_513 = tpu.memref_slice %arg8[%dma_wait3A_511, %dma_wait3A_512] : memref<2560x32xf32, #tpu.memory_space<vmem>> -> memref<128x32xf32, #tpu.memory_space<vmem>>
    %dma_wait3A_514 = arith.constant 3200 : i32
    %dma_wait3A_515 = tpu.memref_slice %arg7[%dma_wait3A_514] : memref<7040xi32, #tpu.memory_space<vmem>> -> memref<128xi32, #tpu.memory_space<vmem>>
    %dma_wait3A_516 = arith.constant 0 : i32
    %dma_wait3A_517 = arith.constant 0 : i32
    %dma_wait3A_518 = tpu.memref_slice %arg4[%dma_wait3A_516, %dma_wait3A_517] : memref<1000000x32xf32, #tpu.memory_space<hbm>> -> memref<1000000x32xf32, #tpu.memory_space<hbm>>
    tpu.wait_indirect_dma semaphore(%arg9 : memref<!tpu.dma_semaphore, #tpu.memory_space<semaphore_mem>>) src(%dma_wait3A_518 : memref<1000000x32xf32, #tpu.memory_space<hbm>>) dst(%dma_wait3A_513 : memref<128x32xf32, #tpu.memory_space<vmem>>)
    %dma_wait3A_519 = arith.constant 768 : i32
    %dma_wait3A_520 = arith.constant 0 : i32
    %dma_wait3A_521 = tpu.memref_slice %arg8[%dma_wait3A_519, %dma_wait3A_520] : memref<2560x32xf32, #tpu.memory_space<vmem>> -> memref<128x32xf32, #tpu.memory_space<vmem>>
    %dma_wait3A_522 = arith.constant 3328 : i32
    %dma_wait3A_523 = tpu.memref_slice %arg7[%dma_wait3A_522] : memref<7040xi32, #tpu.memory_space<vmem>> -> memref<128xi32, #tpu.memory_space<vmem>>
    %dma_wait3A_524 = arith.constant 0 : i32
    %dma_wait3A_525 = arith.constant 0 : i32
    %dma_wait3A_526 = tpu.memref_slice %arg4[%dma_wait3A_524, %dma_wait3A_525] : memref<1000000x32xf32, #tpu.memory_space<hbm>> -> memref<1000000x32xf32, #tpu.memory_space<hbm>>
    tpu.wait_indirect_dma semaphore(%arg9 : memref<!tpu.dma_semaphore, #tpu.memory_space<semaphore_mem>>) src(%dma_wait3A_526 : memref<1000000x32xf32, #tpu.memory_space<hbm>>) dst(%dma_wait3A_521 : memref<128x32xf32, #tpu.memory_space<vmem>>)
    %dma_wait3A_527 = arith.constant 896 : i32
    %dma_wait3A_528 = arith.constant 0 : i32
    %dma_wait3A_529 = tpu.memref_slice %arg8[%dma_wait3A_527, %dma_wait3A_528] : memref<2560x32xf32, #tpu.memory_space<vmem>> -> memref<128x32xf32, #tpu.memory_space<vmem>>
    %dma_wait3A_530 = arith.constant 3456 : i32
    %dma_wait3A_531 = tpu.memref_slice %arg7[%dma_wait3A_530] : memref<7040xi32, #tpu.memory_space<vmem>> -> memref<128xi32, #tpu.memory_space<vmem>>
    %dma_wait3A_532 = arith.constant 0 : i32
    %dma_wait3A_533 = arith.constant 0 : i32
    %dma_wait3A_534 = tpu.memref_slice %arg4[%dma_wait3A_532, %dma_wait3A_533] : memref<1000000x32xf32, #tpu.memory_space<hbm>> -> memref<1000000x32xf32, #tpu.memory_space<hbm>>
    tpu.wait_indirect_dma semaphore(%arg9 : memref<!tpu.dma_semaphore, #tpu.memory_space<semaphore_mem>>) src(%dma_wait3A_534 : memref<1000000x32xf32, #tpu.memory_space<hbm>>) dst(%dma_wait3A_529 : memref<128x32xf32, #tpu.memory_space<vmem>>)
    %dma_wait3A_535 = arith.constant 1024 : i32
    %dma_wait3A_536 = arith.constant 0 : i32
    %dma_wait3A_537 = tpu.memref_slice %arg8[%dma_wait3A_535, %dma_wait3A_536] : memref<2560x32xf32, #tpu.memory_space<vmem>> -> memref<128x32xf32, #tpu.memory_space<vmem>>
    %dma_wait3A_538 = arith.constant 3584 : i32
    %dma_wait3A_539 = tpu.memref_slice %arg7[%dma_wait3A_538] : memref<7040xi32, #tpu.memory_space<vmem>> -> memref<128xi32, #tpu.memory_space<vmem>>
    %dma_wait3A_540 = arith.constant 0 : i32
    %dma_wait3A_541 = arith.constant 0 : i32
    %dma_wait3A_542 = tpu.memref_slice %arg4[%dma_wait3A_540, %dma_wait3A_541] : memref<1000000x32xf32, #tpu.memory_space<hbm>> -> memref<1000000x32xf32, #tpu.memory_space<hbm>>
    tpu.wait_indirect_dma semaphore(%arg9 : memref<!tpu.dma_semaphore, #tpu.memory_space<semaphore_mem>>) src(%dma_wait3A_542 : memref<1000000x32xf32, #tpu.memory_space<hbm>>) dst(%dma_wait3A_537 : memref<128x32xf32, #tpu.memory_space<vmem>>)
    %dma_wait3A_543 = arith.constant 1152 : i32
    %dma_wait3A_544 = arith.constant 0 : i32
    %dma_wait3A_545 = tpu.memref_slice %arg8[%dma_wait3A_543, %dma_wait3A_544] : memref<2560x32xf32, #tpu.memory_space<vmem>> -> memref<128x32xf32, #tpu.memory_space<vmem>>
    %dma_wait3A_546 = arith.constant 3712 : i32
    %dma_wait3A_547 = tpu.memref_slice %arg7[%dma_wait3A_546] : memref<7040xi32, #tpu.memory_space<vmem>> -> memref<128xi32, #tpu.memory_space<vmem>>
    %dma_wait3A_548 = arith.constant 0 : i32
    %dma_wait3A_549 = arith.constant 0 : i32
    %dma_wait3A_550 = tpu.memref_slice %arg4[%dma_wait3A_548, %dma_wait3A_549] : memref<1000000x32xf32, #tpu.memory_space<hbm>> -> memref<1000000x32xf32, #tpu.memory_space<hbm>>
    tpu.wait_indirect_dma semaphore(%arg9 : memref<!tpu.dma_semaphore, #tpu.memory_space<semaphore_mem>>) src(%dma_wait3A_550 : memref<1000000x32xf32, #tpu.memory_space<hbm>>) dst(%dma_wait3A_545 : memref<128x32xf32, #tpu.memory_space<vmem>>)
    %dma_start3A_551 = arith.constant 0 : i32
    %dma_start3A_552 = arith.constant 0 : i32
    %dma_start3A_553 = tpu.memref_slice %arg8[%dma_start3A_551, %dma_start3A_552] : memref<2560x32xf32, #tpu.memory_space<vmem>> -> memref<1280x32xf32, #tpu.memory_space<vmem>>
    %dma_start3A_554 = arith.constant 0 : i32
    %dma_start3A_555 = tpu.memref_slice %arg5[%add3A_26, %dma_start3A_554] : memref<204800x32xf32, #tpu.memory_space<hbm>> -> memref<1280x32xf32, #tpu.memory_space<hbm>>
    %dma_start3A_556 = arith.constant 0 : i32
    %dma_start3A_557 = tpu.memref_slice %arg5[%add3A_26, %dma_start3A_556] : memref<204800x32xf32, #tpu.memory_space<hbm>> -> memref<1280x32xf32, #tpu.memory_space<hbm>>
    %dma_start3A_558 = arith.constant 0 : i32
    %dma_start3A_559 = arith.constant 0 : i32
    %dma_start3A_560 = tpu.memref_slice %arg8[%dma_start3A_558, %dma_start3A_559] : memref<2560x32xf32, #tpu.memory_space<vmem>> -> memref<1280x32xf32, #tpu.memory_space<vmem>>
    tpu.enqueue_dma source(%dma_start3A_560 : memref<1280x32xf32, #tpu.memory_space<vmem>>) target(%dma_start3A_557 : memref<1280x32xf32, #tpu.memory_space<hbm>>) target_semaphore(%arg10 : memref<!tpu.dma_semaphore, #tpu.memory_space<semaphore_mem>>)
    %dma_wait3A_561 = arith.constant 1280 : i32
    %dma_wait3A_562 = arith.constant 0 : i32
    %dma_wait3A_563 = tpu.memref_slice %arg8[%dma_wait3A_561, %dma_wait3A_562] : memref<2560x32xf32, #tpu.memory_space<vmem>> -> memref<1280x32xf32, #tpu.memory_space<vmem>>
    %dma_wait3A_564 = arith.constant 0 : i32
    %dma_wait3A_565 = tpu.memref_slice %arg5[%add3A_20, %dma_wait3A_564] : memref<204800x32xf32, #tpu.memory_space<hbm>> -> memref<1280x32xf32, #tpu.memory_space<hbm>>
    %dma_wait3A_566 = arith.constant 0 : i32
    %dma_wait3A_567 = tpu.memref_slice %arg5[%add3A_20, %dma_wait3A_566] : memref<204800x32xf32, #tpu.memory_space<hbm>> -> memref<1280x32xf32, #tpu.memory_space<hbm>>
    %dma_wait3A_568 = arith.constant 1280 : i32
    %dma_wait3A_569 = arith.constant 0 : i32
    %dma_wait3A_570 = tpu.memref_slice %arg8[%dma_wait3A_568, %dma_wait3A_569] : memref<2560x32xf32, #tpu.memory_space<vmem>> -> memref<1280x32xf32, #tpu.memory_space<vmem>>
    tpu.wait_dma2 semaphore(%arg10 : memref<!tpu.dma_semaphore, #tpu.memory_space<semaphore_mem>>) src(%dma_wait3A_570 : memref<1280x32xf32, #tpu.memory_space<vmem>>) dst(%dma_wait3A_567 : memref<1280x32xf32, #tpu.memory_space<hbm>>)
    %dma_start3A_571 = arith.constant 1280 : i32
    %dma_start3A_572 = arith.constant 0 : i32
    %dma_start3A_573 = tpu.memref_slice %arg8[%dma_start3A_571, %dma_start3A_572] : memref<2560x32xf32, #tpu.memory_space<vmem>> -> memref<128x32xf32, #tpu.memory_space<vmem>>
    %dma_start3A_574 = arith.constant 3840 : i32
    %dma_start3A_575 = tpu.memref_slice %arg7[%dma_start3A_574] : memref<7040xi32, #tpu.memory_space<vmem>> -> memref<128xi32, #tpu.memory_space<vmem>>
    %dma_start3A_576 = arith.constant 0 : i32
    %dma_start3A_577 = arith.constant 0 : i32
    %dma_start3A_578 = tpu.memref_slice %arg4[%dma_start3A_576, %dma_start3A_577] : memref<1000000x32xf32, #tpu.memory_space<hbm>> -> memref<1000000x32xf32, #tpu.memory_space<hbm>>
    tpu.enqueue_indirect_dma source(%dma_start3A_578 : memref<1000000x32xf32, #tpu.memory_space<hbm>>) target(%dma_start3A_573 : memref<128x32xf32, #tpu.memory_space<vmem>>) offsets(%dma_start3A_575 : memref<128xi32, #tpu.memory_space<vmem>>) semaphore(%arg9 : memref<!tpu.dma_semaphore, #tpu.memory_space<semaphore_mem>>)
    %dma_start3A_579 = arith.constant 1408 : i32
    %dma_start3A_580 = arith.constant 0 : i32
    %dma_start3A_581 = tpu.memref_slice %arg8[%dma_start3A_579, %dma_start3A_580] : memref<2560x32xf32, #tpu.memory_space<vmem>> -> memref<128x32xf32, #tpu.memory_space<vmem>>
    %dma_start3A_582 = arith.constant 3968 : i32
    %dma_start3A_583 = tpu.memref_slice %arg7[%dma_start3A_582] : memref<7040xi32, #tpu.memory_space<vmem>> -> memref<128xi32, #tpu.memory_space<vmem>>
    %dma_start3A_584 = arith.constant 0 : i32
    %dma_start3A_585 = arith.constant 0 : i32
    %dma_start3A_586 = tpu.memref_slice %arg4[%dma_start3A_584, %dma_start3A_585] : memref<1000000x32xf32, #tpu.memory_space<hbm>> -> memref<1000000x32xf32, #tpu.memory_space<hbm>>
    tpu.enqueue_indirect_dma source(%dma_start3A_586 : memref<1000000x32xf32, #tpu.memory_space<hbm>>) target(%dma_start3A_581 : memref<128x32xf32, #tpu.memory_space<vmem>>) offsets(%dma_start3A_583 : memref<128xi32, #tpu.memory_space<vmem>>) semaphore(%arg9 : memref<!tpu.dma_semaphore, #tpu.memory_space<semaphore_mem>>)
    %dma_start3A_587 = arith.constant 1536 : i32
    %dma_start3A_588 = arith.constant 0 : i32
    %dma_start3A_589 = tpu.memref_slice %arg8[%dma_start3A_587, %dma_start3A_588] : memref<2560x32xf32, #tpu.memory_space<vmem>> -> memref<128x32xf32, #tpu.memory_space<vmem>>
    %dma_start3A_590 = arith.constant 4096 : i32
    %dma_start3A_591 = tpu.memref_slice %arg7[%dma_start3A_590] : memref<7040xi32, #tpu.memory_space<vmem>> -> memref<128xi32, #tpu.memory_space<vmem>>
    %dma_start3A_592 = arith.constant 0 : i32
    %dma_start3A_593 = arith.constant 0 : i32
    %dma_start3A_594 = tpu.memref_slice %arg4[%dma_start3A_592, %dma_start3A_593] : memref<1000000x32xf32, #tpu.memory_space<hbm>> -> memref<1000000x32xf32, #tpu.memory_space<hbm>>
    tpu.enqueue_indirect_dma source(%dma_start3A_594 : memref<1000000x32xf32, #tpu.memory_space<hbm>>) target(%dma_start3A_589 : memref<128x32xf32, #tpu.memory_space<vmem>>) offsets(%dma_start3A_591 : memref<128xi32, #tpu.memory_space<vmem>>) semaphore(%arg9 : memref<!tpu.dma_semaphore, #tpu.memory_space<semaphore_mem>>)
    %dma_start3A_595 = arith.constant 1664 : i32
    %dma_start3A_596 = arith.constant 0 : i32
    %dma_start3A_597 = tpu.memref_slice %arg8[%dma_start3A_595, %dma_start3A_596] : memref<2560x32xf32, #tpu.memory_space<vmem>> -> memref<128x32xf32, #tpu.memory_space<vmem>>
    %dma_start3A_598 = arith.constant 4224 : i32
    %dma_start3A_599 = tpu.memref_slice %arg7[%dma_start3A_598] : memref<7040xi32, #tpu.memory_space<vmem>> -> memref<128xi32, #tpu.memory_space<vmem>>
    %dma_start3A_600 = arith.constant 0 : i32
    %dma_start3A_601 = arith.constant 0 : i32
    %dma_start3A_602 = tpu.memref_slice %arg4[%dma_start3A_600, %dma_start3A_601] : memref<1000000x32xf32, #tpu.memory_space<hbm>> -> memref<1000000x32xf32, #tpu.memory_space<hbm>>
    tpu.enqueue_indirect_dma source(%dma_start3A_602 : memref<1000000x32xf32, #tpu.memory_space<hbm>>) target(%dma_start3A_597 : memref<128x32xf32, #tpu.memory_space<vmem>>) offsets(%dma_start3A_599 : memref<128xi32, #tpu.memory_space<vmem>>) semaphore(%arg9 : memref<!tpu.dma_semaphore, #tpu.memory_space<semaphore_mem>>)
    %dma_start3A_603 = arith.constant 1792 : i32
    %dma_start3A_604 = arith.constant 0 : i32
    %dma_start3A_605 = tpu.memref_slice %arg8[%dma_start3A_603, %dma_start3A_604] : memref<2560x32xf32, #tpu.memory_space<vmem>> -> memref<128x32xf32, #tpu.memory_space<vmem>>
    %dma_start3A_606 = arith.constant 4352 : i32
    %dma_start3A_607 = tpu.memref_slice %arg7[%dma_start3A_606] : memref<7040xi32, #tpu.memory_space<vmem>> -> memref<128xi32, #tpu.memory_space<vmem>>
    %dma_start3A_608 = arith.constant 0 : i32
    %dma_start3A_609 = arith.constant 0 : i32
    %dma_start3A_610 = tpu.memref_slice %arg4[%dma_start3A_608, %dma_start3A_609] : memref<1000000x32xf32, #tpu.memory_space<hbm>> -> memref<1000000x32xf32, #tpu.memory_space<hbm>>
    tpu.enqueue_indirect_dma source(%dma_start3A_610 : memref<1000000x32xf32, #tpu.memory_space<hbm>>) target(%dma_start3A_605 : memref<128x32xf32, #tpu.memory_space<vmem>>) offsets(%dma_start3A_607 : memref<128xi32, #tpu.memory_space<vmem>>) semaphore(%arg9 : memref<!tpu.dma_semaphore, #tpu.memory_space<semaphore_mem>>)
    %dma_start3A_611 = arith.constant 1920 : i32
    %dma_start3A_612 = arith.constant 0 : i32
    %dma_start3A_613 = tpu.memref_slice %arg8[%dma_start3A_611, %dma_start3A_612] : memref<2560x32xf32, #tpu.memory_space<vmem>> -> memref<128x32xf32, #tpu.memory_space<vmem>>
    %dma_start3A_614 = arith.constant 4480 : i32
    %dma_start3A_615 = tpu.memref_slice %arg7[%dma_start3A_614] : memref<7040xi32, #tpu.memory_space<vmem>> -> memref<128xi32, #tpu.memory_space<vmem>>
    %dma_start3A_616 = arith.constant 0 : i32
    %dma_start3A_617 = arith.constant 0 : i32
    %dma_start3A_618 = tpu.memref_slice %arg4[%dma_start3A_616, %dma_start3A_617] : memref<1000000x32xf32, #tpu.memory_space<hbm>> -> memref<1000000x32xf32, #tpu.memory_space<hbm>>
    tpu.enqueue_indirect_dma source(%dma_start3A_618 : memref<1000000x32xf32, #tpu.memory_space<hbm>>) target(%dma_start3A_613 : memref<128x32xf32, #tpu.memory_space<vmem>>) offsets(%dma_start3A_615 : memref<128xi32, #tpu.memory_space<vmem>>) semaphore(%arg9 : memref<!tpu.dma_semaphore, #tpu.memory_space<semaphore_mem>>)
    %dma_start3A_619 = arith.constant 2048 : i32
    %dma_start3A_620 = arith.constant 0 : i32
    %dma_start3A_621 = tpu.memref_slice %arg8[%dma_start3A_619, %dma_start3A_620] : memref<2560x32xf32, #tpu.memory_space<vmem>> -> memref<128x32xf32, #tpu.memory_space<vmem>>
    %dma_start3A_622 = arith.constant 4608 : i32
    %dma_start3A_623 = tpu.memref_slice %arg7[%dma_start3A_622] : memref<7040xi32, #tpu.memory_space<vmem>> -> memref<128xi32, #tpu.memory_space<vmem>>
    %dma_start3A_624 = arith.constant 0 : i32
    %dma_start3A_625 = arith.constant 0 : i32
    %dma_start3A_626 = tpu.memref_slice %arg4[%dma_start3A_624, %dma_start3A_625] : memref<1000000x32xf32, #tpu.memory_space<hbm>> -> memref<1000000x32xf32, #tpu.memory_space<hbm>>
    tpu.enqueue_indirect_dma source(%dma_start3A_626 : memref<1000000x32xf32, #tpu.memory_space<hbm>>) target(%dma_start3A_621 : memref<128x32xf32, #tpu.memory_space<vmem>>) offsets(%dma_start3A_623 : memref<128xi32, #tpu.memory_space<vmem>>) semaphore(%arg9 : memref<!tpu.dma_semaphore, #tpu.memory_space<semaphore_mem>>)
    %dma_start3A_627 = arith.constant 2176 : i32
    %dma_start3A_628 = arith.constant 0 : i32
    %dma_start3A_629 = tpu.memref_slice %arg8[%dma_start3A_627, %dma_start3A_628] : memref<2560x32xf32, #tpu.memory_space<vmem>> -> memref<128x32xf32, #tpu.memory_space<vmem>>
    %dma_start3A_630 = arith.constant 4736 : i32
    %dma_start3A_631 = tpu.memref_slice %arg7[%dma_start3A_630] : memref<7040xi32, #tpu.memory_space<vmem>> -> memref<128xi32, #tpu.memory_space<vmem>>
    %dma_start3A_632 = arith.constant 0 : i32
    %dma_start3A_633 = arith.constant 0 : i32
    %dma_start3A_634 = tpu.memref_slice %arg4[%dma_start3A_632, %dma_start3A_633] : memref<1000000x32xf32, #tpu.memory_space<hbm>> -> memref<1000000x32xf32, #tpu.memory_space<hbm>>
    tpu.enqueue_indirect_dma source(%dma_start3A_634 : memref<1000000x32xf32, #tpu.memory_space<hbm>>) target(%dma_start3A_629 : memref<128x32xf32, #tpu.memory_space<vmem>>) offsets(%dma_start3A_631 : memref<128xi32, #tpu.memory_space<vmem>>) semaphore(%arg9 : memref<!tpu.dma_semaphore, #tpu.memory_space<semaphore_mem>>)
    %dma_start3A_635 = arith.constant 2304 : i32
    %dma_start3A_636 = arith.constant 0 : i32
    %dma_start3A_637 = tpu.memref_slice %arg8[%dma_start3A_635, %dma_start3A_636] : memref<2560x32xf32, #tpu.memory_space<vmem>> -> memref<128x32xf32, #tpu.memory_space<vmem>>
    %dma_start3A_638 = arith.constant 4864 : i32
    %dma_start3A_639 = tpu.memref_slice %arg7[%dma_start3A_638] : memref<7040xi32, #tpu.memory_space<vmem>> -> memref<128xi32, #tpu.memory_space<vmem>>
    %dma_start3A_640 = arith.constant 0 : i32
    %dma_start3A_641 = arith.constant 0 : i32
    %dma_start3A_642 = tpu.memref_slice %arg4[%dma_start3A_640, %dma_start3A_641] : memref<1000000x32xf32, #tpu.memory_space<hbm>> -> memref<1000000x32xf32, #tpu.memory_space<hbm>>
    tpu.enqueue_indirect_dma source(%dma_start3A_642 : memref<1000000x32xf32, #tpu.memory_space<hbm>>) target(%dma_start3A_637 : memref<128x32xf32, #tpu.memory_space<vmem>>) offsets(%dma_start3A_639 : memref<128xi32, #tpu.memory_space<vmem>>) semaphore(%arg9 : memref<!tpu.dma_semaphore, #tpu.memory_space<semaphore_mem>>)
    %dma_start3A_643 = arith.constant 2432 : i32
    %dma_start3A_644 = arith.constant 0 : i32
    %dma_start3A_645 = tpu.memref_slice %arg8[%dma_start3A_643, %dma_start3A_644] : memref<2560x32xf32, #tpu.memory_space<vmem>> -> memref<128x32xf32, #tpu.memory_space<vmem>>
    %dma_start3A_646 = arith.constant 4992 : i32
    %dma_start3A_647 = tpu.memref_slice %arg7[%dma_start3A_646] : memref<7040xi32, #tpu.memory_space<vmem>> -> memref<128xi32, #tpu.memory_space<vmem>>
    %dma_start3A_648 = arith.constant 0 : i32
    %dma_start3A_649 = arith.constant 0 : i32
    %dma_start3A_650 = tpu.memref_slice %arg4[%dma_start3A_648, %dma_start3A_649] : memref<1000000x32xf32, #tpu.memory_space<hbm>> -> memref<1000000x32xf32, #tpu.memory_space<hbm>>
    tpu.enqueue_indirect_dma source(%dma_start3A_650 : memref<1000000x32xf32, #tpu.memory_space<hbm>>) target(%dma_start3A_645 : memref<128x32xf32, #tpu.memory_space<vmem>>) offsets(%dma_start3A_647 : memref<128xi32, #tpu.memory_space<vmem>>) semaphore(%arg9 : memref<!tpu.dma_semaphore, #tpu.memory_space<semaphore_mem>>)
    %dma_wait3A_651 = arith.constant 1280 : i32
    %dma_wait3A_652 = arith.constant 0 : i32
    %dma_wait3A_653 = tpu.memref_slice %arg8[%dma_wait3A_651, %dma_wait3A_652] : memref<2560x32xf32, #tpu.memory_space<vmem>> -> memref<128x32xf32, #tpu.memory_space<vmem>>
    %dma_wait3A_654 = arith.constant 3840 : i32
    %dma_wait3A_655 = tpu.memref_slice %arg7[%dma_wait3A_654] : memref<7040xi32, #tpu.memory_space<vmem>> -> memref<128xi32, #tpu.memory_space<vmem>>
    %dma_wait3A_656 = arith.constant 0 : i32
    %dma_wait3A_657 = arith.constant 0 : i32
    %dma_wait3A_658 = tpu.memref_slice %arg4[%dma_wait3A_656, %dma_wait3A_657] : memref<1000000x32xf32, #tpu.memory_space<hbm>> -> memref<1000000x32xf32, #tpu.memory_space<hbm>>
    tpu.wait_indirect_dma semaphore(%arg9 : memref<!tpu.dma_semaphore, #tpu.memory_space<semaphore_mem>>) src(%dma_wait3A_658 : memref<1000000x32xf32, #tpu.memory_space<hbm>>) dst(%dma_wait3A_653 : memref<128x32xf32, #tpu.memory_space<vmem>>)
    %dma_wait3A_659 = arith.constant 1408 : i32
    %dma_wait3A_660 = arith.constant 0 : i32
    %dma_wait3A_661 = tpu.memref_slice %arg8[%dma_wait3A_659, %dma_wait3A_660] : memref<2560x32xf32, #tpu.memory_space<vmem>> -> memref<128x32xf32, #tpu.memory_space<vmem>>
    %dma_wait3A_662 = arith.constant 3968 : i32
    %dma_wait3A_663 = tpu.memref_slice %arg7[%dma_wait3A_662] : memref<7040xi32, #tpu.memory_space<vmem>> -> memref<128xi32, #tpu.memory_space<vmem>>
    %dma_wait3A_664 = arith.constant 0 : i32
    %dma_wait3A_665 = arith.constant 0 : i32
    %dma_wait3A_666 = tpu.memref_slice %arg4[%dma_wait3A_664, %dma_wait3A_665] : memref<1000000x32xf32, #tpu.memory_space<hbm>> -> memref<1000000x32xf32, #tpu.memory_space<hbm>>
    tpu.wait_indirect_dma semaphore(%arg9 : memref<!tpu.dma_semaphore, #tpu.memory_space<semaphore_mem>>) src(%dma_wait3A_666 : memref<1000000x32xf32, #tpu.memory_space<hbm>>) dst(%dma_wait3A_661 : memref<128x32xf32, #tpu.memory_space<vmem>>)
    %dma_wait3A_667 = arith.constant 1536 : i32
    %dma_wait3A_668 = arith.constant 0 : i32
    %dma_wait3A_669 = tpu.memref_slice %arg8[%dma_wait3A_667, %dma_wait3A_668] : memref<2560x32xf32, #tpu.memory_space<vmem>> -> memref<128x32xf32, #tpu.memory_space<vmem>>
    %dma_wait3A_670 = arith.constant 4096 : i32
    %dma_wait3A_671 = tpu.memref_slice %arg7[%dma_wait3A_670] : memref<7040xi32, #tpu.memory_space<vmem>> -> memref<128xi32, #tpu.memory_space<vmem>>
    %dma_wait3A_672 = arith.constant 0 : i32
    %dma_wait3A_673 = arith.constant 0 : i32
    %dma_wait3A_674 = tpu.memref_slice %arg4[%dma_wait3A_672, %dma_wait3A_673] : memref<1000000x32xf32, #tpu.memory_space<hbm>> -> memref<1000000x32xf32, #tpu.memory_space<hbm>>
    tpu.wait_indirect_dma semaphore(%arg9 : memref<!tpu.dma_semaphore, #tpu.memory_space<semaphore_mem>>) src(%dma_wait3A_674 : memref<1000000x32xf32, #tpu.memory_space<hbm>>) dst(%dma_wait3A_669 : memref<128x32xf32, #tpu.memory_space<vmem>>)
    %dma_wait3A_675 = arith.constant 1664 : i32
    %dma_wait3A_676 = arith.constant 0 : i32
    %dma_wait3A_677 = tpu.memref_slice %arg8[%dma_wait3A_675, %dma_wait3A_676] : memref<2560x32xf32, #tpu.memory_space<vmem>> -> memref<128x32xf32, #tpu.memory_space<vmem>>
    %dma_wait3A_678 = arith.constant 4224 : i32
    %dma_wait3A_679 = tpu.memref_slice %arg7[%dma_wait3A_678] : memref<7040xi32, #tpu.memory_space<vmem>> -> memref<128xi32, #tpu.memory_space<vmem>>
    %dma_wait3A_680 = arith.constant 0 : i32
    %dma_wait3A_681 = arith.constant 0 : i32
    %dma_wait3A_682 = tpu.memref_slice %arg4[%dma_wait3A_680, %dma_wait3A_681] : memref<1000000x32xf32, #tpu.memory_space<hbm>> -> memref<1000000x32xf32, #tpu.memory_space<hbm>>
    tpu.wait_indirect_dma semaphore(%arg9 : memref<!tpu.dma_semaphore, #tpu.memory_space<semaphore_mem>>) src(%dma_wait3A_682 : memref<1000000x32xf32, #tpu.memory_space<hbm>>) dst(%dma_wait3A_677 : memref<128x32xf32, #tpu.memory_space<vmem>>)
    %dma_wait3A_683 = arith.constant 1792 : i32
    %dma_wait3A_684 = arith.constant 0 : i32
    %dma_wait3A_685 = tpu.memref_slice %arg8[%dma_wait3A_683, %dma_wait3A_684] : memref<2560x32xf32, #tpu.memory_space<vmem>> -> memref<128x32xf32, #tpu.memory_space<vmem>>
    %dma_wait3A_686 = arith.constant 4352 : i32
    %dma_wait3A_687 = tpu.memref_slice %arg7[%dma_wait3A_686] : memref<7040xi32, #tpu.memory_space<vmem>> -> memref<128xi32, #tpu.memory_space<vmem>>
    %dma_wait3A_688 = arith.constant 0 : i32
    %dma_wait3A_689 = arith.constant 0 : i32
    %dma_wait3A_690 = tpu.memref_slice %arg4[%dma_wait3A_688, %dma_wait3A_689] : memref<1000000x32xf32, #tpu.memory_space<hbm>> -> memref<1000000x32xf32, #tpu.memory_space<hbm>>
    tpu.wait_indirect_dma semaphore(%arg9 : memref<!tpu.dma_semaphore, #tpu.memory_space<semaphore_mem>>) src(%dma_wait3A_690 : memref<1000000x32xf32, #tpu.memory_space<hbm>>) dst(%dma_wait3A_685 : memref<128x32xf32, #tpu.memory_space<vmem>>)
    %dma_wait3A_691 = arith.constant 1920 : i32
    %dma_wait3A_692 = arith.constant 0 : i32
    %dma_wait3A_693 = tpu.memref_slice %arg8[%dma_wait3A_691, %dma_wait3A_692] : memref<2560x32xf32, #tpu.memory_space<vmem>> -> memref<128x32xf32, #tpu.memory_space<vmem>>
    %dma_wait3A_694 = arith.constant 4480 : i32
    %dma_wait3A_695 = tpu.memref_slice %arg7[%dma_wait3A_694] : memref<7040xi32, #tpu.memory_space<vmem>> -> memref<128xi32, #tpu.memory_space<vmem>>
    %dma_wait3A_696 = arith.constant 0 : i32
    %dma_wait3A_697 = arith.constant 0 : i32
    %dma_wait3A_698 = tpu.memref_slice %arg4[%dma_wait3A_696, %dma_wait3A_697] : memref<1000000x32xf32, #tpu.memory_space<hbm>> -> memref<1000000x32xf32, #tpu.memory_space<hbm>>
    tpu.wait_indirect_dma semaphore(%arg9 : memref<!tpu.dma_semaphore, #tpu.memory_space<semaphore_mem>>) src(%dma_wait3A_698 : memref<1000000x32xf32, #tpu.memory_space<hbm>>) dst(%dma_wait3A_693 : memref<128x32xf32, #tpu.memory_space<vmem>>)
    %dma_wait3A_699 = arith.constant 2048 : i32
    %dma_wait3A_700 = arith.constant 0 : i32
    %dma_wait3A_701 = tpu.memref_slice %arg8[%dma_wait3A_699, %dma_wait3A_700] : memref<2560x32xf32, #tpu.memory_space<vmem>> -> memref<128x32xf32, #tpu.memory_space<vmem>>
    %dma_wait3A_702 = arith.constant 4608 : i32
    %dma_wait3A_703 = tpu.memref_slice %arg7[%dma_wait3A_702] : memref<7040xi32, #tpu.memory_space<vmem>> -> memref<128xi32, #tpu.memory_space<vmem>>
    %dma_wait3A_704 = arith.constant 0 : i32
    %dma_wait3A_705 = arith.constant 0 : i32
    %dma_wait3A_706 = tpu.memref_slice %arg4[%dma_wait3A_704, %dma_wait3A_705] : memref<1000000x32xf32, #tpu.memory_space<hbm>> -> memref<1000000x32xf32, #tpu.memory_space<hbm>>
    tpu.wait_indirect_dma semaphore(%arg9 : memref<!tpu.dma_semaphore, #tpu.memory_space<semaphore_mem>>) src(%dma_wait3A_706 : memref<1000000x32xf32, #tpu.memory_space<hbm>>) dst(%dma_wait3A_701 : memref<128x32xf32, #tpu.memory_space<vmem>>)
    %dma_wait3A_707 = arith.constant 2176 : i32
    %dma_wait3A_708 = arith.constant 0 : i32
    %dma_wait3A_709 = tpu.memref_slice %arg8[%dma_wait3A_707, %dma_wait3A_708] : memref<2560x32xf32, #tpu.memory_space<vmem>> -> memref<128x32xf32, #tpu.memory_space<vmem>>
    %dma_wait3A_710 = arith.constant 4736 : i32
    %dma_wait3A_711 = tpu.memref_slice %arg7[%dma_wait3A_710] : memref<7040xi32, #tpu.memory_space<vmem>> -> memref<128xi32, #tpu.memory_space<vmem>>
    %dma_wait3A_712 = arith.constant 0 : i32
    %dma_wait3A_713 = arith.constant 0 : i32
    %dma_wait3A_714 = tpu.memref_slice %arg4[%dma_wait3A_712, %dma_wait3A_713] : memref<1000000x32xf32, #tpu.memory_space<hbm>> -> memref<1000000x32xf32, #tpu.memory_space<hbm>>
    tpu.wait_indirect_dma semaphore(%arg9 : memref<!tpu.dma_semaphore, #tpu.memory_space<semaphore_mem>>) src(%dma_wait3A_714 : memref<1000000x32xf32, #tpu.memory_space<hbm>>) dst(%dma_wait3A_709 : memref<128x32xf32, #tpu.memory_space<vmem>>)
    %dma_wait3A_715 = arith.constant 2304 : i32
    %dma_wait3A_716 = arith.constant 0 : i32
    %dma_wait3A_717 = tpu.memref_slice %arg8[%dma_wait3A_715, %dma_wait3A_716] : memref<2560x32xf32, #tpu.memory_space<vmem>> -> memref<128x32xf32, #tpu.memory_space<vmem>>
    %dma_wait3A_718 = arith.constant 4864 : i32
    %dma_wait3A_719 = tpu.memref_slice %arg7[%dma_wait3A_718] : memref<7040xi32, #tpu.memory_space<vmem>> -> memref<128xi32, #tpu.memory_space<vmem>>
    %dma_wait3A_720 = arith.constant 0 : i32
    %dma_wait3A_721 = arith.constant 0 : i32
    %dma_wait3A_722 = tpu.memref_slice %arg4[%dma_wait3A_720, %dma_wait3A_721] : memref<1000000x32xf32, #tpu.memory_space<hbm>> -> memref<1000000x32xf32, #tpu.memory_space<hbm>>
    tpu.wait_indirect_dma semaphore(%arg9 : memref<!tpu.dma_semaphore, #tpu.memory_space<semaphore_mem>>) src(%dma_wait3A_722 : memref<1000000x32xf32, #tpu.memory_space<hbm>>) dst(%dma_wait3A_717 : memref<128x32xf32, #tpu.memory_space<vmem>>)
    %dma_wait3A_723 = arith.constant 2432 : i32
    %dma_wait3A_724 = arith.constant 0 : i32
    %dma_wait3A_725 = tpu.memref_slice %arg8[%dma_wait3A_723, %dma_wait3A_724] : memref<2560x32xf32, #tpu.memory_space<vmem>> -> memref<128x32xf32, #tpu.memory_space<vmem>>
    %dma_wait3A_726 = arith.constant 4992 : i32
    %dma_wait3A_727 = tpu.memref_slice %arg7[%dma_wait3A_726] : memref<7040xi32, #tpu.memory_space<vmem>> -> memref<128xi32, #tpu.memory_space<vmem>>
    %dma_wait3A_728 = arith.constant 0 : i32
    %dma_wait3A_729 = arith.constant 0 : i32
    %dma_wait3A_730 = tpu.memref_slice %arg4[%dma_wait3A_728, %dma_wait3A_729] : memref<1000000x32xf32, #tpu.memory_space<hbm>> -> memref<1000000x32xf32, #tpu.memory_space<hbm>>
    tpu.wait_indirect_dma semaphore(%arg9 : memref<!tpu.dma_semaphore, #tpu.memory_space<semaphore_mem>>) src(%dma_wait3A_730 : memref<1000000x32xf32, #tpu.memory_space<hbm>>) dst(%dma_wait3A_725 : memref<128x32xf32, #tpu.memory_space<vmem>>)
    %dma_start3A_731 = arith.constant 1280 : i32
    %dma_start3A_732 = arith.constant 0 : i32
    %dma_start3A_733 = tpu.memref_slice %arg8[%dma_start3A_731, %dma_start3A_732] : memref<2560x32xf32, #tpu.memory_space<vmem>> -> memref<1280x32xf32, #tpu.memory_space<vmem>>
    %dma_start3A_734 = arith.constant 0 : i32
    %dma_start3A_735 = tpu.memref_slice %arg5[%add3A_32, %dma_start3A_734] : memref<204800x32xf32, #tpu.memory_space<hbm>> -> memref<1280x32xf32, #tpu.memory_space<hbm>>
    %dma_start3A_736 = arith.constant 0 : i32
    %dma_start3A_737 = tpu.memref_slice %arg5[%add3A_32, %dma_start3A_736] : memref<204800x32xf32, #tpu.memory_space<hbm>> -> memref<1280x32xf32, #tpu.memory_space<hbm>>
    %dma_start3A_738 = arith.constant 1280 : i32
    %dma_start3A_739 = arith.constant 0 : i32
    %dma_start3A_740 = tpu.memref_slice %arg8[%dma_start3A_738, %dma_start3A_739] : memref<2560x32xf32, #tpu.memory_space<vmem>> -> memref<1280x32xf32, #tpu.memory_space<vmem>>
    tpu.enqueue_dma source(%dma_start3A_740 : memref<1280x32xf32, #tpu.memory_space<vmem>>) target(%dma_start3A_737 : memref<1280x32xf32, #tpu.memory_space<hbm>>) target_semaphore(%arg10 : memref<!tpu.dma_semaphore, #tpu.memory_space<semaphore_mem>>)
    %dma_wait3A_741 = arith.constant 0 : i32
    %dma_wait3A_742 = arith.constant 0 : i32
    %dma_wait3A_743 = tpu.memref_slice %arg8[%dma_wait3A_741, %dma_wait3A_742] : memref<2560x32xf32, #tpu.memory_space<vmem>> -> memref<1280x32xf32, #tpu.memory_space<vmem>>
    %dma_wait3A_744 = arith.constant 0 : i32
    %dma_wait3A_745 = tpu.memref_slice %arg5[%add3A_26, %dma_wait3A_744] : memref<204800x32xf32, #tpu.memory_space<hbm>> -> memref<1280x32xf32, #tpu.memory_space<hbm>>
    %dma_wait3A_746 = arith.constant 0 : i32
    %dma_wait3A_747 = tpu.memref_slice %arg5[%add3A_26, %dma_wait3A_746] : memref<204800x32xf32, #tpu.memory_space<hbm>> -> memref<1280x32xf32, #tpu.memory_space<hbm>>
    %dma_wait3A_748 = arith.constant 0 : i32
    %dma_wait3A_749 = arith.constant 0 : i32
    %dma_wait3A_750 = tpu.memref_slice %arg8[%dma_wait3A_748, %dma_wait3A_749] : memref<2560x32xf32, #tpu.memory_space<vmem>> -> memref<1280x32xf32, #tpu.memory_space<vmem>>
    tpu.wait_dma2 semaphore(%arg10 : memref<!tpu.dma_semaphore, #tpu.memory_space<semaphore_mem>>) src(%dma_wait3A_750 : memref<1280x32xf32, #tpu.memory_space<vmem>>) dst(%dma_wait3A_747 : memref<1280x32xf32, #tpu.memory_space<hbm>>)
    %dma_start3A_751 = arith.constant 0 : i32
    %dma_start3A_752 = arith.constant 0 : i32
    %dma_start3A_753 = tpu.memref_slice %arg8[%dma_start3A_751, %dma_start3A_752] : memref<2560x32xf32, #tpu.memory_space<vmem>> -> memref<128x32xf32, #tpu.memory_space<vmem>>
    %dma_start3A_754 = arith.constant 5120 : i32
    %dma_start3A_755 = tpu.memref_slice %arg7[%dma_start3A_754] : memref<7040xi32, #tpu.memory_space<vmem>> -> memref<128xi32, #tpu.memory_space<vmem>>
    %dma_start3A_756 = arith.constant 0 : i32
    %dma_start3A_757 = arith.constant 0 : i32
    %dma_start3A_758 = tpu.memref_slice %arg4[%dma_start3A_756, %dma_start3A_757] : memref<1000000x32xf32, #tpu.memory_space<hbm>> -> memref<1000000x32xf32, #tpu.memory_space<hbm>>
    tpu.enqueue_indirect_dma source(%dma_start3A_758 : memref<1000000x32xf32, #tpu.memory_space<hbm>>) target(%dma_start3A_753 : memref<128x32xf32, #tpu.memory_space<vmem>>) offsets(%dma_start3A_755 : memref<128xi32, #tpu.memory_space<vmem>>) semaphore(%arg9 : memref<!tpu.dma_semaphore, #tpu.memory_space<semaphore_mem>>)
    %dma_start3A_759 = arith.constant 128 : i32
    %dma_start3A_760 = arith.constant 0 : i32
    %dma_start3A_761 = tpu.memref_slice %arg8[%dma_start3A_759, %dma_start3A_760] : memref<2560x32xf32, #tpu.memory_space<vmem>> -> memref<128x32xf32, #tpu.memory_space<vmem>>
    %dma_start3A_762 = arith.constant 5248 : i32
    %dma_start3A_763 = tpu.memref_slice %arg7[%dma_start3A_762] : memref<7040xi32, #tpu.memory_space<vmem>> -> memref<128xi32, #tpu.memory_space<vmem>>
    %dma_start3A_764 = arith.constant 0 : i32
    %dma_start3A_765 = arith.constant 0 : i32
    %dma_start3A_766 = tpu.memref_slice %arg4[%dma_start3A_764, %dma_start3A_765] : memref<1000000x32xf32, #tpu.memory_space<hbm>> -> memref<1000000x32xf32, #tpu.memory_space<hbm>>
    tpu.enqueue_indirect_dma source(%dma_start3A_766 : memref<1000000x32xf32, #tpu.memory_space<hbm>>) target(%dma_start3A_761 : memref<128x32xf32, #tpu.memory_space<vmem>>) offsets(%dma_start3A_763 : memref<128xi32, #tpu.memory_space<vmem>>) semaphore(%arg9 : memref<!tpu.dma_semaphore, #tpu.memory_space<semaphore_mem>>)
    %dma_start3A_767 = arith.constant 256 : i32
    %dma_start3A_768 = arith.constant 0 : i32
    %dma_start3A_769 = tpu.memref_slice %arg8[%dma_start3A_767, %dma_start3A_768] : memref<2560x32xf32, #tpu.memory_space<vmem>> -> memref<128x32xf32, #tpu.memory_space<vmem>>
    %dma_start3A_770 = arith.constant 5376 : i32
    %dma_start3A_771 = tpu.memref_slice %arg7[%dma_start3A_770] : memref<7040xi32, #tpu.memory_space<vmem>> -> memref<128xi32, #tpu.memory_space<vmem>>
    %dma_start3A_772 = arith.constant 0 : i32
    %dma_start3A_773 = arith.constant 0 : i32
    %dma_start3A_774 = tpu.memref_slice %arg4[%dma_start3A_772, %dma_start3A_773] : memref<1000000x32xf32, #tpu.memory_space<hbm>> -> memref<1000000x32xf32, #tpu.memory_space<hbm>>
    tpu.enqueue_indirect_dma source(%dma_start3A_774 : memref<1000000x32xf32, #tpu.memory_space<hbm>>) target(%dma_start3A_769 : memref<128x32xf32, #tpu.memory_space<vmem>>) offsets(%dma_start3A_771 : memref<128xi32, #tpu.memory_space<vmem>>) semaphore(%arg9 : memref<!tpu.dma_semaphore, #tpu.memory_space<semaphore_mem>>)
    %dma_start3A_775 = arith.constant 384 : i32
    %dma_start3A_776 = arith.constant 0 : i32
    %dma_start3A_777 = tpu.memref_slice %arg8[%dma_start3A_775, %dma_start3A_776] : memref<2560x32xf32, #tpu.memory_space<vmem>> -> memref<128x32xf32, #tpu.memory_space<vmem>>
    %dma_start3A_778 = arith.constant 5504 : i32
    %dma_start3A_779 = tpu.memref_slice %arg7[%dma_start3A_778] : memref<7040xi32, #tpu.memory_space<vmem>> -> memref<128xi32, #tpu.memory_space<vmem>>
    %dma_start3A_780 = arith.constant 0 : i32
    %dma_start3A_781 = arith.constant 0 : i32
    %dma_start3A_782 = tpu.memref_slice %arg4[%dma_start3A_780, %dma_start3A_781] : memref<1000000x32xf32, #tpu.memory_space<hbm>> -> memref<1000000x32xf32, #tpu.memory_space<hbm>>
    tpu.enqueue_indirect_dma source(%dma_start3A_782 : memref<1000000x32xf32, #tpu.memory_space<hbm>>) target(%dma_start3A_777 : memref<128x32xf32, #tpu.memory_space<vmem>>) offsets(%dma_start3A_779 : memref<128xi32, #tpu.memory_space<vmem>>) semaphore(%arg9 : memref<!tpu.dma_semaphore, #tpu.memory_space<semaphore_mem>>)
    %dma_start3A_783 = arith.constant 512 : i32
    %dma_start3A_784 = arith.constant 0 : i32
    %dma_start3A_785 = tpu.memref_slice %arg8[%dma_start3A_783, %dma_start3A_784] : memref<2560x32xf32, #tpu.memory_space<vmem>> -> memref<128x32xf32, #tpu.memory_space<vmem>>
    %dma_start3A_786 = arith.constant 5632 : i32
    %dma_start3A_787 = tpu.memref_slice %arg7[%dma_start3A_786] : memref<7040xi32, #tpu.memory_space<vmem>> -> memref<128xi32, #tpu.memory_space<vmem>>
    %dma_start3A_788 = arith.constant 0 : i32
    %dma_start3A_789 = arith.constant 0 : i32
    %dma_start3A_790 = tpu.memref_slice %arg4[%dma_start3A_788, %dma_start3A_789] : memref<1000000x32xf32, #tpu.memory_space<hbm>> -> memref<1000000x32xf32, #tpu.memory_space<hbm>>
    tpu.enqueue_indirect_dma source(%dma_start3A_790 : memref<1000000x32xf32, #tpu.memory_space<hbm>>) target(%dma_start3A_785 : memref<128x32xf32, #tpu.memory_space<vmem>>) offsets(%dma_start3A_787 : memref<128xi32, #tpu.memory_space<vmem>>) semaphore(%arg9 : memref<!tpu.dma_semaphore, #tpu.memory_space<semaphore_mem>>)
    %dma_start3A_791 = arith.constant 640 : i32
    %dma_start3A_792 = arith.constant 0 : i32
    %dma_start3A_793 = tpu.memref_slice %arg8[%dma_start3A_791, %dma_start3A_792] : memref<2560x32xf32, #tpu.memory_space<vmem>> -> memref<128x32xf32, #tpu.memory_space<vmem>>
    %dma_start3A_794 = arith.constant 5760 : i32
    %dma_start3A_795 = tpu.memref_slice %arg7[%dma_start3A_794] : memref<7040xi32, #tpu.memory_space<vmem>> -> memref<128xi32, #tpu.memory_space<vmem>>
    %dma_start3A_796 = arith.constant 0 : i32
    %dma_start3A_797 = arith.constant 0 : i32
    %dma_start3A_798 = tpu.memref_slice %arg4[%dma_start3A_796, %dma_start3A_797] : memref<1000000x32xf32, #tpu.memory_space<hbm>> -> memref<1000000x32xf32, #tpu.memory_space<hbm>>
    tpu.enqueue_indirect_dma source(%dma_start3A_798 : memref<1000000x32xf32, #tpu.memory_space<hbm>>) target(%dma_start3A_793 : memref<128x32xf32, #tpu.memory_space<vmem>>) offsets(%dma_start3A_795 : memref<128xi32, #tpu.memory_space<vmem>>) semaphore(%arg9 : memref<!tpu.dma_semaphore, #tpu.memory_space<semaphore_mem>>)
    %dma_start3A_799 = arith.constant 768 : i32
    %dma_start3A_800 = arith.constant 0 : i32
    %dma_start3A_801 = tpu.memref_slice %arg8[%dma_start3A_799, %dma_start3A_800] : memref<2560x32xf32, #tpu.memory_space<vmem>> -> memref<128x32xf32, #tpu.memory_space<vmem>>
    %dma_start3A_802 = arith.constant 5888 : i32
    %dma_start3A_803 = tpu.memref_slice %arg7[%dma_start3A_802] : memref<7040xi32, #tpu.memory_space<vmem>> -> memref<128xi32, #tpu.memory_space<vmem>>
    %dma_start3A_804 = arith.constant 0 : i32
    %dma_start3A_805 = arith.constant 0 : i32
    %dma_start3A_806 = tpu.memref_slice %arg4[%dma_start3A_804, %dma_start3A_805] : memref<1000000x32xf32, #tpu.memory_space<hbm>> -> memref<1000000x32xf32, #tpu.memory_space<hbm>>
    tpu.enqueue_indirect_dma source(%dma_start3A_806 : memref<1000000x32xf32, #tpu.memory_space<hbm>>) target(%dma_start3A_801 : memref<128x32xf32, #tpu.memory_space<vmem>>) offsets(%dma_start3A_803 : memref<128xi32, #tpu.memory_space<vmem>>) semaphore(%arg9 : memref<!tpu.dma_semaphore, #tpu.memory_space<semaphore_mem>>)
    %dma_start3A_807 = arith.constant 896 : i32
    %dma_start3A_808 = arith.constant 0 : i32
    %dma_start3A_809 = tpu.memref_slice %arg8[%dma_start3A_807, %dma_start3A_808] : memref<2560x32xf32, #tpu.memory_space<vmem>> -> memref<128x32xf32, #tpu.memory_space<vmem>>
    %dma_start3A_810 = arith.constant 6016 : i32
    %dma_start3A_811 = tpu.memref_slice %arg7[%dma_start3A_810] : memref<7040xi32, #tpu.memory_space<vmem>> -> memref<128xi32, #tpu.memory_space<vmem>>
    %dma_start3A_812 = arith.constant 0 : i32
    %dma_start3A_813 = arith.constant 0 : i32
    %dma_start3A_814 = tpu.memref_slice %arg4[%dma_start3A_812, %dma_start3A_813] : memref<1000000x32xf32, #tpu.memory_space<hbm>> -> memref<1000000x32xf32, #tpu.memory_space<hbm>>
    tpu.enqueue_indirect_dma source(%dma_start3A_814 : memref<1000000x32xf32, #tpu.memory_space<hbm>>) target(%dma_start3A_809 : memref<128x32xf32, #tpu.memory_space<vmem>>) offsets(%dma_start3A_811 : memref<128xi32, #tpu.memory_space<vmem>>) semaphore(%arg9 : memref<!tpu.dma_semaphore, #tpu.memory_space<semaphore_mem>>)
    %dma_start3A_815 = arith.constant 1024 : i32
    %dma_start3A_816 = arith.constant 0 : i32
    %dma_start3A_817 = tpu.memref_slice %arg8[%dma_start3A_815, %dma_start3A_816] : memref<2560x32xf32, #tpu.memory_space<vmem>> -> memref<128x32xf32, #tpu.memory_space<vmem>>
    %dma_start3A_818 = arith.constant 6144 : i32
    %dma_start3A_819 = tpu.memref_slice %arg7[%dma_start3A_818] : memref<7040xi32, #tpu.memory_space<vmem>> -> memref<128xi32, #tpu.memory_space<vmem>>
    %dma_start3A_820 = arith.constant 0 : i32
    %dma_start3A_821 = arith.constant 0 : i32
    %dma_start3A_822 = tpu.memref_slice %arg4[%dma_start3A_820, %dma_start3A_821] : memref<1000000x32xf32, #tpu.memory_space<hbm>> -> memref<1000000x32xf32, #tpu.memory_space<hbm>>
    tpu.enqueue_indirect_dma source(%dma_start3A_822 : memref<1000000x32xf32, #tpu.memory_space<hbm>>) target(%dma_start3A_817 : memref<128x32xf32, #tpu.memory_space<vmem>>) offsets(%dma_start3A_819 : memref<128xi32, #tpu.memory_space<vmem>>) semaphore(%arg9 : memref<!tpu.dma_semaphore, #tpu.memory_space<semaphore_mem>>)
    %dma_start3A_823 = arith.constant 1152 : i32
    %dma_start3A_824 = arith.constant 0 : i32
    %dma_start3A_825 = tpu.memref_slice %arg8[%dma_start3A_823, %dma_start3A_824] : memref<2560x32xf32, #tpu.memory_space<vmem>> -> memref<128x32xf32, #tpu.memory_space<vmem>>
    %dma_start3A_826 = arith.constant 6272 : i32
    %dma_start3A_827 = tpu.memref_slice %arg7[%dma_start3A_826] : memref<7040xi32, #tpu.memory_space<vmem>> -> memref<128xi32, #tpu.memory_space<vmem>>
    %dma_start3A_828 = arith.constant 0 : i32
    %dma_start3A_829 = arith.constant 0 : i32
    %dma_start3A_830 = tpu.memref_slice %arg4[%dma_start3A_828, %dma_start3A_829] : memref<1000000x32xf32, #tpu.memory_space<hbm>> -> memref<1000000x32xf32, #tpu.memory_space<hbm>>
    tpu.enqueue_indirect_dma source(%dma_start3A_830 : memref<1000000x32xf32, #tpu.memory_space<hbm>>) target(%dma_start3A_825 : memref<128x32xf32, #tpu.memory_space<vmem>>) offsets(%dma_start3A_827 : memref<128xi32, #tpu.memory_space<vmem>>) semaphore(%arg9 : memref<!tpu.dma_semaphore, #tpu.memory_space<semaphore_mem>>)
    %dma_wait3A_831 = arith.constant 0 : i32
    %dma_wait3A_832 = arith.constant 0 : i32
    %dma_wait3A_833 = tpu.memref_slice %arg8[%dma_wait3A_831, %dma_wait3A_832] : memref<2560x32xf32, #tpu.memory_space<vmem>> -> memref<128x32xf32, #tpu.memory_space<vmem>>
    %dma_wait3A_834 = arith.constant 5120 : i32
    %dma_wait3A_835 = tpu.memref_slice %arg7[%dma_wait3A_834] : memref<7040xi32, #tpu.memory_space<vmem>> -> memref<128xi32, #tpu.memory_space<vmem>>
    %dma_wait3A_836 = arith.constant 0 : i32
    %dma_wait3A_837 = arith.constant 0 : i32
    %dma_wait3A_838 = tpu.memref_slice %arg4[%dma_wait3A_836, %dma_wait3A_837] : memref<1000000x32xf32, #tpu.memory_space<hbm>> -> memref<1000000x32xf32, #tpu.memory_space<hbm>>
    tpu.wait_indirect_dma semaphore(%arg9 : memref<!tpu.dma_semaphore, #tpu.memory_space<semaphore_mem>>) src(%dma_wait3A_838 : memref<1000000x32xf32, #tpu.memory_space<hbm>>) dst(%dma_wait3A_833 : memref<128x32xf32, #tpu.memory_space<vmem>>)
    %dma_wait3A_839 = arith.constant 128 : i32
    %dma_wait3A_840 = arith.constant 0 : i32
    %dma_wait3A_841 = tpu.memref_slice %arg8[%dma_wait3A_839, %dma_wait3A_840] : memref<2560x32xf32, #tpu.memory_space<vmem>> -> memref<128x32xf32, #tpu.memory_space<vmem>>
    %dma_wait3A_842 = arith.constant 5248 : i32
    %dma_wait3A_843 = tpu.memref_slice %arg7[%dma_wait3A_842] : memref<7040xi32, #tpu.memory_space<vmem>> -> memref<128xi32, #tpu.memory_space<vmem>>
    %dma_wait3A_844 = arith.constant 0 : i32
    %dma_wait3A_845 = arith.constant 0 : i32
    %dma_wait3A_846 = tpu.memref_slice %arg4[%dma_wait3A_844, %dma_wait3A_845] : memref<1000000x32xf32, #tpu.memory_space<hbm>> -> memref<1000000x32xf32, #tpu.memory_space<hbm>>
    tpu.wait_indirect_dma semaphore(%arg9 : memref<!tpu.dma_semaphore, #tpu.memory_space<semaphore_mem>>) src(%dma_wait3A_846 : memref<1000000x32xf32, #tpu.memory_space<hbm>>) dst(%dma_wait3A_841 : memref<128x32xf32, #tpu.memory_space<vmem>>)
    %dma_wait3A_847 = arith.constant 256 : i32
    %dma_wait3A_848 = arith.constant 0 : i32
    %dma_wait3A_849 = tpu.memref_slice %arg8[%dma_wait3A_847, %dma_wait3A_848] : memref<2560x32xf32, #tpu.memory_space<vmem>> -> memref<128x32xf32, #tpu.memory_space<vmem>>
    %dma_wait3A_850 = arith.constant 5376 : i32
    %dma_wait3A_851 = tpu.memref_slice %arg7[%dma_wait3A_850] : memref<7040xi32, #tpu.memory_space<vmem>> -> memref<128xi32, #tpu.memory_space<vmem>>
    %dma_wait3A_852 = arith.constant 0 : i32
    %dma_wait3A_853 = arith.constant 0 : i32
    %dma_wait3A_854 = tpu.memref_slice %arg4[%dma_wait3A_852, %dma_wait3A_853] : memref<1000000x32xf32, #tpu.memory_space<hbm>> -> memref<1000000x32xf32, #tpu.memory_space<hbm>>
    tpu.wait_indirect_dma semaphore(%arg9 : memref<!tpu.dma_semaphore, #tpu.memory_space<semaphore_mem>>) src(%dma_wait3A_854 : memref<1000000x32xf32, #tpu.memory_space<hbm>>) dst(%dma_wait3A_849 : memref<128x32xf32, #tpu.memory_space<vmem>>)
    %dma_wait3A_855 = arith.constant 384 : i32
    %dma_wait3A_856 = arith.constant 0 : i32
    %dma_wait3A_857 = tpu.memref_slice %arg8[%dma_wait3A_855, %dma_wait3A_856] : memref<2560x32xf32, #tpu.memory_space<vmem>> -> memref<128x32xf32, #tpu.memory_space<vmem>>
    %dma_wait3A_858 = arith.constant 5504 : i32
    %dma_wait3A_859 = tpu.memref_slice %arg7[%dma_wait3A_858] : memref<7040xi32, #tpu.memory_space<vmem>> -> memref<128xi32, #tpu.memory_space<vmem>>
    %dma_wait3A_860 = arith.constant 0 : i32
    %dma_wait3A_861 = arith.constant 0 : i32
    %dma_wait3A_862 = tpu.memref_slice %arg4[%dma_wait3A_860, %dma_wait3A_861] : memref<1000000x32xf32, #tpu.memory_space<hbm>> -> memref<1000000x32xf32, #tpu.memory_space<hbm>>
    tpu.wait_indirect_dma semaphore(%arg9 : memref<!tpu.dma_semaphore, #tpu.memory_space<semaphore_mem>>) src(%dma_wait3A_862 : memref<1000000x32xf32, #tpu.memory_space<hbm>>) dst(%dma_wait3A_857 : memref<128x32xf32, #tpu.memory_space<vmem>>)
    %dma_wait3A_863 = arith.constant 512 : i32
    %dma_wait3A_864 = arith.constant 0 : i32
    %dma_wait3A_865 = tpu.memref_slice %arg8[%dma_wait3A_863, %dma_wait3A_864] : memref<2560x32xf32, #tpu.memory_space<vmem>> -> memref<128x32xf32, #tpu.memory_space<vmem>>
    %dma_wait3A_866 = arith.constant 5632 : i32
    %dma_wait3A_867 = tpu.memref_slice %arg7[%dma_wait3A_866] : memref<7040xi32, #tpu.memory_space<vmem>> -> memref<128xi32, #tpu.memory_space<vmem>>
    %dma_wait3A_868 = arith.constant 0 : i32
    %dma_wait3A_869 = arith.constant 0 : i32
    %dma_wait3A_870 = tpu.memref_slice %arg4[%dma_wait3A_868, %dma_wait3A_869] : memref<1000000x32xf32, #tpu.memory_space<hbm>> -> memref<1000000x32xf32, #tpu.memory_space<hbm>>
    tpu.wait_indirect_dma semaphore(%arg9 : memref<!tpu.dma_semaphore, #tpu.memory_space<semaphore_mem>>) src(%dma_wait3A_870 : memref<1000000x32xf32, #tpu.memory_space<hbm>>) dst(%dma_wait3A_865 : memref<128x32xf32, #tpu.memory_space<vmem>>)
    %dma_wait3A_871 = arith.constant 640 : i32
    %dma_wait3A_872 = arith.constant 0 : i32
    %dma_wait3A_873 = tpu.memref_slice %arg8[%dma_wait3A_871, %dma_wait3A_872] : memref<2560x32xf32, #tpu.memory_space<vmem>> -> memref<128x32xf32, #tpu.memory_space<vmem>>
    %dma_wait3A_874 = arith.constant 5760 : i32
    %dma_wait3A_875 = tpu.memref_slice %arg7[%dma_wait3A_874] : memref<7040xi32, #tpu.memory_space<vmem>> -> memref<128xi32, #tpu.memory_space<vmem>>
    %dma_wait3A_876 = arith.constant 0 : i32
    %dma_wait3A_877 = arith.constant 0 : i32
    %dma_wait3A_878 = tpu.memref_slice %arg4[%dma_wait3A_876, %dma_wait3A_877] : memref<1000000x32xf32, #tpu.memory_space<hbm>> -> memref<1000000x32xf32, #tpu.memory_space<hbm>>
    tpu.wait_indirect_dma semaphore(%arg9 : memref<!tpu.dma_semaphore, #tpu.memory_space<semaphore_mem>>) src(%dma_wait3A_878 : memref<1000000x32xf32, #tpu.memory_space<hbm>>) dst(%dma_wait3A_873 : memref<128x32xf32, #tpu.memory_space<vmem>>)
    %dma_wait3A_879 = arith.constant 768 : i32
    %dma_wait3A_880 = arith.constant 0 : i32
    %dma_wait3A_881 = tpu.memref_slice %arg8[%dma_wait3A_879, %dma_wait3A_880] : memref<2560x32xf32, #tpu.memory_space<vmem>> -> memref<128x32xf32, #tpu.memory_space<vmem>>
    %dma_wait3A_882 = arith.constant 5888 : i32
    %dma_wait3A_883 = tpu.memref_slice %arg7[%dma_wait3A_882] : memref<7040xi32, #tpu.memory_space<vmem>> -> memref<128xi32, #tpu.memory_space<vmem>>
    %dma_wait3A_884 = arith.constant 0 : i32
    %dma_wait3A_885 = arith.constant 0 : i32
    %dma_wait3A_886 = tpu.memref_slice %arg4[%dma_wait3A_884, %dma_wait3A_885] : memref<1000000x32xf32, #tpu.memory_space<hbm>> -> memref<1000000x32xf32, #tpu.memory_space<hbm>>
    tpu.wait_indirect_dma semaphore(%arg9 : memref<!tpu.dma_semaphore, #tpu.memory_space<semaphore_mem>>) src(%dma_wait3A_886 : memref<1000000x32xf32, #tpu.memory_space<hbm>>) dst(%dma_wait3A_881 : memref<128x32xf32, #tpu.memory_space<vmem>>)
    %dma_wait3A_887 = arith.constant 896 : i32
    %dma_wait3A_888 = arith.constant 0 : i32
    %dma_wait3A_889 = tpu.memref_slice %arg8[%dma_wait3A_887, %dma_wait3A_888] : memref<2560x32xf32, #tpu.memory_space<vmem>> -> memref<128x32xf32, #tpu.memory_space<vmem>>
    %dma_wait3A_890 = arith.constant 6016 : i32
    %dma_wait3A_891 = tpu.memref_slice %arg7[%dma_wait3A_890] : memref<7040xi32, #tpu.memory_space<vmem>> -> memref<128xi32, #tpu.memory_space<vmem>>
    %dma_wait3A_892 = arith.constant 0 : i32
    %dma_wait3A_893 = arith.constant 0 : i32
    %dma_wait3A_894 = tpu.memref_slice %arg4[%dma_wait3A_892, %dma_wait3A_893] : memref<1000000x32xf32, #tpu.memory_space<hbm>> -> memref<1000000x32xf32, #tpu.memory_space<hbm>>
    tpu.wait_indirect_dma semaphore(%arg9 : memref<!tpu.dma_semaphore, #tpu.memory_space<semaphore_mem>>) src(%dma_wait3A_894 : memref<1000000x32xf32, #tpu.memory_space<hbm>>) dst(%dma_wait3A_889 : memref<128x32xf32, #tpu.memory_space<vmem>>)
    %dma_wait3A_895 = arith.constant 1024 : i32
    %dma_wait3A_896 = arith.constant 0 : i32
    %dma_wait3A_897 = tpu.memref_slice %arg8[%dma_wait3A_895, %dma_wait3A_896] : memref<2560x32xf32, #tpu.memory_space<vmem>> -> memref<128x32xf32, #tpu.memory_space<vmem>>
    %dma_wait3A_898 = arith.constant 6144 : i32
    %dma_wait3A_899 = tpu.memref_slice %arg7[%dma_wait3A_898] : memref<7040xi32, #tpu.memory_space<vmem>> -> memref<128xi32, #tpu.memory_space<vmem>>
    %dma_wait3A_900 = arith.constant 0 : i32
    %dma_wait3A_901 = arith.constant 0 : i32
    %dma_wait3A_902 = tpu.memref_slice %arg4[%dma_wait3A_900, %dma_wait3A_901] : memref<1000000x32xf32, #tpu.memory_space<hbm>> -> memref<1000000x32xf32, #tpu.memory_space<hbm>>
    tpu.wait_indirect_dma semaphore(%arg9 : memref<!tpu.dma_semaphore, #tpu.memory_space<semaphore_mem>>) src(%dma_wait3A_902 : memref<1000000x32xf32, #tpu.memory_space<hbm>>) dst(%dma_wait3A_897 : memref<128x32xf32, #tpu.memory_space<vmem>>)
    %dma_wait3A_903 = arith.constant 1152 : i32
    %dma_wait3A_904 = arith.constant 0 : i32
    %dma_wait3A_905 = tpu.memref_slice %arg8[%dma_wait3A_903, %dma_wait3A_904] : memref<2560x32xf32, #tpu.memory_space<vmem>> -> memref<128x32xf32, #tpu.memory_space<vmem>>
    %dma_wait3A_906 = arith.constant 6272 : i32
    %dma_wait3A_907 = tpu.memref_slice %arg7[%dma_wait3A_906] : memref<7040xi32, #tpu.memory_space<vmem>> -> memref<128xi32, #tpu.memory_space<vmem>>
    %dma_wait3A_908 = arith.constant 0 : i32
    %dma_wait3A_909 = arith.constant 0 : i32
    %dma_wait3A_910 = tpu.memref_slice %arg4[%dma_wait3A_908, %dma_wait3A_909] : memref<1000000x32xf32, #tpu.memory_space<hbm>> -> memref<1000000x32xf32, #tpu.memory_space<hbm>>
    tpu.wait_indirect_dma semaphore(%arg9 : memref<!tpu.dma_semaphore, #tpu.memory_space<semaphore_mem>>) src(%dma_wait3A_910 : memref<1000000x32xf32, #tpu.memory_space<hbm>>) dst(%dma_wait3A_905 : memref<128x32xf32, #tpu.memory_space<vmem>>)
    %dma_start3A_911 = arith.constant 0 : i32
    %dma_start3A_912 = arith.constant 0 : i32
    %dma_start3A_913 = tpu.memref_slice %arg8[%dma_start3A_911, %dma_start3A_912] : memref<2560x32xf32, #tpu.memory_space<vmem>> -> memref<1280x32xf32, #tpu.memory_space<vmem>>
    %dma_start3A_914 = arith.constant 0 : i32
    %dma_start3A_915 = tpu.memref_slice %arg5[%add3A_38, %dma_start3A_914] : memref<204800x32xf32, #tpu.memory_space<hbm>> -> memref<1280x32xf32, #tpu.memory_space<hbm>>
    %dma_start3A_916 = arith.constant 0 : i32
    %dma_start3A_917 = tpu.memref_slice %arg5[%add3A_38, %dma_start3A_916] : memref<204800x32xf32, #tpu.memory_space<hbm>> -> memref<1280x32xf32, #tpu.memory_space<hbm>>
    %dma_start3A_918 = arith.constant 0 : i32
    %dma_start3A_919 = arith.constant 0 : i32
    %dma_start3A_920 = tpu.memref_slice %arg8[%dma_start3A_918, %dma_start3A_919] : memref<2560x32xf32, #tpu.memory_space<vmem>> -> memref<1280x32xf32, #tpu.memory_space<vmem>>
    tpu.enqueue_dma source(%dma_start3A_920 : memref<1280x32xf32, #tpu.memory_space<vmem>>) target(%dma_start3A_917 : memref<1280x32xf32, #tpu.memory_space<hbm>>) target_semaphore(%arg10 : memref<!tpu.dma_semaphore, #tpu.memory_space<semaphore_mem>>)
    %dma_wait3A_921 = arith.constant 1280 : i32
    %dma_wait3A_922 = arith.constant 0 : i32
    %dma_wait3A_923 = tpu.memref_slice %arg8[%dma_wait3A_921, %dma_wait3A_922] : memref<2560x32xf32, #tpu.memory_space<vmem>> -> memref<1280x32xf32, #tpu.memory_space<vmem>>
    %dma_wait3A_924 = arith.constant 0 : i32
    %dma_wait3A_925 = tpu.memref_slice %arg5[%add3A_32, %dma_wait3A_924] : memref<204800x32xf32, #tpu.memory_space<hbm>> -> memref<1280x32xf32, #tpu.memory_space<hbm>>
    %dma_wait3A_926 = arith.constant 0 : i32
    %dma_wait3A_927 = tpu.memref_slice %arg5[%add3A_32, %dma_wait3A_926] : memref<204800x32xf32, #tpu.memory_space<hbm>> -> memref<1280x32xf32, #tpu.memory_space<hbm>>
    %dma_wait3A_928 = arith.constant 1280 : i32
    %dma_wait3A_929 = arith.constant 0 : i32
    %dma_wait3A_930 = tpu.memref_slice %arg8[%dma_wait3A_928, %dma_wait3A_929] : memref<2560x32xf32, #tpu.memory_space<vmem>> -> memref<1280x32xf32, #tpu.memory_space<vmem>>
    tpu.wait_dma2 semaphore(%arg10 : memref<!tpu.dma_semaphore, #tpu.memory_space<semaphore_mem>>) src(%dma_wait3A_930 : memref<1280x32xf32, #tpu.memory_space<vmem>>) dst(%dma_wait3A_927 : memref<1280x32xf32, #tpu.memory_space<hbm>>)
    %dma_start3A_931 = arith.constant 1280 : i32
    %dma_start3A_932 = arith.constant 0 : i32
    %dma_start3A_933 = tpu.memref_slice %arg8[%dma_start3A_931, %dma_start3A_932] : memref<2560x32xf32, #tpu.memory_space<vmem>> -> memref<128x32xf32, #tpu.memory_space<vmem>>
    %dma_start3A_934 = arith.constant 6400 : i32
    %dma_start3A_935 = tpu.memref_slice %arg7[%dma_start3A_934] : memref<7040xi32, #tpu.memory_space<vmem>> -> memref<128xi32, #tpu.memory_space<vmem>>
    %dma_start3A_936 = arith.constant 0 : i32
    %dma_start3A_937 = arith.constant 0 : i32
    %dma_start3A_938 = tpu.memref_slice %arg4[%dma_start3A_936, %dma_start3A_937] : memref<1000000x32xf32, #tpu.memory_space<hbm>> -> memref<1000000x32xf32, #tpu.memory_space<hbm>>
    tpu.enqueue_indirect_dma source(%dma_start3A_938 : memref<1000000x32xf32, #tpu.memory_space<hbm>>) target(%dma_start3A_933 : memref<128x32xf32, #tpu.memory_space<vmem>>) offsets(%dma_start3A_935 : memref<128xi32, #tpu.memory_space<vmem>>) semaphore(%arg9 : memref<!tpu.dma_semaphore, #tpu.memory_space<semaphore_mem>>)
    %dma_start3A_939 = arith.constant 1408 : i32
    %dma_start3A_940 = arith.constant 0 : i32
    %dma_start3A_941 = tpu.memref_slice %arg8[%dma_start3A_939, %dma_start3A_940] : memref<2560x32xf32, #tpu.memory_space<vmem>> -> memref<128x32xf32, #tpu.memory_space<vmem>>
    %dma_start3A_942 = arith.constant 6528 : i32
    %dma_start3A_943 = tpu.memref_slice %arg7[%dma_start3A_942] : memref<7040xi32, #tpu.memory_space<vmem>> -> memref<128xi32, #tpu.memory_space<vmem>>
    %dma_start3A_944 = arith.constant 0 : i32
    %dma_start3A_945 = arith.constant 0 : i32
    %dma_start3A_946 = tpu.memref_slice %arg4[%dma_start3A_944, %dma_start3A_945] : memref<1000000x32xf32, #tpu.memory_space<hbm>> -> memref<1000000x32xf32, #tpu.memory_space<hbm>>
    tpu.enqueue_indirect_dma source(%dma_start3A_946 : memref<1000000x32xf32, #tpu.memory_space<hbm>>) target(%dma_start3A_941 : memref<128x32xf32, #tpu.memory_space<vmem>>) offsets(%dma_start3A_943 : memref<128xi32, #tpu.memory_space<vmem>>) semaphore(%arg9 : memref<!tpu.dma_semaphore, #tpu.memory_space<semaphore_mem>>)
    %dma_start3A_947 = arith.constant 1536 : i32
    %dma_start3A_948 = arith.constant 0 : i32
    %dma_start3A_949 = tpu.memref_slice %arg8[%dma_start3A_947, %dma_start3A_948] : memref<2560x32xf32, #tpu.memory_space<vmem>> -> memref<128x32xf32, #tpu.memory_space<vmem>>
    %dma_start3A_950 = arith.constant 6656 : i32
    %dma_start3A_951 = tpu.memref_slice %arg7[%dma_start3A_950] : memref<7040xi32, #tpu.memory_space<vmem>> -> memref<128xi32, #tpu.memory_space<vmem>>
    %dma_start3A_952 = arith.constant 0 : i32
    %dma_start3A_953 = arith.constant 0 : i32
    %dma_start3A_954 = tpu.memref_slice %arg4[%dma_start3A_952, %dma_start3A_953] : memref<1000000x32xf32, #tpu.memory_space<hbm>> -> memref<1000000x32xf32, #tpu.memory_space<hbm>>
    tpu.enqueue_indirect_dma source(%dma_start3A_954 : memref<1000000x32xf32, #tpu.memory_space<hbm>>) target(%dma_start3A_949 : memref<128x32xf32, #tpu.memory_space<vmem>>) offsets(%dma_start3A_951 : memref<128xi32, #tpu.memory_space<vmem>>) semaphore(%arg9 : memref<!tpu.dma_semaphore, #tpu.memory_space<semaphore_mem>>)
    %dma_start3A_955 = arith.constant 1664 : i32
    %dma_start3A_956 = arith.constant 0 : i32
    %dma_start3A_957 = tpu.memref_slice %arg8[%dma_start3A_955, %dma_start3A_956] : memref<2560x32xf32, #tpu.memory_space<vmem>> -> memref<128x32xf32, #tpu.memory_space<vmem>>
    %dma_start3A_958 = arith.constant 6784 : i32
    %dma_start3A_959 = tpu.memref_slice %arg7[%dma_start3A_958] : memref<7040xi32, #tpu.memory_space<vmem>> -> memref<128xi32, #tpu.memory_space<vmem>>
    %dma_start3A_960 = arith.constant 0 : i32
    %dma_start3A_961 = arith.constant 0 : i32
    %dma_start3A_962 = tpu.memref_slice %arg4[%dma_start3A_960, %dma_start3A_961] : memref<1000000x32xf32, #tpu.memory_space<hbm>> -> memref<1000000x32xf32, #tpu.memory_space<hbm>>
    tpu.enqueue_indirect_dma source(%dma_start3A_962 : memref<1000000x32xf32, #tpu.memory_space<hbm>>) target(%dma_start3A_957 : memref<128x32xf32, #tpu.memory_space<vmem>>) offsets(%dma_start3A_959 : memref<128xi32, #tpu.memory_space<vmem>>) semaphore(%arg9 : memref<!tpu.dma_semaphore, #tpu.memory_space<semaphore_mem>>)
    %dma_start3A_963 = arith.constant 1792 : i32
    %dma_start3A_964 = arith.constant 0 : i32
    %dma_start3A_965 = tpu.memref_slice %arg8[%dma_start3A_963, %dma_start3A_964] : memref<2560x32xf32, #tpu.memory_space<vmem>> -> memref<128x32xf32, #tpu.memory_space<vmem>>
    %dma_start3A_966 = arith.constant 6912 : i32
    %dma_start3A_967 = tpu.memref_slice %arg7[%dma_start3A_966] : memref<7040xi32, #tpu.memory_space<vmem>> -> memref<128xi32, #tpu.memory_space<vmem>>
    %dma_start3A_968 = arith.constant 0 : i32
    %dma_start3A_969 = arith.constant 0 : i32
    %dma_start3A_970 = tpu.memref_slice %arg4[%dma_start3A_968, %dma_start3A_969] : memref<1000000x32xf32, #tpu.memory_space<hbm>> -> memref<1000000x32xf32, #tpu.memory_space<hbm>>
    tpu.enqueue_indirect_dma source(%dma_start3A_970 : memref<1000000x32xf32, #tpu.memory_space<hbm>>) target(%dma_start3A_965 : memref<128x32xf32, #tpu.memory_space<vmem>>) offsets(%dma_start3A_967 : memref<128xi32, #tpu.memory_space<vmem>>) semaphore(%arg9 : memref<!tpu.dma_semaphore, #tpu.memory_space<semaphore_mem>>)
    %dma_wait3A_971 = arith.constant 1280 : i32
    %dma_wait3A_972 = arith.constant 0 : i32
    %dma_wait3A_973 = tpu.memref_slice %arg8[%dma_wait3A_971, %dma_wait3A_972] : memref<2560x32xf32, #tpu.memory_space<vmem>> -> memref<128x32xf32, #tpu.memory_space<vmem>>
    %dma_wait3A_974 = arith.constant 6400 : i32
    %dma_wait3A_975 = tpu.memref_slice %arg7[%dma_wait3A_974] : memref<7040xi32, #tpu.memory_space<vmem>> -> memref<128xi32, #tpu.memory_space<vmem>>
    %dma_wait3A_976 = arith.constant 0 : i32
    %dma_wait3A_977 = arith.constant 0 : i32
    %dma_wait3A_978 = tpu.memref_slice %arg4[%dma_wait3A_976, %dma_wait3A_977] : memref<1000000x32xf32, #tpu.memory_space<hbm>> -> memref<1000000x32xf32, #tpu.memory_space<hbm>>
    tpu.wait_indirect_dma semaphore(%arg9 : memref<!tpu.dma_semaphore, #tpu.memory_space<semaphore_mem>>) src(%dma_wait3A_978 : memref<1000000x32xf32, #tpu.memory_space<hbm>>) dst(%dma_wait3A_973 : memref<128x32xf32, #tpu.memory_space<vmem>>)
    %dma_wait3A_979 = arith.constant 1408 : i32
    %dma_wait3A_980 = arith.constant 0 : i32
    %dma_wait3A_981 = tpu.memref_slice %arg8[%dma_wait3A_979, %dma_wait3A_980] : memref<2560x32xf32, #tpu.memory_space<vmem>> -> memref<128x32xf32, #tpu.memory_space<vmem>>
    %dma_wait3A_982 = arith.constant 6528 : i32
    %dma_wait3A_983 = tpu.memref_slice %arg7[%dma_wait3A_982] : memref<7040xi32, #tpu.memory_space<vmem>> -> memref<128xi32, #tpu.memory_space<vmem>>
    %dma_wait3A_984 = arith.constant 0 : i32
    %dma_wait3A_985 = arith.constant 0 : i32
    %dma_wait3A_986 = tpu.memref_slice %arg4[%dma_wait3A_984, %dma_wait3A_985] : memref<1000000x32xf32, #tpu.memory_space<hbm>> -> memref<1000000x32xf32, #tpu.memory_space<hbm>>
    tpu.wait_indirect_dma semaphore(%arg9 : memref<!tpu.dma_semaphore, #tpu.memory_space<semaphore_mem>>) src(%dma_wait3A_986 : memref<1000000x32xf32, #tpu.memory_space<hbm>>) dst(%dma_wait3A_981 : memref<128x32xf32, #tpu.memory_space<vmem>>)
    %dma_wait3A_987 = arith.constant 1536 : i32
    %dma_wait3A_988 = arith.constant 0 : i32
    %dma_wait3A_989 = tpu.memref_slice %arg8[%dma_wait3A_987, %dma_wait3A_988] : memref<2560x32xf32, #tpu.memory_space<vmem>> -> memref<128x32xf32, #tpu.memory_space<vmem>>
    %dma_wait3A_990 = arith.constant 6656 : i32
    %dma_wait3A_991 = tpu.memref_slice %arg7[%dma_wait3A_990] : memref<7040xi32, #tpu.memory_space<vmem>> -> memref<128xi32, #tpu.memory_space<vmem>>
    %dma_wait3A_992 = arith.constant 0 : i32
    %dma_wait3A_993 = arith.constant 0 : i32
    %dma_wait3A_994 = tpu.memref_slice %arg4[%dma_wait3A_992, %dma_wait3A_993] : memref<1000000x32xf32, #tpu.memory_space<hbm>> -> memref<1000000x32xf32, #tpu.memory_space<hbm>>
    tpu.wait_indirect_dma semaphore(%arg9 : memref<!tpu.dma_semaphore, #tpu.memory_space<semaphore_mem>>) src(%dma_wait3A_994 : memref<1000000x32xf32, #tpu.memory_space<hbm>>) dst(%dma_wait3A_989 : memref<128x32xf32, #tpu.memory_space<vmem>>)
    %dma_wait3A_995 = arith.constant 1664 : i32
    %dma_wait3A_996 = arith.constant 0 : i32
    %dma_wait3A_997 = tpu.memref_slice %arg8[%dma_wait3A_995, %dma_wait3A_996] : memref<2560x32xf32, #tpu.memory_space<vmem>> -> memref<128x32xf32, #tpu.memory_space<vmem>>
    %dma_wait3A_998 = arith.constant 6784 : i32
    %dma_wait3A_999 = tpu.memref_slice %arg7[%dma_wait3A_998] : memref<7040xi32, #tpu.memory_space<vmem>> -> memref<128xi32, #tpu.memory_space<vmem>>
    %dma_wait3A_1000 = arith.constant 0 : i32
    %dma_wait3A_1001 = arith.constant 0 : i32
    %dma_wait3A_1002 = tpu.memref_slice %arg4[%dma_wait3A_1000, %dma_wait3A_1001] : memref<1000000x32xf32, #tpu.memory_space<hbm>> -> memref<1000000x32xf32, #tpu.memory_space<hbm>>
    tpu.wait_indirect_dma semaphore(%arg9 : memref<!tpu.dma_semaphore, #tpu.memory_space<semaphore_mem>>) src(%dma_wait3A_1002 : memref<1000000x32xf32, #tpu.memory_space<hbm>>) dst(%dma_wait3A_997 : memref<128x32xf32, #tpu.memory_space<vmem>>)
    %dma_wait3A_1003 = arith.constant 1792 : i32
    %dma_wait3A_1004 = arith.constant 0 : i32
    %dma_wait3A_1005 = tpu.memref_slice %arg8[%dma_wait3A_1003, %dma_wait3A_1004] : memref<2560x32xf32, #tpu.memory_space<vmem>> -> memref<128x32xf32, #tpu.memory_space<vmem>>
    %dma_wait3A_1006 = arith.constant 6912 : i32
    %dma_wait3A_1007 = tpu.memref_slice %arg7[%dma_wait3A_1006] : memref<7040xi32, #tpu.memory_space<vmem>> -> memref<128xi32, #tpu.memory_space<vmem>>
    %dma_wait3A_1008 = arith.constant 0 : i32
    %dma_wait3A_1009 = arith.constant 0 : i32
    %dma_wait3A_1010 = tpu.memref_slice %arg4[%dma_wait3A_1008, %dma_wait3A_1009] : memref<1000000x32xf32, #tpu.memory_space<hbm>> -> memref<1000000x32xf32, #tpu.memory_space<hbm>>
    tpu.wait_indirect_dma semaphore(%arg9 : memref<!tpu.dma_semaphore, #tpu.memory_space<semaphore_mem>>) src(%dma_wait3A_1010 : memref<1000000x32xf32, #tpu.memory_space<hbm>>) dst(%dma_wait3A_1005 : memref<128x32xf32, #tpu.memory_space<vmem>>)
    %dma_start3A_1011 = arith.constant 1280 : i32
    %dma_start3A_1012 = arith.constant 0 : i32
    %dma_start3A_1013 = tpu.memref_slice %arg8[%dma_start3A_1011, %dma_start3A_1012] : memref<2560x32xf32, #tpu.memory_space<vmem>> -> memref<640x32xf32, #tpu.memory_space<vmem>>
    %dma_start3A_1014 = arith.constant 0 : i32
    %dma_start3A_1015 = tpu.memref_slice %arg6[%mul3A_42, %dma_start3A_1014] : memref<20480x32xf32, #tpu.memory_space<hbm>> -> memref<640x32xf32, #tpu.memory_space<hbm>>
    %dma_start3A_1016 = arith.constant 0 : i32
    %dma_start3A_1017 = tpu.memref_slice %arg6[%mul3A_42, %dma_start3A_1016] : memref<20480x32xf32, #tpu.memory_space<hbm>> -> memref<640x32xf32, #tpu.memory_space<hbm>>
    %dma_start3A_1018 = arith.constant 1280 : i32
    %dma_start3A_1019 = arith.constant 0 : i32
    %dma_start3A_1020 = tpu.memref_slice %arg8[%dma_start3A_1018, %dma_start3A_1019] : memref<2560x32xf32, #tpu.memory_space<vmem>> -> memref<640x32xf32, #tpu.memory_space<vmem>>
    tpu.enqueue_dma source(%dma_start3A_1020 : memref<640x32xf32, #tpu.memory_space<vmem>>) target(%dma_start3A_1017 : memref<640x32xf32, #tpu.memory_space<hbm>>) target_semaphore(%arg10 : memref<!tpu.dma_semaphore, #tpu.memory_space<semaphore_mem>>)
    %dma_wait3A_1021 = arith.constant 0 : i32
    %dma_wait3A_1022 = arith.constant 0 : i32
    %dma_wait3A_1023 = tpu.memref_slice %arg8[%dma_wait3A_1021, %dma_wait3A_1022] : memref<2560x32xf32, #tpu.memory_space<vmem>> -> memref<1280x32xf32, #tpu.memory_space<vmem>>
    %dma_wait3A_1024 = arith.constant 0 : i32
    %dma_wait3A_1025 = tpu.memref_slice %arg5[%add3A_38, %dma_wait3A_1024] : memref<204800x32xf32, #tpu.memory_space<hbm>> -> memref<1280x32xf32, #tpu.memory_space<hbm>>
    %dma_wait3A_1026 = arith.constant 0 : i32
    %dma_wait3A_1027 = tpu.memref_slice %arg5[%add3A_38, %dma_wait3A_1026] : memref<204800x32xf32, #tpu.memory_space<hbm>> -> memref<1280x32xf32, #tpu.memory_space<hbm>>
    %dma_wait3A_1028 = arith.constant 0 : i32
    %dma_wait3A_1029 = arith.constant 0 : i32
    %dma_wait3A_1030 = tpu.memref_slice %arg8[%dma_wait3A_1028, %dma_wait3A_1029] : memref<2560x32xf32, #tpu.memory_space<vmem>> -> memref<1280x32xf32, #tpu.memory_space<vmem>>
    tpu.wait_dma2 semaphore(%arg10 : memref<!tpu.dma_semaphore, #tpu.memory_space<semaphore_mem>>) src(%dma_wait3A_1030 : memref<1280x32xf32, #tpu.memory_space<vmem>>) dst(%dma_wait3A_1027 : memref<1280x32xf32, #tpu.memory_space<hbm>>)
    %dma_wait3A_1031 = arith.constant 1280 : i32
    %dma_wait3A_1032 = arith.constant 0 : i32
    %dma_wait3A_1033 = tpu.memref_slice %arg8[%dma_wait3A_1031, %dma_wait3A_1032] : memref<2560x32xf32, #tpu.memory_space<vmem>> -> memref<640x32xf32, #tpu.memory_space<vmem>>
    %dma_wait3A_1034 = arith.constant 0 : i32
    %dma_wait3A_1035 = tpu.memref_slice %arg6[%mul3A_42, %dma_wait3A_1034] : memref<20480x32xf32, #tpu.memory_space<hbm>> -> memref<640x32xf32, #tpu.memory_space<hbm>>
    %dma_wait3A_1036 = arith.constant 0 : i32
    %dma_wait3A_1037 = tpu.memref_slice %arg6[%mul3A_42, %dma_wait3A_1036] : memref<20480x32xf32, #tpu.memory_space<hbm>> -> memref<640x32xf32, #tpu.memory_space<hbm>>
    %dma_wait3A_1038 = arith.constant 1280 : i32
    %dma_wait3A_1039 = arith.constant 0 : i32
    %dma_wait3A_1040 = tpu.memref_slice %arg8[%dma_wait3A_1038, %dma_wait3A_1039] : memref<2560x32xf32, #tpu.memory_space<vmem>> -> memref<640x32xf32, #tpu.memory_space<vmem>>
    tpu.wait_dma2 semaphore(%arg10 : memref<!tpu.dma_semaphore, #tpu.memory_space<semaphore_mem>>) src(%dma_wait3A_1040 : memref<640x32xf32, #tpu.memory_space<vmem>>) dst(%dma_wait3A_1037 : memref<640x32xf32, #tpu.memory_space<hbm>>)
    return
  }
}

</mosaic_0001>

<sc_bundles>
// kernel: kernel.3.cloned.1.call-start
scs
__scs_entry_jumppad:
0x0: {  	(pc) =	sbr.rel $0x88, $3  }
0x1: {  	(tag) =	ssettag $0x0;
	lr =	simm.s32 $0x1  }
0x2: {  	[smem:$0x3F9E] =	sst lr;
	_ =	strace $0xD0000000  }
0x3: {  	_ = 	snop  }
0x4: {  	_ = 	snop  }
0x5: {  	_ = 	snop  }
0x6: {  	_ = 	snop  }
0x7: {  	_ = 	snop  }
__scs_overlays_trampoline_lowered:
0x8: {  	[smem:$0x3FAD] =	sst s0  }
0x9: {  	[smem:$0x3FAE] =	sst s1  }
0xa: {  	[smem:$0x3FAF] =	sst s2  }
0xb: {  	[smem:$0x3FB0] =	sst s3  }
0xc: {  	[smem:$0x3FB1] =	sst s4  }
0xd: {  	[smem:$0x3FB2] =	sst s5  }
0xe: {  	[smem:$0x3FB3] =	sst s6  }
0xf: {  	[smem:$0x3FB4] =	sst s7  }
0x10: {  	[smem:$0x3FB5] =	sst s8  }
0x11: {  	[smem:$0x3FB6] =	sst s9;
	s0 =	simm.s32 @!p0 $0x0  }
0x12: {  	s1 =	sld [smem:$0x3F9C];
	s0 =	simm.s32 @p0 $0x1  }
0x13: {  	[smem:$0x3FB7] =	sst s0;
	s0 =	simm.s32 @!p1 $0x0  }
0x14: {  	s2 =	sld [smem:$0x3F9B];
	s0 =	simm.s32 @p1 $0x1  }
0x15: {  	[smem:$0x3FB8] =	sst s0;
	s0 =	simm.s32 @!p2 $0x0  }
0x16: {  	s3 =	sld [smem:$0x3FDB];
	s0 =	simm.s32 @p2 $0x1  }
0x17: {  	s4 =	simm.s32 $0x1BF5;
	[smem:$0x3FBA] =	sst s0  }
0x18: {  	s0 =	sld [smem:$0x3F9D];
	_ =	swait.ge [sflag:s4], $0x0  }
0x19: {  	s7 =	sld [smem:$0x3F9E]  }
0x1a: {  	s8 =	sadd.s32 $0xFFFFE003, lr  }
0x1b: {  	s9 =	sadd.s32 $0xFFFFFEF7, lr;
	s5 =	simm.s32 $0xFFFFFFFF;
	p2 =	slt.u32 s8, $0xFFFFF086  }
0x1c: {  	p1 =	slt.u32 s9, $0xF7A;
	s5 =	simm.s32 @!p2 $0x0  }
0x1d: {  	s5 =	simm.s32 @p1 $0x1;
	p0 =	seq.s32 s7, s2  }
0x1e: {  	s7 =	smul.u32 @!p0 $0xF7A, s2;
	p2 =	seq.s32 @!p0 s5, $0x0  }
0x1f: {  	s9 =	smul.u32 $0xF7A, s1;
	s8 =	simm.s32 @!p0 $0x1BF5;
	p2 =	por !p2, p0  }
0x20: {  	[sflag:s8] =	ssyncset.s32 @!p0 $0xFFFFF086;
	s6 =	sadd.s32 @!p0 s3, s7;
	s7 =	simm.s32 @!p0 $0x108  }
0x21: {  	s3 =	sadd.s32 s3, s9;
	s6 =	sadd.s32 @!p0 $0x88, s6;
	s7 =	simm.s32 @p2 $0x1082  }
0x22: {  	[simem:s7], [sflag:s8] =	dma.local @!p0 [hbm:s6], $0xF7A  }
0x23: {  	s9 =	sor.u32 $0xD0000000, s2;
	s6 =	simm.s32 $0x108;
	_ =	swait.ge @!p0 [sflag:s8], $0x0  }
0x24: {  	s3 =	sadd.s32 $0x88, s3;
	s6 =	simm.s32 @!p1 $0x1082;
	[sflag:s4] =	ssyncset.s32 $0xFFFFF086  }
0x25: {  	[simem:s6], [sflag:s4] =	dma.local [hbm:s3], $0xF7A  }
0x26: {  	[smem:$0x3F9E] =	sst s1;
	(tag) =	ssettag s2;
	_ =	strace s9  }
0x27: {  	s1 =	sld [smem:$0x3FAE]  }
0x28: {  	s2 =	sld [smem:$0x3FAF]  }
0x29: {  	s4 =	sld [smem:$0x3FB1]  }
0x2a: {  	p0 =	seq.s32 s5, $0x0;
	s5 =	sld [smem:$0x3FB2]  }
0x2b: {  	s6 =	sld [smem:$0x3FB3]  }
0x2c: {  	s7 =	sld [smem:$0x3FB4]  }
0x2d: {  	s3 =	simm.s32 $0x108;
	s8 =	sld [smem:$0x3FB5]  }
0x2e: {  	s3 =	simm.s32 @!p0 $0x1082;
	s9 =	sld [smem:$0x3FB6]  }
0x2f: {  	lr =	sadd.s32 s0, s3;
	s0 =	sld [smem:$0x3FAD]  }
0x30: {  	s3 =	sld [smem:$0x3FB0]  }
0x31: {  	[smem:$0x3FB9] =	sst s10  }
0x32: {  	s10 =	sld [smem:$0x3FB7];
	_ =	sdelay $0x3  }
0x33: {  	p0 =	seq.s32 s10, $0x1;
	s10 =	sld [smem:$0x3FB9];
	_ =	sdelay $0x3  }
0x34: {  	[smem:$0x3FB9] =	sst s10  }
0x35: {  	s10 =	sld [smem:$0x3FB8];
	_ =	sdelay $0x3  }
0x36: {  	p1 =	seq.s32 s10, $0x1;
	s10 =	sld [smem:$0x3FB9];
	_ =	sdelay $0x3  }
0x37: {  	[smem:$0x3FB9] =	sst s10  }
0x38: {  	s10 =	sld [smem:$0x3FBA]  }
0x39: {  	_ = 	snop;
	(pc) =	sbr.ind lr, $3  }
0x3a: {  	_ = 	snop  }
0x3b: {  	_ = 	snop  }
0x3c: {  	p2 =	seq.s32 s10, $0x1;
	s10 =	sld [smem:$0x3FB9]  }
0x3d: {  	_ =	shalt  }
0x3e: {  	_ =	shalt  }
0x3f: {  	_ =	shalt  }
0x40: {  	_ =	shalt  }
0x41: {  	_ =	shalt  }
0x42: {  	_ =	shalt  }
0x43: {  	_ =	shalt  }
0x44: {  	_ =	shalt  }
0x45: {  	_ =	shalt  }
0x46: {  	_ =	shalt  }
0x47: {  	_ =	shalt  }
0x48: {  	_ =	shalt  }
0x49: {  	_ =	shalt  }
0x4a: {  	_ =	shalt  }
0x4b: {  	_ =	shalt  }
0x4c: {  	_ =	shalt  }
0x4d: {  	_ =	shalt  }
0x4e: {  	_ =	shalt  }
0x4f: {  	_ =	shalt  }
0x50: {  	_ =	shalt  }
0x51: {  	_ =	shalt  }
0x52: {  	_ =	shalt  }
0x53: {  	_ =	shalt  }
0x54: {  	_ =	shalt  }
0x55: {  	_ =	shalt  }
0x56: {  	_ =	shalt  }
0x57: {  	_ =	shalt  }
0x58: {  	_ =	shalt  }
0x59: {  	_ =	shalt  }
0x5a: {  	_ =	shalt  }
0x5b: {  	_ =	shalt  }
0x5c: {  	_ =	shalt  }
0x5d: {  	_ =	shalt  }
0x5e: {  	_ =	shalt  }
0x5f: {  	_ =	shalt  }
0x60: {  	_ =	shalt  }
0x61: {  	_ =	shalt  }
0x62: {  	_ =	shalt  }
0x63: {  	_ =	shalt  }
0x64: {  	_ =	shalt  }
0x65: {  	_ =	shalt  }
0x66: {  	_ =	shalt  }
0x67: {  	_ =	shalt  }
0x68: {  	_ =	shalt  }
0x69: {  	_ =	shalt  }
0x6a: {  	_ =	shalt  }
0x6b: {  	_ =	shalt  }
0x6c: {  	_ =	shalt  }
0x6d: {  	_ =	shalt  }
0x6e: {  	_ =	shalt  }
0x6f: {  	_ =	shalt  }
0x70: {  	_ =	shalt  }
0x71: {  	_ =	shalt  }
0x72: {  	_ =	shalt  }
0x73: {  	_ =	shalt  }
0x74: {  	_ =	shalt  }
0x75: {  	_ =	shalt  }
0x76: {  	_ =	shalt  }
0x77: {  	_ =	shalt  }
0x78: {  	_ =	shalt  }
0x79: {  	_ =	shalt  }
0x7a: {  	_ =	shalt  }
0x7b: {  	_ =	shalt  }
0x7c: {  	_ =	shalt  }
0x7d: {  	_ =	shalt  }
0x7e: {  	_ =	shalt  }
0x7f: {  	_ =	shalt  }
0x80: {  	_ =	shalt  }
0x81: {  	_ =	shalt  }
0x82: {  	_ =	shalt  }
0x83: {  	_ =	shalt  }
0x84: {  	_ =	shalt  }
0x85: {  	_ =	shalt  }
0x86: {  	_ =	shalt  }
0x87: {  	_ =	shalt  }
.Lfunc_end0:
.L_simem_size_0:
called_computation_lowered:
.L_overlay_start_0:
0x88: {  	s2 =	sld [smem:$0x3FD9]  }
0x89: {  	s3 =	sld [smem:$0x3FFE];
	_ =	sdelay $0x1  }
0x8a: {  	s1 =	srdreg.scid  }
0x8b: {  	s0 =	sand.u32 $0x1, s1  }
0x8c: {  	s14 =	sshll.u32 s0, $0xA;
	s2 =	sadd.s32 s3, s2  }
0x8d: {  	s2 =	sadd.s32 s2, s14  }
0x8e: {  	[smem:$0x3FC5] =	sst s2  }
0x8f: {  	_ = 	snop  }
0x90: {  	s2 =	sld [smem:$0x3FD0];
	_ =	sdelay $0x2  }
0x91: {  	s15 =	simm.s32 $0xA;
	s4 =	simm.s32 $0x10  }
0x92: {  	[smem:s4], [sflag:s15] =	dma.local [hbm:s2], $0x1  }
0x93: {  	_ =	swait.eq [sflag:s15], $0x1  }
0x94: {  	[sflag:s15] =	ssyncset.done $0x0  }
0x95: {  	s16 =	sld [smem:$0x10];
	[sflag:s15] =	ssyncadd.s32 $0xFFFFFFFF  }
0x96: {  	s17 =	sld [smem:$0x11];
	(tm) =	ssettm $0x1  }
0x97: {  	s18 =	sld [smem:$0x3FFB];
	_ =	sdelay $0x3  }
0x98: {  	_ =	strace s18  }
0x99: {  	s4 =	sld [smem:$0x3FFC];
	_ =	sdelay $0x3  }
0x9a: {  	_ =	strace s4  }
0x9b: {  	s4 =	sld [smem:$0x3FFD];
	_ =	sdelay $0x3  }
0x9c: {  	_ =	strace s4  }
0x9d: {  	_ =	strace $0x8FFFFFFF  }
0x9e: {  	s19 =	sld [smem:$0x3FDB];
	_ =	sdelay $0x1  }
0x9f: {  	s5 =	simm.s32 $_scs_section_size  }
0xa0: {  	s6 =	simm.s32 $_size__tile_overlayer_lowered;
	s7 =	simm.s32 $_tile_overlayer_lowered  }
0xa1: {  	s22 =	simm.s32 $0x1BFF;
	s21 =	sshll.u32 s7, $0x1;
	s4 =	sadd.s32 s5, s19  }
0xa2: {  	s8 =	simm.s32 $0x0;
	s20 =	sshll.u32 s6, $0x1;
	s6 =	sadd.s32 s21, s4  }
0xa3: {  	[timem:s8], [sflag:s22] =	dma.local [hbm:s6], s20  }
0xa4: {  	_ =	swait.ge [sflag:s22], s20  }
0xa5: {  	s5 =	ssub.s32 $0x0, s20;
	[sflag:s22] =	ssyncset.done $0x0  }
0xa6: {  	[sflag:s22] =	ssyncadd.s32 s5;
	_ =	sdelay $0x1  }
0xa7: {  	s23 =	simm.s32 $0x1B8B  }
0xa8: {  	_ =	swait.ge [sflag:s23], $0x1  }
0xa9: {  	[sflag:s23] =	ssyncset.done $0x0  }
0xaa: {  	s25 =	simm.s32 $0x1B8E;
	s24 =	sld [smem:$0x3FFE];
	[sflag:s23] =	ssyncadd.s32 $0xFFFFFFFF  }
0xab: {  	s26 =	simm.s32 $execute0_lowered;
	[smem:$0x3FD2] =	sst s25  }
0xac: {  	s6 =	sshll.u32 s26, $0x1;
	_ =	strace $0x80000046;
	[dreg:$0x1] =	wrdreg $0xFFFFFFFF  }
0xad: {  	s28 =	simm.s32 $_size_execute0_lowered;
	s4 =	sadd.s32 s4, s6;
	[dreg:$0x0] =	wrdreg $0x0  }
0xae: {  	s6 =	sshll.u32 s28, $0x1;
	[dreg:$0x2] =	wrdreg s4  }
0xaf: {  	[dreg:$0x3] =	wrdreg s6  }
0xb0: {  	[dreg:$0x4] =	wrdreg $0xC0  }
0xb1: {  	_ =	task [dreg:s8], $0x5FFFF  }
0xb2: {  	[dreg:$0x1] =	wrdreg $0xFFFFFFFF  }
0xb3: {  	[dreg:$0x0] =	wrdreg $0x60  }
0xb4: {  	[dreg:$0x2] =	wrdreg s24  }
0xb5: {  	[dreg:$0x3] =	wrdreg s16  }
0xb6: {  	[dreg:$0x4] =	wrdreg s17  }
0xb7: {  	[dreg:$0x5] =	wrdreg $0x9  }
0xb8: {  	_ =	task.clear_ibuf [dreg:s8], $0x6FFFF;
	_ =	strace $0x90000046  }
0xb9: {  	s29 =	simm.s32 $0x9;
	_ =	strace $0x80000048  }
0xba: {  	_ =	swait.ge [sflag:s29], $0x1  }
0xbb: {  	[sflag:s29] =	ssyncadd.s32 $0xFFFFFFFF  }
0xbc: {  	_ =	strace $0x90000048  }
0xbd: {  	_ =	sfence  }
0xbe: {  	s30 =	sld [smem:$0x0];
	_ =	sdelay $0x2  }
0xbf: {  	s31 =	sshll.u32 s1, $0xD;
	s1 =	sshrl.u32 s1, $0x2  }
0xc0: {  	s3 =	sand.u32 $0x4000, s31;
	s1 =	sadd.s32 s1, s30  }
0xc1: {  	s0 =	sor.u32 s3, s0;
	s1 =	sshll.u32 s1, $0x11  }
0xc2: {  	s0 =	sor.u32 s1, s0  }
0xc3: {  	s0 =	sadd.s32 $0x8F2B, s0  }
0xc4: {  	[sflag:s0] =	ssyncadd.remote.s32 $0x1  }
0xc5: {  	_ =	sfence.sel $0xFFFF  }
0xc6: {  	[dreg:$0x0] =	wrdreg $0xFFFFFFFF;
	(pc) =	sbr.abs _section_cstart, $3  }
0xc7: {  	[dreg:$0x1] =	wrdreg $0xFFFFFFFF  }
0xc8: {  	_ =	task.clear_ibuf [dreg:s8], $0x2FFFF;
	_ =	strace $0x9FFFFFFF  }
0xc9: {  	(tm) =	ssettm $0x7FFFFFFF  }
tec
execute0_lowered:
.L_overlay_start_1:
0x0: {  	(tag) =	ssettag $0x1  }
0x1: {  	s1 =	rddreg [dreg:$0x0]  }
0x2: {  	s3 =	rddreg [dreg:$0x1]  }
0x3: {  	s5 =	rddreg [dreg:$0x2];
	s2 =	simm.s32 $0x0  }
0x4: {  	s10 =	simm.s32 $0x100;
	[smem:$0x7FF] =	sst s2  }
0x5: {  	s11 =	simm.s32 $0x180;
	_ =	strace $0x80000047;
	[dreg:$0xc] =	wrdreg s10  }
0x6: {  	s12 =	simm.s32 $0x200;
	[dreg:$0xd] =	wrdreg s11  }
0x7: {  	s13 =	simm.s32 $0x280;
	[dreg:$0xe] =	wrdreg s12  }
0x8: {  	s14 =	simm.s32 $0x300;
	[dreg:$0xf] =	wrdreg s13  }
0x9: {  	s15 =	simm.s32 $0x380;
	[dreg:$0x10] =	wrdreg s14  }
0xa: {  	s17 =	simm.s32 $0x400;
	[dreg:$0x11] =	wrdreg s15  }
0xb: {  	s18 =	simm.s32 $0x480;
	[dreg:$0x12] =	wrdreg s17  }
0xc: {  	s0 =	srdreg.scid;
	s19 =	simm.s32 $0x500;
	[dreg:$0x13] =	wrdreg s18  }
0xd: {  	s16 =	stileid.u32;
	s20 =	simm.s32 $0x580;
	[dreg:$0x14] =	wrdreg s19  }
0xe: {  	s21 =	simm.s32 $0x600;
	s22 =	simm.s32 $0x680;
	[dreg:$0x15] =	wrdreg s20  }
0xf: {  	s4 =	sand.u32 $0x1, s0;
	s23 =	sshll.u32 s16, $0x1;
	[dreg:$0x16] =	wrdreg s21  }
0x10: {  	s0 =	sor.u32 s4, s23;
	[dreg:$0x17] =	wrdreg s22;
	s23 =	simm.s32 $0x700  }
0x11: {  	s10 =	simm.s32 $0xC00;
	[dreg:$0x18] =	wrdreg s23  }
0x12: {  	s11 =	simm.s32 $0xC80;
	[smem:$0x7E2] =	sst s10  }
0x13: {  	s12 =	simm.s32 $0xD00;
	[smem:$0x7E3] =	sst s11  }
0x14: {  	s13 =	simm.s32 $0xD80;
	[smem:$0x7E4] =	sst s12  }
0x15: {  	s15 =	simm.s32 $0xE00;
	[smem:$0x7E5] =	sst s13  }
0x16: {  	s17 =	simm.s32 $0xE80;
	[smem:$0x7E6] =	sst s15  }
0x17: {  	s18 =	simm.s32 $0xF00;
	[smem:$0x7E7] =	sst s17  }
0x18: {  	s19 =	simm.s32 $0xF80;
	[smem:$0x7E8] =	sst s18  }
0x19: {  	s31 =	simm.s32 $0x3;
	s20 =	simm.s32 $0x1000;
	[smem:$0x7E9] =	sst s19  }
0x1a: {  	p0 =	por $0x0, $0x0;
	s21 =	simm.s32 $0x1080;
	[smem:$0x7EA] =	sst s20  }
0x1b: {  	s30 =	simm.s32 $0x12B80;
	s22 =	simm.s32 $0x1100;
	[smem:$0x7EB] =	sst s21  }
0x1c: {  	s28 =	simm.s32 $0x13B80;
	[smem:$0x7EC] =	sst s22;
	s23 =	simm.s32 $0x1180  }
0x1d: {  	s29 =	simm.s32 $0x14B80;
	s10 =	simm.s32 $0x1500;
	[smem:$0x7ED] =	sst s23  }
0x1e: {  	s6 =	smul.u32 $0x320, s0;
	s11 =	simm.s32 $0x1580;
	[smem:$0x7F4] =	sst s10  }
0x1f: {  	s7 =	smul.u32 $0x50, s0;
	s12 =	simm.s32 $0x1600;
	[smem:$0x7F5] =	sst s11  }
0x20: {  	s8 =	smul.u32 $0x32000, s0;
	s13 =	simm.s32 $0x1680;
	[smem:$0x7F6] =	sst s12  }
0x21: {  	s9 =	smul.u32 $0x6400, s0;
	s17 =	simm.s32 $0x1700;
	[smem:$0x7F7] =	sst s13  }
0x22: {  	s0 =	smul.u32 $0xA00, s0;
	[smem:$0x7F8] =	sst s17;
	s17 =	simm.s32 $0x1980  }
0x23: {  	s14 =	ssub.s32 $0x2, s4;
	s26 =	sadd.s32 s3, s9;
	[smem:$0x7FC] =	sst s17  }
0x24: {  	s4 =	sshrl.u32 s14, $0x1;
	s0 =	sadd.s32 s5, s0;
	[dreg:$0x6] =	wrdreg s26  }
0x25: {  	s6 =	sadd.s32 s6, s1;
	s5 =	simm.s32 $0x980;
	[dreg:$0xb] =	wrdreg s0  }
0x26: {  	s7 =	sadd.s32 s7, s1;
	s6 =	sadd.s32 $0xE00, s6;
	[dreg:$0x1d] =	wrdreg s5  }
0x27: {  	s25 =	sshrl.u32 s8, $0x3;
	s24 =	sadd.s32 $0x7200, s7;
	[dreg:$0x4] =	wrdreg s6  }
0x28: {  	s3 =	sadd.s32 s3, s25;
	s25 =	simm.s32 $0x800;
	[dreg:$0x5] =	wrdreg s24  }
0x29: {  	s15 =	simm.s32 $0x3B80;
	s26 =	simm.s32 $0x880;
	[dreg:$0x1a] =	wrdreg s25  }
0x2a: {  	s18 =	simm.s32 $0x4B80;
	s7 =	sadd.s32 $0x1400, s3;
	[dreg:$0x1b] =	wrdreg s26  }
0x2b: {  	s19 =	simm.s32 $0x5B80;
	s8 =	sadd.s32 $0x2800, s3;
	[dreg:$0x7] =	wrdreg s7  }
0x2c: {  	s20 =	simm.s32 $0x6B80;
	s9 =	sadd.s32 $0x3C00, s3;
	[dreg:$0x8] =	wrdreg s8  }
0x2d: {  	s21 =	simm.s32 $0x7B80;
	s3 =	sadd.s32 $0x5000, s3;
	[dreg:$0x9] =	wrdreg s9  }
0x2e: {  	s22 =	simm.s32 $0x8B80;
	s24 =	simm.s32 $0x780;
	[dreg:$0xa] =	wrdreg s3  }
0x2f: {  	s23 =	simm.s32 $0x9B80;
	s6 =	simm.s32 $0xA00;
	[dreg:$0x19] =	wrdreg s24  }
0x30: {  	s10 =	simm.s32 $0xCB80;
	s25 =	simm.s32 $0x1280;
	[dreg:$0x1e] =	wrdreg s6  }
0x31: {  	s11 =	simm.s32 $0xDB80;
	s26 =	simm.s32 $0x1300;
	[smem:$0x7EF] =	sst s25  }
0x32: {  	s12 =	simm.s32 $0xEB80;
	s13 =	simm.s32 $0xFB80;
	[smem:$0x7F0] =	sst s26  }
0x33: {  	s17 =	simm.s32 $0x1B00;
	s3 =	simm.s32 $0x900;
	s0 =	rddreg [dreg:$0x4]  }
0x34: {  	s5 =	simm.s32 $0x1900;
	s7 =	simm.s32 $0xA80;
	[dreg:$0x1c] =	wrdreg s3  }
0x35: {  	s8 =	simm.s32 $0xB00;
	s9 =	simm.s32 $0xB80;
	[dreg:$0x1f] =	wrdreg s7  }
0x36: {  	s6 =	simm.s32 $0x1B80;
	s24 =	simm.s32 $0x1200;
	[smem:$0x7E0] =	sst s8  }
0x37: {  	s25 =	simm.s32 $0x1780;
	s26 =	simm.s32 $0x1800;
	[smem:$0x7E1] =	sst s9  }
0x38: {  	s3 =	sadd.s32 $0xF43200, s1;
	s1 =	ssub.s32 s14, s4;
	s4 =	simm.s32 $0x80  }
0x39: {  	s14 =	simm.s32 $0x2B80;
	[smem:$0x7EE] =	sst s24;
	s7 =	simm.s32 $0x1380  }
0x3a: {  	s8 =	simm.s32 $0x1400;
	[smem:$0x7F9] =	sst s25;
	s1 =	smax.u32 s1, $0x1  }
0x3b: {  	s9 =	simm.s32 $0x1480;
	[smem:$0x7FA] =	sst s26;
	p1 =	sne.s32 s1, $0x1  }
.Ltmp0:
0x3c: {  	s24 =	simm.s32 $0xAB80;
	[smem:$0x7F1] =	sst s7;
	(pc) =	sbr.rel @!p1 .LBB2_1-.Ltmp0, $4  }
0x3d: {  	s25 =	simm.s32 $0x10B80;
	s26 =	simm.s32 $0x1A00;
	[smem:$0x7F2] =	sst s8  }
0x3e: {  	[smem:$0x7F3] =	sst s9;
	s7 =	simm.s32 $0x1;
	s8 =	simm.s32 $0xBB80  }
0x3f: {  	s9 =	simm.s32 $0x1880;
	[smem:$0x7FD] =	sst s26;
	s26 =	simm.s32 $0x11B80  }
0x40: {  	[smem:$0x7FB] =	sst s9;
	s1 =	sadd.s32 $0xFFFFFFFF, s1;
	s9 =	simm.s32 $0x2  }
0x41: {  	[tilespmem:s2], [sflag:$0x3] =	stream.linear.gather [hbm4b:s0+s2], $0x1900, $0x38;
	[tilespmem:$0x15B80] =	vst v63  }
0x42: {  	_ =	swait.ge [sflag:s31], $0x1900  }
0x43: {  	[sflag:s31] =	ssyncset.done $0x0  }
0x44: {  	s16 =	rddreg [dreg:$0x5];
	[sflag:s31] =	ssyncadd.s32 $0xFFFFE700  }
0x45: {  	[tilespmem:s5], [sflag:$0x3] =	stream.linear.gather [hbm4b:s16+s2], $0x280, $0x38;
	[tilespmem:$0x15B80] =	vst v63  }
0x46: {  	_ =	swait.ge [sflag:s31], $0x280  }
0x47: {  	[sflag:s31] =	ssyncset.done $0x0  }
0x48: {  	[sflag:s31] =	ssyncadd.s32 $0xFFFFFD80  }
0x49: {  	[tilespmem:s6], [sflag:$0x1] =	stream.indirect.gather [hbm4b:s3+s4], $0x20, s2, s4, $0xb8;
	[tilespmem:$0x15B80] =	vst v63  }
0x4a: {  	_ = 	snop  }
0x4b: {  	[tilespmem:s14], [sflag:$0x1] =	stream.indirect.gather [hbm4b:s3+s4], $0x20, s4, s4, $0xb8;
	[tilespmem:$0x15B80] =	vst v63  }
0x4c: {  	s0 =	rddreg [dreg:$0xc]  }
0x4d: {  	[tilespmem:s15], [sflag:$0x1] =	stream.indirect.gather [hbm4b:s3+s4], $0x20, s0, s4, $0xb8;
	[tilespmem:$0x15B80] =	vst v63  }
0x4e: {  	s16 =	smov.u32 s1;
	s1 =	rddreg [dreg:$0xd]  }
0x4f: {  	[tilespmem:s18], [sflag:$0x1] =	stream.indirect.gather [hbm4b:s3+s4], $0x20, s1, s4, $0xb8;
	[tilespmem:$0x15B80] =	vst v63  }
0x50: {  	s0 =	rddreg [dreg:$0xe]  }
0x51: {  	[tilespmem:s19], [sflag:$0x1] =	stream.indirect.gather [hbm4b:s3+s4], $0x20, s0, s4, $0xb8;
	[tilespmem:$0x15B80] =	vst v63  }
0x52: {  	s1 =	rddreg [dreg:$0xf]  }
0x53: {  	[tilespmem:s20], [sflag:$0x1] =	stream.indirect.gather [hbm4b:s3+s4], $0x20, s1, s4, $0xb8;
	[tilespmem:$0x15B80] =	vst v63  }
0x54: {  	s0 =	rddreg [dreg:$0x10]  }
0x55: {  	[tilespmem:s21], [sflag:$0x1] =	stream.indirect.gather [hbm4b:s3+s4], $0x20, s0, s4, $0xb8;
	[tilespmem:$0x15B80] =	vst v63  }
0x56: {  	s1 =	rddreg [dreg:$0x11]  }
0x57: {  	[tilespmem:s22], [sflag:$0x1] =	stream.indirect.gather [hbm4b:s3+s4], $0x20, s1, s4, $0xb8;
	[tilespmem:$0x15B80] =	vst v63  }
0x58: {  	s0 =	rddreg [dreg:$0x12]  }
0x59: {  	[tilespmem:s23], [sflag:$0x1] =	stream.indirect.gather [hbm4b:s3+s4], $0x20, s0, s4, $0xb8;
	[tilespmem:$0x15B80] =	vst v63  }
0x5a: {  	s1 =	rddreg [dreg:$0x13]  }
0x5b: {  	[tilespmem:s24], [sflag:$0x1] =	stream.indirect.gather [hbm4b:s3+s4], $0x20, s1, s4, $0xb8;
	[tilespmem:$0x15B80] =	vst v63  }
0x5c: {  	_ =	swait.ge [sflag:s7], $0x1000  }
0x5d: {  	[sflag:s7] =	ssyncset.done $0x0  }
0x5e: {  	[sflag:s7] =	ssyncadd.s32 $0xFFFFF000  }
0x5f: {  	_ =	swait.ge [sflag:s7], $0x1000  }
0x60: {  	[sflag:s7] =	ssyncset.done $0x0  }
0x61: {  	[sflag:s7] =	ssyncadd.s32 $0xFFFFF000  }
0x62: {  	_ =	swait.ge [sflag:s7], $0x1000  }
0x63: {  	[sflag:s7] =	ssyncset.done $0x0  }
0x64: {  	[sflag:s7] =	ssyncadd.s32 $0xFFFFF000  }
0x65: {  	_ =	swait.ge [sflag:s7], $0x1000  }
0x66: {  	[sflag:s7] =	ssyncset.done $0x0  }
0x67: {  	[sflag:s7] =	ssyncadd.s32 $0xFFFFF000  }
0x68: {  	_ =	swait.ge [sflag:s7], $0x1000  }
0x69: {  	[sflag:s7] =	ssyncset.done $0x0  }
0x6a: {  	[sflag:s7] =	ssyncadd.s32 $0xFFFFF000  }
0x6b: {  	_ =	swait.ge [sflag:s7], $0x1000  }
0x6c: {  	[sflag:s7] =	ssyncset.done $0x0  }
0x6d: {  	[sflag:s7] =	ssyncadd.s32 $0xFFFFF000  }
0x6e: {  	_ =	swait.ge [sflag:s7], $0x1000  }
0x6f: {  	[sflag:s7] =	ssyncset.done $0x0  }
0x70: {  	[sflag:s7] =	ssyncadd.s32 $0xFFFFF000  }
0x71: {  	_ =	swait.ge [sflag:s7], $0x1000  }
0x72: {  	[sflag:s7] =	ssyncset.done $0x0  }
0x73: {  	[sflag:s7] =	ssyncadd.s32 $0xFFFFF000  }
0x74: {  	_ =	swait.ge [sflag:s7], $0x1000  }
0x75: {  	[sflag:s7] =	ssyncset.done $0x0  }
0x76: {  	[sflag:s7] =	ssyncadd.s32 $0xFFFFF000  }
0x77: {  	_ =	swait.ge [sflag:s7], $0x1000  }
0x78: {  	[sflag:s7] =	ssyncset.done $0x0  }
0x79: {  	s0 =	rddreg [dreg:$0x6];
	[sflag:s7] =	ssyncadd.s32 $0xFFFFF000  }
0x7a: {  	[hbm4b:s0+s2] =	stream.linear.scatter [tilespmem:s6], [sflag:$0x2], $0xA000, $0x38;
	[tilespmem:$0x15B80] =	vst v63  }
0x7b: {  	s1 =	rddreg [dreg:$0x14]  }
0x7c: {  	[tilespmem:s8], [sflag:$0x1] =	stream.indirect.gather [hbm4b:s3+s4], $0x20, s1, s4, $0xb8;
	[tilespmem:$0x15B80] =	vst v63  }
0x7d: {  	s0 =	rddreg [dreg:$0x15]  }
0x7e: {  	[tilespmem:s10], [sflag:$0x1] =	stream.indirect.gather [hbm4b:s3+s4], $0x20, s0, s4, $0xb8;
	[tilespmem:$0x15B80] =	vst v63  }
0x7f: {  	s1 =	rddreg [dreg:$0x16]  }
0x80: {  	[tilespmem:s11], [sflag:$0x1] =	stream.indirect.gather [hbm4b:s3+s4], $0x20, s1, s4, $0xb8;
	[tilespmem:$0x15B80] =	vst v63  }
0x81: {  	s0 =	rddreg [dreg:$0x17]  }
0x82: {  	[tilespmem:s12], [sflag:$0x1] =	stream.indirect.gather [hbm4b:s3+s4], $0x20, s0, s4, $0xb8;
	[tilespmem:$0x15B80] =	vst v63  }
0x83: {  	s1 =	rddreg [dreg:$0x18]  }
0x84: {  	[tilespmem:s13], [sflag:$0x1] =	stream.indirect.gather [hbm4b:s3+s4], $0x20, s1, s4, $0xb8;
	[tilespmem:$0x15B80] =	vst v63  }
0x85: {  	s0 =	rddreg [dreg:$0x19]  }
0x86: {  	[tilespmem:s25], [sflag:$0x1] =	stream.indirect.gather [hbm4b:s3+s4], $0x20, s0, s4, $0xb8;
	[tilespmem:$0x15B80] =	vst v63  }
0x87: {  	s1 =	rddreg [dreg:$0x1a]  }
0x88: {  	[tilespmem:s26], [sflag:$0x1] =	stream.indirect.gather [hbm4b:s3+s4], $0x20, s1, s4, $0xb8;
	[tilespmem:$0x15B80] =	vst v63  }
0x89: {  	s0 =	rddreg [dreg:$0x1b]  }
0x8a: {  	[tilespmem:s30], [sflag:$0x1] =	stream.indirect.gather [hbm4b:s3+s4], $0x20, s0, s4, $0xb8;
	[tilespmem:$0x15B80] =	vst v63  }
0x8b: {  	s1 =	rddreg [dreg:$0x1c]  }
0x8c: {  	[tilespmem:s28], [sflag:$0x1] =	stream.indirect.gather [hbm4b:s3+s4], $0x20, s1, s4, $0xb8;
	[tilespmem:$0x15B80] =	vst v63  }
0x8d: {  	s0 =	rddreg [dreg:$0x1d]  }
0x8e: {  	[tilespmem:s29], [sflag:$0x1] =	stream.indirect.gather [hbm4b:s3+s4], $0x20, s0, s4, $0xb8;
	[tilespmem:$0x15B80] =	vst v63  }
0x8f: {  	_ =	swait.ge [sflag:s7], $0x1000  }
0x90: {  	[sflag:s7] =	ssyncset.done $0x0  }
0x91: {  	[sflag:s7] =	ssyncadd.s32 $0xFFFFF000  }
0x92: {  	_ =	swait.ge [sflag:s7], $0x1000  }
0x93: {  	[sflag:s7] =	ssyncset.done $0x0  }
0x94: {  	[sflag:s7] =	ssyncadd.s32 $0xFFFFF000  }
0x95: {  	_ =	swait.ge [sflag:s7], $0x1000  }
0x96: {  	[sflag:s7] =	ssyncset.done $0x0  }
0x97: {  	[sflag:s7] =	ssyncadd.s32 $0xFFFFF000  }
0x98: {  	_ =	swait.ge [sflag:s7], $0x1000  }
0x99: {  	[sflag:s7] =	ssyncset.done $0x0  }
0x9a: {  	[sflag:s7] =	ssyncadd.s32 $0xFFFFF000  }
0x9b: {  	_ =	swait.ge [sflag:s7], $0x1000  }
0x9c: {  	[sflag:s7] =	ssyncset.done $0x0  }
0x9d: {  	[sflag:s7] =	ssyncadd.s32 $0xFFFFF000  }
0x9e: {  	_ =	swait.ge [sflag:s7], $0x1000  }
0x9f: {  	[sflag:s7] =	ssyncset.done $0x0  }
0xa0: {  	[sflag:s7] =	ssyncadd.s32 $0xFFFFF000  }
0xa1: {  	_ =	swait.ge [sflag:s7], $0x1000  }
0xa2: {  	[sflag:s7] =	ssyncset.done $0x0  }
0xa3: {  	[sflag:s7] =	ssyncadd.s32 $0xFFFFF000  }
0xa4: {  	_ =	swait.ge [sflag:s7], $0x1000  }
0xa5: {  	[sflag:s7] =	ssyncset.done $0x0  }
0xa6: {  	[sflag:s7] =	ssyncadd.s32 $0xFFFFF000  }
0xa7: {  	_ =	swait.ge [sflag:s7], $0x1000  }
0xa8: {  	[sflag:s7] =	ssyncset.done $0x0  }
0xa9: {  	[sflag:s7] =	ssyncadd.s32 $0xFFFFF000  }
0xaa: {  	_ =	swait.ge [sflag:s7], $0x1000  }
0xab: {  	[sflag:s7] =	ssyncset.done $0x0  }
0xac: {  	s1 =	rddreg [dreg:$0x7];
	[sflag:s7] =	ssyncadd.s32 $0xFFFFF000  }
0xad: {  	[hbm4b:s1+s2] =	stream.linear.scatter [tilespmem:s8], [sflag:$0x2], $0xA000, $0x38;
	[tilespmem:$0x15B80] =	vst v63  }
0xae: {  	_ =	swait.ge [sflag:s9], $0xA000  }
0xaf: {  	s0 =	rddreg [dreg:$0x1e];
	[sflag:s9] =	ssyncset.done $0x0  }
0xb0: {  	s1 =	rddreg [dreg:$0x1f];
	[sflag:s9] =	ssyncadd.s32 $0xFFFF6000  }
0xb1: {  	[tilespmem:s6], [sflag:$0x1] =	stream.indirect.gather [hbm4b:s3+s4], $0x20, s0, s4, $0xb8;
	[tilespmem:$0x15B80] =	vst v63  }
0xb2: {  	s0 =	sld [smem:$0x7E0]  }
0xb3: {  	[tilespmem:s14], [sflag:$0x1] =	stream.indirect.gather [hbm4b:s3+s4], $0x20, s1, s4, $0xb8;
	[tilespmem:$0x15B80] =	vst v63  }
0xb4: {  	s1 =	sld [smem:$0x7E1]  }
0xb5: {  	[tilespmem:s15], [sflag:$0x1] =	stream.indirect.gather [hbm4b:s3+s4], $0x20, s0, s4, $0xb8;
	[tilespmem:$0x15B80] =	vst v63  }
0xb6: {  	s0 =	sld [smem:$0x7E2]  }
0xb7: {  	[tilespmem:s18], [sflag:$0x1] =	stream.indirect.gather [hbm4b:s3+s4], $0x20, s1, s4, $0xb8;
	[tilespmem:$0x15B80] =	vst v63  }
0xb8: {  	s1 =	sld [smem:$0x7E3]  }
0xb9: {  	[tilespmem:s19], [sflag:$0x1] =	stream.indirect.gather [hbm4b:s3+s4], $0x20, s0, s4, $0xb8;
	[tilespmem:$0x15B80] =	vst v63  }
0xba: {  	s0 =	sld [smem:$0x7E4]  }
0xbb: {  	[tilespmem:s20], [sflag:$0x1] =	stream.indirect.gather [hbm4b:s3+s4], $0x20, s1, s4, $0xb8;
	[tilespmem:$0x15B80] =	vst v63  }
0xbc: {  	s1 =	sld [smem:$0x7E5]  }
0xbd: {  	[tilespmem:s21], [sflag:$0x1] =	stream.indirect.gather [hbm4b:s3+s4], $0x20, s0, s4, $0xb8;
	[tilespmem:$0x15B80] =	vst v63  }
0xbe: {  	s0 =	sld [smem:$0x7E6]  }
0xbf: {  	[tilespmem:s22], [sflag:$0x1] =	stream.indirect.gather [hbm4b:s3+s4], $0x20, s1, s4, $0xb8;
	[tilespmem:$0x15B80] =	vst v63  }
0xc0: {  	s1 =	sld [smem:$0x7E7]  }
0xc1: {  	[tilespmem:s23], [sflag:$0x1] =	stream.indirect.gather [hbm4b:s3+s4], $0x20, s0, s4, $0xb8;
	[tilespmem:$0x15B80] =	vst v63  }
0xc2: {  	_ = 	snop  }
0xc3: {  	[tilespmem:s24], [sflag:$0x1] =	stream.indirect.gather [hbm4b:s3+s4], $0x20, s1, s4, $0xb8;
	[tilespmem:$0x15B80] =	vst v63  }
0xc4: {  	_ =	swait.ge [sflag:s7], $0x1000  }
0xc5: {  	[sflag:s7] =	ssyncset.done $0x0  }
0xc6: {  	[sflag:s7] =	ssyncadd.s32 $0xFFFFF000  }
0xc7: {  	_ =	swait.ge [sflag:s7], $0x1000  }
0xc8: {  	[sflag:s7] =	ssyncset.done $0x0  }
0xc9: {  	[sflag:s7] =	ssyncadd.s32 $0xFFFFF000  }
0xca: {  	_ =	swait.ge [sflag:s7], $0x1000  }
0xcb: {  	[sflag:s7] =	ssyncset.done $0x0  }
0xcc: {  	[sflag:s7] =	ssyncadd.s32 $0xFFFFF000  }
0xcd: {  	_ =	swait.ge [sflag:s7], $0x1000  }
0xce: {  	[sflag:s7] =	ssyncset.done $0x0  }
0xcf: {  	[sflag:s7] =	ssyncadd.s32 $0xFFFFF000  }
0xd0: {  	_ =	swait.ge [sflag:s7], $0x1000  }
0xd1: {  	[sflag:s7] =	ssyncset.done $0x0  }
0xd2: {  	[sflag:s7] =	ssyncadd.s32 $0xFFFFF000  }
0xd3: {  	_ =	swait.ge [sflag:s7], $0x1000  }
0xd4: {  	[sflag:s7] =	ssyncset.done $0x0  }
0xd5: {  	[sflag:s7] =	ssyncadd.s32 $0xFFFFF000  }
0xd6: {  	_ =	swait.ge [sflag:s7], $0x1000  }
0xd7: {  	[sflag:s7] =	ssyncset.done $0x0  }
0xd8: {  	[sflag:s7] =	ssyncadd.s32 $0xFFFFF000  }
0xd9: {  	_ =	swait.ge [sflag:s7], $0x1000  }
0xda: {  	[sflag:s7] =	ssyncset.done $0x0  }
0xdb: {  	[sflag:s7] =	ssyncadd.s32 $0xFFFFF000  }
0xdc: {  	_ =	swait.ge [sflag:s7], $0x1000  }
0xdd: {  	[sflag:s7] =	ssyncset.done $0x0  }
0xde: {  	[sflag:s7] =	ssyncadd.s32 $0xFFFFF000  }
0xdf: {  	_ =	swait.ge [sflag:s7], $0x1000  }
0xe0: {  	[sflag:s7] =	ssyncset.done $0x0  }
0xe1: {  	s1 =	rddreg [dreg:$0x8];
	[sflag:s7] =	ssyncadd.s32 $0xFFFFF000  }
0xe2: {  	[hbm4b:s1+s2] =	stream.linear.scatter [tilespmem:s6], [sflag:$0x2], $0xA000, $0x38;
	[tilespmem:$0x15B80] =	vst v63  }
0xe3: {  	_ =	swait.ge [sflag:s9], $0xA000  }
0xe4: {  	s0 =	sld [smem:$0x7E8]  }
0xe5: {  	[sflag:s9] =	ssyncset.done $0x0  }
0xe6: {  	s1 =	sld [smem:$0x7E9];
	[sflag:s9] =	ssyncadd.s32 $0xFFFF6000  }
0xe7: {  	[tilespmem:s8], [sflag:$0x1] =	stream.indirect.gather [hbm4b:s3+s4], $0x20, s0, s4, $0xb8;
	[tilespmem:$0x15B80] =	vst v63  }
0xe8: {  	s0 =	sld [smem:$0x7EA]  }
0xe9: {  	[tilespmem:s10], [sflag:$0x1] =	stream.indirect.gather [hbm4b:s3+s4], $0x20, s1, s4, $0xb8;
	[tilespmem:$0x15B80] =	vst v63  }
0xea: {  	s1 =	sld [smem:$0x7EB]  }
0xeb: {  	[tilespmem:s11], [sflag:$0x1] =	stream.indirect.gather [hbm4b:s3+s4], $0x20, s0, s4, $0xb8;
	[tilespmem:$0x15B80] =	vst v63  }
0xec: {  	s0 =	sld [smem:$0x7EC]  }
0xed: {  	[tilespmem:s12], [sflag:$0x1] =	stream.indirect.gather [hbm4b:s3+s4], $0x20, s1, s4, $0xb8;
	[tilespmem:$0x15B80] =	vst v63  }
0xee: {  	s1 =	sld [smem:$0x7ED]  }
0xef: {  	[tilespmem:s13], [sflag:$0x1] =	stream.indirect.gather [hbm4b:s3+s4], $0x20, s0, s4, $0xb8;
	[tilespmem:$0x15B80] =	vst v63  }
0xf0: {  	s0 =	sld [smem:$0x7EE]  }
0xf1: {  	[tilespmem:s25], [sflag:$0x1] =	stream.indirect.gather [hbm4b:s3+s4], $0x20, s1, s4, $0xb8;
	[tilespmem:$0x15B80] =	vst v63  }
0xf2: {  	s1 =	sld [smem:$0x7EF]  }
0xf3: {  	[tilespmem:s26], [sflag:$0x1] =	stream.indirect.gather [hbm4b:s3+s4], $0x20, s0, s4, $0xb8;
	[tilespmem:$0x15B80] =	vst v63  }
0xf4: {  	s0 =	sld [smem:$0x7F0]  }
0xf5: {  	[tilespmem:s30], [sflag:$0x1] =	stream.indirect.gather [hbm4b:s3+s4], $0x20, s1, s4, $0xb8;
	[tilespmem:$0x15B80] =	vst v63  }
0xf6: {  	s1 =	sld [smem:$0x7F1]  }
0xf7: {  	[tilespmem:s28], [sflag:$0x1] =	stream.indirect.gather [hbm4b:s3+s4], $0x20, s0, s4, $0xb8;
	[tilespmem:$0x15B80] =	vst v63  }
0xf8: {  	_ = 	snop  }
0xf9: {  	[tilespmem:s29], [sflag:$0x1] =	stream.indirect.gather [hbm4b:s3+s4], $0x20, s1, s4, $0xb8;
	[tilespmem:$0x15B80] =	vst v63  }
0xfa: {  	_ =	swait.ge [sflag:s7], $0x1000  }
0xfb: {  	[sflag:s7] =	ssyncset.done $0x0  }
0xfc: {  	[sflag:s7] =	ssyncadd.s32 $0xFFFFF000  }
0xfd: {  	_ =	swait.ge [sflag:s7], $0x1000  }
0xfe: {  	[sflag:s7] =	ssyncset.done $0x0  }
0xff: {  	[sflag:s7] =	ssyncadd.s32 $0xFFFFF000  }
0x100: {  	_ =	swait.ge [sflag:s7], $0x1000  }
0x101: {  	[sflag:s7] =	ssyncset.done $0x0  }
0x102: {  	[sflag:s7] =	ssyncadd.s32 $0xFFFFF000  }
0x103: {  	_ =	swait.ge [sflag:s7], $0x1000  }
0x104: {  	[sflag:s7] =	ssyncset.done $0x0  }
0x105: {  	[sflag:s7] =	ssyncadd.s32 $0xFFFFF000  }
0x106: {  	_ =	swait.ge [sflag:s7], $0x1000  }
0x107: {  	[sflag:s7] =	ssyncset.done $0x0  }
0x108: {  	[sflag:s7] =	ssyncadd.s32 $0xFFFFF000  }
0x109: {  	_ =	swait.ge [sflag:s7], $0x1000  }
0x10a: {  	[sflag:s7] =	ssyncset.done $0x0  }
0x10b: {  	[sflag:s7] =	ssyncadd.s32 $0xFFFFF000  }
0x10c: {  	_ =	swait.ge [sflag:s7], $0x1000  }
0x10d: {  	[sflag:s7] =	ssyncset.done $0x0  }
0x10e: {  	[sflag:s7] =	ssyncadd.s32 $0xFFFFF000  }
0x10f: {  	_ =	swait.ge [sflag:s7], $0x1000  }
0x110: {  	[sflag:s7] =	ssyncset.done $0x0  }
0x111: {  	[sflag:s7] =	ssyncadd.s32 $0xFFFFF000  }
0x112: {  	_ =	swait.ge [sflag:s7], $0x1000  }
0x113: {  	[sflag:s7] =	ssyncset.done $0x0  }
0x114: {  	[sflag:s7] =	ssyncadd.s32 $0xFFFFF000  }
0x115: {  	_ =	swait.ge [sflag:s7], $0x1000  }
0x116: {  	[sflag:s7] =	ssyncset.done $0x0  }
0x117: {  	s1 =	rddreg [dreg:$0x9];
	[sflag:s7] =	ssyncadd.s32 $0xFFFFF000  }
0x118: {  	[hbm4b:s1+s2] =	stream.linear.scatter [tilespmem:s8], [sflag:$0x2], $0xA000, $0x38;
	[tilespmem:$0x15B80] =	vst v63  }
0x119: {  	_ =	swait.ge [sflag:s9], $0xA000  }
0x11a: {  	s0 =	sld [smem:$0x7F2]  }
0x11b: {  	[sflag:s9] =	ssyncset.done $0x0  }
0x11c: {  	s1 =	sld [smem:$0x7F3];
	[sflag:s9] =	ssyncadd.s32 $0xFFFF6000  }
0x11d: {  	[tilespmem:s6], [sflag:$0x1] =	stream.indirect.gather [hbm4b:s3+s4], $0x20, s0, s4, $0xb8;
	[tilespmem:$0x15B80] =	vst v63  }
0x11e: {  	s0 =	sld [smem:$0x7F4]  }
0x11f: {  	[tilespmem:s14], [sflag:$0x1] =	stream.indirect.gather [hbm4b:s3+s4], $0x20, s1, s4, $0xb8;
	[tilespmem:$0x15B80] =	vst v63  }
0x120: {  	s1 =	sld [smem:$0x7F5]  }
0x121: {  	[tilespmem:s15], [sflag:$0x1] =	stream.indirect.gather [hbm4b:s3+s4], $0x20, s0, s4, $0xb8;
	[tilespmem:$0x15B80] =	vst v63  }
0x122: {  	s0 =	sld [smem:$0x7F6]  }
0x123: {  	[tilespmem:s18], [sflag:$0x1] =	stream.indirect.gather [hbm4b:s3+s4], $0x20, s1, s4, $0xb8;
	[tilespmem:$0x15B80] =	vst v63  }
0x124: {  	s1 =	sld [smem:$0x7F7]  }
0x125: {  	[tilespmem:s19], [sflag:$0x1] =	stream.indirect.gather [hbm4b:s3+s4], $0x20, s0, s4, $0xb8;
	[tilespmem:$0x15B80] =	vst v63  }
0x126: {  	s0 =	sld [smem:$0x7F8]  }
0x127: {  	[tilespmem:s20], [sflag:$0x1] =	stream.indirect.gather [hbm4b:s3+s4], $0x20, s1, s4, $0xb8;
	[tilespmem:$0x15B80] =	vst v63  }
0x128: {  	s1 =	sld [smem:$0x7F9]  }
0x129: {  	[tilespmem:s21], [sflag:$0x1] =	stream.indirect.gather [hbm4b:s3+s4], $0x20, s0, s4, $0xb8;
	[tilespmem:$0x15B80] =	vst v63  }
0x12a: {  	s0 =	sld [smem:$0x7FA]  }
0x12b: {  	[tilespmem:s22], [sflag:$0x1] =	stream.indirect.gather [hbm4b:s3+s4], $0x20, s1, s4, $0xb8;
	[tilespmem:$0x15B80] =	vst v63  }
0x12c: {  	s1 =	sld [smem:$0x7FB]  }
0x12d: {  	[tilespmem:s23], [sflag:$0x1] =	stream.indirect.gather [hbm4b:s3+s4], $0x20, s0, s4, $0xb8;
	[tilespmem:$0x15B80] =	vst v63  }
0x12e: {  	_ = 	snop  }
0x12f: {  	[tilespmem:s24], [sflag:$0x1] =	stream.indirect.gather [hbm4b:s3+s4], $0x20, s1, s4, $0xb8;
	[tilespmem:$0x15B80] =	vst v63  }
0x130: {  	_ =	swait.ge [sflag:s7], $0x1000  }
0x131: {  	[sflag:s7] =	ssyncset.done $0x0  }
0x132: {  	[sflag:s7] =	ssyncadd.s32 $0xFFFFF000  }
0x133: {  	_ =	swait.ge [sflag:s7], $0x1000  }
0x134: {  	[sflag:s7] =	ssyncset.done $0x0  }
0x135: {  	[sflag:s7] =	ssyncadd.s32 $0xFFFFF000  }
0x136: {  	_ =	swait.ge [sflag:s7], $0x1000  }
0x137: {  	[sflag:s7] =	ssyncset.done $0x0  }
0x138: {  	[sflag:s7] =	ssyncadd.s32 $0xFFFFF000  }
0x139: {  	_ =	swait.ge [sflag:s7], $0x1000  }
0x13a: {  	[sflag:s7] =	ssyncset.done $0x0  }
0x13b: {  	[sflag:s7] =	ssyncadd.s32 $0xFFFFF000  }
0x13c: {  	_ =	swait.ge [sflag:s7], $0x1000  }
0x13d: {  	[sflag:s7] =	ssyncset.done $0x0  }
0x13e: {  	[sflag:s7] =	ssyncadd.s32 $0xFFFFF000  }
0x13f: {  	_ =	swait.ge [sflag:s7], $0x1000  }
0x140: {  	[sflag:s7] =	ssyncset.done $0x0  }
0x141: {  	[sflag:s7] =	ssyncadd.s32 $0xFFFFF000  }
0x142: {  	_ =	swait.ge [sflag:s7], $0x1000  }
0x143: {  	[sflag:s7] =	ssyncset.done $0x0  }
0x144: {  	[sflag:s7] =	ssyncadd.s32 $0xFFFFF000  }
0x145: {  	_ =	swait.ge [sflag:s7], $0x1000  }
0x146: {  	[sflag:s7] =	ssyncset.done $0x0  }
0x147: {  	[sflag:s7] =	ssyncadd.s32 $0xFFFFF000  }
0x148: {  	_ =	swait.ge [sflag:s7], $0x1000  }
0x149: {  	[sflag:s7] =	ssyncset.done $0x0  }
0x14a: {  	[sflag:s7] =	ssyncadd.s32 $0xFFFFF000  }
0x14b: {  	_ =	swait.ge [sflag:s7], $0x1000  }
0x14c: {  	[sflag:s7] =	ssyncset.done $0x0  }
0x14d: {  	s1 =	rddreg [dreg:$0xa];
	[sflag:s7] =	ssyncadd.s32 $0xFFFFF000  }
0x14e: {  	[hbm4b:s1+s2] =	stream.linear.scatter [tilespmem:s6], [sflag:$0x2], $0xA000, $0x38;
	[tilespmem:$0x15B80] =	vst v63  }
0x14f: {  	_ =	swait.ge [sflag:s9], $0xA000  }
0x150: {  	[sflag:s9] =	ssyncset.done $0x0  }
0x151: {  	s0 =	sld [smem:$0x7FC];
	[sflag:s9] =	ssyncadd.s32 $0xFFFF6000  }
0x152: {  	[tilespmem:s8], [sflag:$0x1] =	stream.indirect.gather [hbm4b:s3+s4], $0x20, s5, s4, $0xb8;
	[tilespmem:$0x15B80] =	vst v63  }
0x153: {  	s1 =	sld [smem:$0x7FD]  }
0x154: {  	[tilespmem:s10], [sflag:$0x1] =	stream.indirect.gather [hbm4b:s3+s4], $0x20, s0, s4, $0xb8;
	[tilespmem:$0x15B80] =	vst v63  }
0x155: {  	_ = 	snop  }
0x156: {  	[tilespmem:s11], [sflag:$0x1] =	stream.indirect.gather [hbm4b:s3+s4], $0x20, s1, s4, $0xb8;
	[tilespmem:$0x15B80] =	vst v63  }
0x157: {  	s1 =	simm.s32 $0x1A80  }
0x158: {  	[tilespmem:s12], [sflag:$0x1] =	stream.indirect.gather [hbm4b:s3+s4], $0x20, s1, s4, $0xb8;
	[tilespmem:$0x15B80] =	vst v63  }
0x159: {  	_ = 	snop  }
0x15a: {  	[tilespmem:s13], [sflag:$0x1] =	stream.indirect.gather [hbm4b:s3+s4], $0x20, s17, s4, $0xb8;
	[tilespmem:$0x15B80] =	vst v63  }
0x15b: {  	_ =	swait.ge [sflag:s7], $0x1000  }
0x15c: {  	[sflag:s7] =	ssyncset.done $0x0  }
0x15d: {  	[sflag:s7] =	ssyncadd.s32 $0xFFFFF000  }
0x15e: {  	_ =	swait.ge [sflag:s7], $0x1000  }
0x15f: {  	[sflag:s7] =	ssyncset.done $0x0  }
0x160: {  	[sflag:s7] =	ssyncadd.s32 $0xFFFFF000  }
0x161: {  	_ =	swait.ge [sflag:s7], $0x1000  }
0x162: {  	[sflag:s7] =	ssyncset.done $0x0  }
0x163: {  	[sflag:s7] =	ssyncadd.s32 $0xFFFFF000  }
0x164: {  	_ =	swait.ge [sflag:s7], $0x1000  }
0x165: {  	[sflag:s7] =	ssyncset.done $0x0  }
0x166: {  	[sflag:s7] =	ssyncadd.s32 $0xFFFFF000  }
0x167: {  	_ =	swait.ge [sflag:s7], $0x1000  }
0x168: {  	[sflag:s7] =	ssyncset.done $0x0  }
0x169: {  	p1 =	sne.s32 s16, $0x1;
	s1 =	rddreg [dreg:$0xb];
	[sflag:s7] =	ssyncadd.s32 $0xFFFFF000  }
0x16a: {  	[hbm4b:s1+s2] =	stream.linear.scatter [tilespmem:s8], [sflag:$0x2], $0x5000, $0x38;
	[tilespmem:$0x15B80] =	vst v63  }
.Ltmp1:
0x16b: {  	_ =	swait.ge [sflag:s9], $0xA000;
	(pc) =	sbr.rel @!p1 .LBB2_3-.Ltmp1, $4  }
0x16c: {  	[sflag:s9] =	ssyncset.done $0x0  }
0x16d: {  	[sflag:s9] =	ssyncadd.s32 $0xFFFF6000  }
0x16e: {  	p0 =	por $0x1, $0x1;
	_ =	swait.ge [sflag:s9], $0x5000  }
0x16f: {  	s1 =	sadd.s32 $0xFFFFFFFF, s16;
	s0 =	rddreg [dreg:$0x4];
	[sflag:s9] =	ssyncset.done $0x0  }
.LBB2_4:
0x170: {  	[sflag:s9] =	ssyncadd.s32 $0xFFFFB000  }
0x171: {  	[tilespmem:s2], [sflag:$0x3] =	stream.linear.gather [hbm4b:s0+s2], $0x1900, $0x38;
	[tilespmem:$0x15B80] =	vst v63  }
0x172: {  	_ =	swait.ge [sflag:s31], $0x1900  }
0x173: {  	[sflag:s31] =	ssyncset.done $0x0  }
0x174: {  	s16 =	rddreg [dreg:$0x5];
	[sflag:s31] =	ssyncadd.s32 $0xFFFFE700  }
0x175: {  	[tilespmem:s5], [sflag:$0x3] =	stream.linear.gather [hbm4b:s16+s2], $0x280, $0x38;
	[tilespmem:$0x15B80] =	vst v63  }
0x176: {  	_ =	swait.ge [sflag:s31], $0x280  }
0x177: {  	[sflag:s31] =	ssyncset.done $0x0  }
0x178: {  	[sflag:s31] =	ssyncadd.s32 $0xFFFFFD80  }
0x179: {  	[tilespmem:s6], [sflag:$0x1] =	stream.indirect.gather [hbm4b:s3+s4], $0x20, s2, s4, $0xb8;
	[tilespmem:$0x15B80] =	vst v63  }
0x17a: {  	_ = 	snop  }
0x17b: {  	[tilespmem:s14], [sflag:$0x1] =	stream.indirect.gather [hbm4b:s3+s4], $0x20, s4, s4, $0xb8;
	[tilespmem:$0x15B80] =	vst v63  }
0x17c: {  	s0 =	rddreg [dreg:$0xc]  }
0x17d: {  	[tilespmem:s15], [sflag:$0x1] =	stream.indirect.gather [hbm4b:s3+s4], $0x20, s0, s4, $0xb8;
	[tilespmem:$0x15B80] =	vst v63  }
0x17e: {  	s16 =	rddreg [dreg:$0xd]  }
0x17f: {  	[tilespmem:s18], [sflag:$0x1] =	stream.indirect.gather [hbm4b:s3+s4], $0x20, s16, s4, $0xb8;
	[tilespmem:$0x15B80] =	vst v63  }
0x180: {  	s0 =	rddreg [dreg:$0xe]  }
0x181: {  	[tilespmem:s19], [sflag:$0x1] =	stream.indirect.gather [hbm4b:s3+s4], $0x20, s0, s4, $0xb8;
	[tilespmem:$0x15B80] =	vst v63  }
0x182: {  	s16 =	rddreg [dreg:$0xf]  }
0x183: {  	[tilespmem:s20], [sflag:$0x1] =	stream.indirect.gather [hbm4b:s3+s4], $0x20, s16, s4, $0xb8;
	[tilespmem:$0x15B80] =	vst v63  }
0x184: {  	s0 =	rddreg [dreg:$0x10]  }
0x185: {  	[tilespmem:s21], [sflag:$0x1] =	stream.indirect.gather [hbm4b:s3+s4], $0x20, s0, s4, $0xb8;
	[tilespmem:$0x15B80] =	vst v63  }
0x186: {  	s16 =	rddreg [dreg:$0x11]  }
0x187: {  	[tilespmem:s22], [sflag:$0x1] =	stream.indirect.gather [hbm4b:s3+s4], $0x20, s16, s4, $0xb8;
	[tilespmem:$0x15B80] =	vst v63  }
0x188: {  	s0 =	rddreg [dreg:$0x12]  }
0x189: {  	[tilespmem:s23], [sflag:$0x1] =	stream.indirect.gather [hbm4b:s3+s4], $0x20, s0, s4, $0xb8;
	[tilespmem:$0x15B80] =	vst v63  }
0x18a: {  	s16 =	rddreg [dreg:$0x13]  }
0x18b: {  	[tilespmem:s24], [sflag:$0x1] =	stream.indirect.gather [hbm4b:s3+s4], $0x20, s16, s4, $0xb8;
	[tilespmem:$0x15B80] =	vst v63  }
0x18c: {  	_ =	swait.ge [sflag:s7], $0x1000  }
0x18d: {  	[sflag:s7] =	ssyncset.done $0x0  }
0x18e: {  	[sflag:s7] =	ssyncadd.s32 $0xFFFFF000  }
0x18f: {  	_ =	swait.ge [sflag:s7], $0x1000  }
0x190: {  	[sflag:s7] =	ssyncset.done $0x0  }
0x191: {  	[sflag:s7] =	ssyncadd.s32 $0xFFFFF000  }
0x192: {  	_ =	swait.ge [sflag:s7], $0x1000  }
0x193: {  	[sflag:s7] =	ssyncset.done $0x0  }
0x194: {  	[sflag:s7] =	ssyncadd.s32 $0xFFFFF000  }
0x195: {  	_ =	swait.ge [sflag:s7], $0x1000  }
0x196: {  	[sflag:s7] =	ssyncset.done $0x0  }
0x197: {  	[sflag:s7] =	ssyncadd.s32 $0xFFFFF000  }
0x198: {  	_ =	swait.ge [sflag:s7], $0x1000  }
0x199: {  	[sflag:s7] =	ssyncset.done $0x0  }
0x19a: {  	[sflag:s7] =	ssyncadd.s32 $0xFFFFF000  }
0x19b: {  	_ =	swait.ge [sflag:s7], $0x1000  }
0x19c: {  	[sflag:s7] =	ssyncset.done $0x0  }
0x19d: {  	[sflag:s7] =	ssyncadd.s32 $0xFFFFF000  }
0x19e: {  	_ =	swait.ge [sflag:s7], $0x1000  }
0x19f: {  	[sflag:s7] =	ssyncset.done $0x0  }
0x1a0: {  	[sflag:s7] =	ssyncadd.s32 $0xFFFFF000  }
0x1a1: {  	_ =	swait.ge [sflag:s7], $0x1000  }
0x1a2: {  	[sflag:s7] =	ssyncset.done $0x0  }
0x1a3: {  	[sflag:s7] =	ssyncadd.s32 $0xFFFFF000  }
0x1a4: {  	_ =	swait.ge [sflag:s7], $0x1000  }
0x1a5: {  	[sflag:s7] =	ssyncset.done $0x0  }
0x1a6: {  	[sflag:s7] =	ssyncadd.s32 $0xFFFFF000  }
0x1a7: {  	_ =	swait.ge [sflag:s7], $0x1000  }
0x1a8: {  	[sflag:s7] =	ssyncset.done $0x0  }
0x1a9: {  	s0 =	rddreg [dreg:$0x6];
	[sflag:s7] =	ssyncadd.s32 $0xFFFFF000  }
0x1aa: {  	[hbm4b:s0+s2] =	stream.linear.scatter [tilespmem:s6], [sflag:$0x2], $0xA000, $0x38;
	[tilespmem:$0x15B80] =	vst v63  }
0x1ab: {  	s16 =	rddreg [dreg:$0x14]  }
0x1ac: {  	[tilespmem:s8], [sflag:$0x1] =	stream.indirect.gather [hbm4b:s3+s4], $0x20, s16, s4, $0xb8;
	[tilespmem:$0x15B80] =	vst v63  }
0x1ad: {  	s0 =	rddreg [dreg:$0x15]  }
0x1ae: {  	[tilespmem:s10], [sflag:$0x1] =	stream.indirect.gather [hbm4b:s3+s4], $0x20, s0, s4, $0xb8;
	[tilespmem:$0x15B80] =	vst v63  }
0x1af: {  	s16 =	rddreg [dreg:$0x16]  }
0x1b0: {  	[tilespmem:s11], [sflag:$0x1] =	stream.indirect.gather [hbm4b:s3+s4], $0x20, s16, s4, $0xb8;
	[tilespmem:$0x15B80] =	vst v63  }
0x1b1: {  	s0 =	rddreg [dreg:$0x17]  }
0x1b2: {  	[tilespmem:s12], [sflag:$0x1] =	stream.indirect.gather [hbm4b:s3+s4], $0x20, s0, s4, $0xb8;
	[tilespmem:$0x15B80] =	vst v63  }
0x1b3: {  	s16 =	rddreg [dreg:$0x18]  }
0x1b4: {  	[tilespmem:s13], [sflag:$0x1] =	stream.indirect.gather [hbm4b:s3+s4], $0x20, s16, s4, $0xb8;
	[tilespmem:$0x15B80] =	vst v63  }
0x1b5: {  	s0 =	rddreg [dreg:$0x19]  }
0x1b6: {  	[tilespmem:s25], [sflag:$0x1] =	stream.indirect.gather [hbm4b:s3+s4], $0x20, s0, s4, $0xb8;
	[tilespmem:$0x15B80] =	vst v63  }
0x1b7: {  	s16 =	rddreg [dreg:$0x1a]  }
0x1b8: {  	[tilespmem:s26], [sflag:$0x1] =	stream.indirect.gather [hbm4b:s3+s4], $0x20, s16, s4, $0xb8;
	[tilespmem:$0x15B80] =	vst v63  }
0x1b9: {  	s0 =	rddreg [dreg:$0x1b]  }
0x1ba: {  	[tilespmem:s30], [sflag:$0x1] =	stream.indirect.gather [hbm4b:s3+s4], $0x20, s0, s4, $0xb8;
	[tilespmem:$0x15B80] =	vst v63  }
0x1bb: {  	s16 =	rddreg [dreg:$0x1c]  }
0x1bc: {  	[tilespmem:s28], [sflag:$0x1] =	stream.indirect.gather [hbm4b:s3+s4], $0x20, s16, s4, $0xb8;
	[tilespmem:$0x15B80] =	vst v63  }
0x1bd: {  	s0 =	rddreg [dreg:$0x1d]  }
0x1be: {  	[tilespmem:s29], [sflag:$0x1] =	stream.indirect.gather [hbm4b:s3+s4], $0x20, s0, s4, $0xb8;
	[tilespmem:$0x15B80] =	vst v63  }
0x1bf: {  	_ =	swait.ge [sflag:s7], $0x1000  }
0x1c0: {  	[sflag:s7] =	ssyncset.done $0x0  }
0x1c1: {  	[sflag:s7] =	ssyncadd.s32 $0xFFFFF000  }
0x1c2: {  	_ =	swait.ge [sflag:s7], $0x1000  }
0x1c3: {  	[sflag:s7] =	ssyncset.done $0x0  }
0x1c4: {  	[sflag:s7] =	ssyncadd.s32 $0xFFFFF000  }
0x1c5: {  	_ =	swait.ge [sflag:s7], $0x1000  }
0x1c6: {  	[sflag:s7] =	ssyncset.done $0x0  }
0x1c7: {  	[sflag:s7] =	ssyncadd.s32 $0xFFFFF000  }
0x1c8: {  	_ =	swait.ge [sflag:s7], $0x1000  }
0x1c9: {  	[sflag:s7] =	ssyncset.done $0x0  }
0x1ca: {  	[sflag:s7] =	ssyncadd.s32 $0xFFFFF000  }
0x1cb: {  	_ =	swait.ge [sflag:s7], $0x1000  }
0x1cc: {  	[sflag:s7] =	ssyncset.done $0x0  }
0x1cd: {  	[sflag:s7] =	ssyncadd.s32 $0xFFFFF000  }
0x1ce: {  	_ =	swait.ge [sflag:s7], $0x1000  }
0x1cf: {  	[sflag:s7] =	ssyncset.done $0x0  }
0x1d0: {  	[sflag:s7] =	ssyncadd.s32 $0xFFFFF000  }
0x1d1: {  	_ =	swait.ge [sflag:s7], $0x1000  }
0x1d2: {  	[sflag:s7] =	ssyncset.done $0x0  }
0x1d3: {  	[sflag:s7] =	ssyncadd.s32 $0xFFFFF000  }
0x1d4: {  	_ =	swait.ge [sflag:s7], $0x1000  }
0x1d5: {  	[sflag:s7] =	ssyncset.done $0x0  }
0x1d6: {  	[sflag:s7] =	ssyncadd.s32 $0xFFFFF000  }
0x1d7: {  	_ =	swait.ge [sflag:s7], $0x1000  }
0x1d8: {  	[sflag:s7] =	ssyncset.done $0x0  }
0x1d9: {  	[sflag:s7] =	ssyncadd.s32 $0xFFFFF000  }
0x1da: {  	_ =	swait.ge [sflag:s7], $0x1000  }
0x1db: {  	[sflag:s7] =	ssyncset.done $0x0  }
0x1dc: {  	s16 =	rddreg [dreg:$0x7];
	[sflag:s7] =	ssyncadd.s32 $0xFFFFF000  }
0x1dd: {  	[hbm4b:s16+s2] =	stream.linear.scatter [tilespmem:s8], [sflag:$0x2], $0xA000, $0x38;
	[tilespmem:$0x15B80] =	vst v63  }
0x1de: {  	_ =	swait.ge [sflag:s9], $0xA000  }
0x1df: {  	s0 =	rddreg [dreg:$0x1e];
	[sflag:s9] =	ssyncset.done $0x0  }
0x1e0: {  	s16 =	rddreg [dreg:$0x1f];
	[sflag:s9] =	ssyncadd.s32 $0xFFFF6000  }
0x1e1: {  	[tilespmem:s6], [sflag:$0x1] =	stream.indirect.gather [hbm4b:s3+s4], $0x20, s0, s4, $0xb8;
	[tilespmem:$0x15B80] =	vst v63  }
0x1e2: {  	s0 =	sld [smem:$0x7E0]  }
0x1e3: {  	[tilespmem:s14], [sflag:$0x1] =	stream.indirect.gather [hbm4b:s3+s4], $0x20, s16, s4, $0xb8;
	[tilespmem:$0x15B80] =	vst v63  }
0x1e4: {  	s16 =	sld [smem:$0x7E1]  }
0x1e5: {  	[tilespmem:s15], [sflag:$0x1] =	stream.indirect.gather [hbm4b:s3+s4], $0x20, s0, s4, $0xb8;
	[tilespmem:$0x15B80] =	vst v63  }
0x1e6: {  	s0 =	sld [smem:$0x7E2]  }
0x1e7: {  	[tilespmem:s18], [sflag:$0x1] =	stream.indirect.gather [hbm4b:s3+s4], $0x20, s16, s4, $0xb8;
	[tilespmem:$0x15B80] =	vst v63  }
0x1e8: {  	s16 =	sld [smem:$0x7E3]  }
0x1e9: {  	[tilespmem:s19], [sflag:$0x1] =	stream.indirect.gather [hbm4b:s3+s4], $0x20, s0, s4, $0xb8;
	[tilespmem:$0x15B80] =	vst v63  }
0x1ea: {  	s0 =	sld [smem:$0x7E4]  }
0x1eb: {  	[tilespmem:s20], [sflag:$0x1] =	stream.indirect.gather [hbm4b:s3+s4], $0x20, s16, s4, $0xb8;
	[tilespmem:$0x15B80] =	vst v63  }
0x1ec: {  	s16 =	sld [smem:$0x7E5]  }
0x1ed: {  	[tilespmem:s21], [sflag:$0x1] =	stream.indirect.gather [hbm4b:s3+s4], $0x20, s0, s4, $0xb8;
	[tilespmem:$0x15B80] =	vst v63  }
0x1ee: {  	s0 =	sld [smem:$0x7E6]  }
0x1ef: {  	[tilespmem:s22], [sflag:$0x1] =	stream.indirect.gather [hbm4b:s3+s4], $0x20, s16, s4, $0xb8;
	[tilespmem:$0x15B80] =	vst v63  }
0x1f0: {  	s16 =	sld [smem:$0x7E7]  }
0x1f1: {  	[tilespmem:s23], [sflag:$0x1] =	stream.indirect.gather [hbm4b:s3+s4], $0x20, s0, s4, $0xb8;
	[tilespmem:$0x15B80] =	vst v63  }
0x1f2: {  	_ = 	snop  }
0x1f3: {  	[tilespmem:s24], [sflag:$0x1] =	stream.indirect.gather [hbm4b:s3+s4], $0x20, s16, s4, $0xb8;
	[tilespmem:$0x15B80] =	vst v63  }
0x1f4: {  	_ =	swait.ge [sflag:s7], $0x1000  }
0x1f5: {  	[sflag:s7] =	ssyncset.done $0x0  }
0x1f6: {  	[sflag:s7] =	ssyncadd.s32 $0xFFFFF000  }
0x1f7: {  	_ =	swait.ge [sflag:s7], $0x1000  }
0x1f8: {  	[sflag:s7] =	ssyncset.done $0x0  }
0x1f9: {  	[sflag:s7] =	ssyncadd.s32 $0xFFFFF000  }
0x1fa: {  	_ =	swait.ge [sflag:s7], $0x1000  }
0x1fb: {  	[sflag:s7] =	ssyncset.done $0x0  }
0x1fc: {  	[sflag:s7] =	ssyncadd.s32 $0xFFFFF000  }
0x1fd: {  	_ =	swait.ge [sflag:s7], $0x1000  }
0x1fe: {  	[sflag:s7] =	ssyncset.done $0x0  }
0x1ff: {  	[sflag:s7] =	ssyncadd.s32 $0xFFFFF000  }
0x200: {  	_ =	swait.ge [sflag:s7], $0x1000  }
0x201: {  	[sflag:s7] =	ssyncset.done $0x0  }
0x202: {  	[sflag:s7] =	ssyncadd.s32 $0xFFFFF000  }
0x203: {  	_ =	swait.ge [sflag:s7], $0x1000  }
0x204: {  	[sflag:s7] =	ssyncset.done $0x0  }
0x205: {  	[sflag:s7] =	ssyncadd.s32 $0xFFFFF000  }
0x206: {  	_ =	swait.ge [sflag:s7], $0x1000  }
0x207: {  	[sflag:s7] =	ssyncset.done $0x0  }
0x208: {  	[sflag:s7] =	ssyncadd.s32 $0xFFFFF000  }
0x209: {  	_ =	swait.ge [sflag:s7], $0x1000  }
0x20a: {  	[sflag:s7] =	ssyncset.done $0x0  }
0x20b: {  	[sflag:s7] =	ssyncadd.s32 $0xFFFFF000  }
0x20c: {  	_ =	swait.ge [sflag:s7], $0x1000  }
0x20d: {  	[sflag:s7] =	ssyncset.done $0x0  }
0x20e: {  	[sflag:s7] =	ssyncadd.s32 $0xFFFFF000  }
0x20f: {  	_ =	swait.ge [sflag:s7], $0x1000  }
0x210: {  	[sflag:s7] =	ssyncset.done $0x0  }
0x211: {  	s16 =	rddreg [dreg:$0x8];
	[sflag:s7] =	ssyncadd.s32 $0xFFFFF000  }
0x212: {  	[hbm4b:s16+s2] =	stream.linear.scatter [tilespmem:s6], [sflag:$0x2], $0xA000, $0x38;
	[tilespmem:$0x15B80] =	vst v63  }
0x213: {  	_ =	swait.ge [sflag:s9], $0xA000  }
0x214: {  	s0 =	sld [smem:$0x7E8]  }
0x215: {  	[sflag:s9] =	ssyncset.done $0x0  }
0x216: {  	s16 =	sld [smem:$0x7E9];
	[sflag:s9] =	ssyncadd.s32 $0xFFFF6000  }
0x217: {  	[tilespmem:s8], [sflag:$0x1] =	stream.indirect.gather [hbm4b:s3+s4], $0x20, s0, s4, $0xb8;
	[tilespmem:$0x15B80] =	vst v63  }
0x218: {  	s0 =	sld [smem:$0x7EA]  }
0x219: {  	[tilespmem:s10], [sflag:$0x1] =	stream.indirect.gather [hbm4b:s3+s4], $0x20, s16, s4, $0xb8;
	[tilespmem:$0x15B80] =	vst v63  }
0x21a: {  	s16 =	sld [smem:$0x7EB]  }
0x21b: {  	[tilespmem:s11], [sflag:$0x1] =	stream.indirect.gather [hbm4b:s3+s4], $0x20, s0, s4, $0xb8;
	[tilespmem:$0x15B80] =	vst v63  }
0x21c: {  	s0 =	sld [smem:$0x7EC]  }
0x21d: {  	[tilespmem:s12], [sflag:$0x1] =	stream.indirect.gather [hbm4b:s3+s4], $0x20, s16, s4, $0xb8;
	[tilespmem:$0x15B80] =	vst v63  }
0x21e: {  	s16 =	sld [smem:$0x7ED]  }
0x21f: {  	[tilespmem:s13], [sflag:$0x1] =	stream.indirect.gather [hbm4b:s3+s4], $0x20, s0, s4, $0xb8;
	[tilespmem:$0x15B80] =	vst v63  }
0x220: {  	s0 =	sld [smem:$0x7EE]  }
0x221: {  	[tilespmem:s25], [sflag:$0x1] =	stream.indirect.gather [hbm4b:s3+s4], $0x20, s16, s4, $0xb8;
	[tilespmem:$0x15B80] =	vst v63  }
0x222: {  	s16 =	sld [smem:$0x7EF]  }
0x223: {  	[tilespmem:s26], [sflag:$0x1] =	stream.indirect.gather [hbm4b:s3+s4], $0x20, s0, s4, $0xb8;
	[tilespmem:$0x15B80] =	vst v63  }
0x224: {  	s0 =	sld [smem:$0x7F0]  }
0x225: {  	[tilespmem:s30], [sflag:$0x1] =	stream.indirect.gather [hbm4b:s3+s4], $0x20, s16, s4, $0xb8;
	[tilespmem:$0x15B80] =	vst v63  }
0x226: {  	s16 =	sld [smem:$0x7F1]  }
0x227: {  	[tilespmem:s28], [sflag:$0x1] =	stream.indirect.gather [hbm4b:s3+s4], $0x20, s0, s4, $0xb8;
	[tilespmem:$0x15B80] =	vst v63  }
0x228: {  	_ = 	snop  }
0x229: {  	[tilespmem:s29], [sflag:$0x1] =	stream.indirect.gather [hbm4b:s3+s4], $0x20, s16, s4, $0xb8;
	[tilespmem:$0x15B80] =	vst v63  }
0x22a: {  	_ =	swait.ge [sflag:s7], $0x1000  }
0x22b: {  	[sflag:s7] =	ssyncset.done $0x0  }
0x22c: {  	[sflag:s7] =	ssyncadd.s32 $0xFFFFF000  }
0x22d: {  	_ =	swait.ge [sflag:s7], $0x1000  }
0x22e: {  	[sflag:s7] =	ssyncset.done $0x0  }
0x22f: {  	[sflag:s7] =	ssyncadd.s32 $0xFFFFF000  }
0x230: {  	_ =	swait.ge [sflag:s7], $0x1000  }
0x231: {  	[sflag:s7] =	ssyncset.done $0x0  }
0x232: {  	[sflag:s7] =	ssyncadd.s32 $0xFFFFF000  }
0x233: {  	_ =	swait.ge [sflag:s7], $0x1000  }
0x234: {  	[sflag:s7] =	ssyncset.done $0x0  }
0x235: {  	[sflag:s7] =	ssyncadd.s32 $0xFFFFF000  }
0x236: {  	_ =	swait.ge [sflag:s7], $0x1000  }
0x237: {  	[sflag:s7] =	ssyncset.done $0x0  }
0x238: {  	[sflag:s7] =	ssyncadd.s32 $0xFFFFF000  }
0x239: {  	_ =	swait.ge [sflag:s7], $0x1000  }
0x23a: {  	[sflag:s7] =	ssyncset.done $0x0  }
0x23b: {  	[sflag:s7] =	ssyncadd.s32 $0xFFFFF000  }
0x23c: {  	_ =	swait.ge [sflag:s7], $0x1000  }
0x23d: {  	[sflag:s7] =	ssyncset.done $0x0  }
0x23e: {  	[sflag:s7] =	ssyncadd.s32 $0xFFFFF000  }
0x23f: {  	_ =	swait.ge [sflag:s7], $0x1000  }
0x240: {  	[sflag:s7] =	ssyncset.done $0x0  }
0x241: {  	[sflag:s7] =	ssyncadd.s32 $0xFFFFF000  }
0x242: {  	_ =	swait.ge [sflag:s7], $0x1000  }
0x243: {  	[sflag:s7] =	ssyncset.done $0x0  }
0x244: {  	[sflag:s7] =	ssyncadd.s32 $0xFFFFF000  }
0x245: {  	_ =	swait.ge [sflag:s7], $0x1000  }
0x246: {  	[sflag:s7] =	ssyncset.done $0x0  }
0x247: {  	s16 =	rddreg [dreg:$0x9];
	[sflag:s7] =	ssyncadd.s32 $0xFFFFF000  }
0x248: {  	[hbm4b:s16+s2] =	stream.linear.scatter [tilespmem:s8], [sflag:$0x2], $0xA000, $0x38;
	[tilespmem:$0x15B80] =	vst v63  }
0x249: {  	_ =	swait.ge [sflag:s9], $0xA000  }
0x24a: {  	s0 =	sld [smem:$0x7F2]  }
0x24b: {  	[sflag:s9] =	ssyncset.done $0x0  }
0x24c: {  	s16 =	sld [smem:$0x7F3];
	[sflag:s9] =	ssyncadd.s32 $0xFFFF6000  }
0x24d: {  	[tilespmem:s6], [sflag:$0x1] =	stream.indirect.gather [hbm4b:s3+s4], $0x20, s0, s4, $0xb8;
	[tilespmem:$0x15B80] =	vst v63  }
0x24e: {  	s0 =	sld [smem:$0x7F4]  }
0x24f: {  	[tilespmem:s14], [sflag:$0x1] =	stream.indirect.gather [hbm4b:s3+s4], $0x20, s16, s4, $0xb8;
	[tilespmem:$0x15B80] =	vst v63  }
0x250: {  	s16 =	sld [smem:$0x7F5]  }
0x251: {  	[tilespmem:s15], [sflag:$0x1] =	stream.indirect.gather [hbm4b:s3+s4], $0x20, s0, s4, $0xb8;
	[tilespmem:$0x15B80] =	vst v63  }
0x252: {  	s0 =	sld [smem:$0x7F6]  }
0x253: {  	[tilespmem:s18], [sflag:$0x1] =	stream.indirect.gather [hbm4b:s3+s4], $0x20, s16, s4, $0xb8;
	[tilespmem:$0x15B80] =	vst v63  }
0x254: {  	s16 =	sld [smem:$0x7F7]  }
0x255: {  	[tilespmem:s19], [sflag:$0x1] =	stream.indirect.gather [hbm4b:s3+s4], $0x20, s0, s4, $0xb8;
	[tilespmem:$0x15B80] =	vst v63  }
0x256: {  	s0 =	sld [smem:$0x7F8]  }
0x257: {  	[tilespmem:s20], [sflag:$0x1] =	stream.indirect.gather [hbm4b:s3+s4], $0x20, s16, s4, $0xb8;
	[tilespmem:$0x15B80] =	vst v63  }
0x258: {  	s16 =	sld [smem:$0x7F9]  }
0x259: {  	[tilespmem:s21], [sflag:$0x1] =	stream.indirect.gather [hbm4b:s3+s4], $0x20, s0, s4, $0xb8;
	[tilespmem:$0x15B80] =	vst v63  }
0x25a: {  	s0 =	sld [smem:$0x7FA]  }
0x25b: {  	[tilespmem:s22], [sflag:$0x1] =	stream.indirect.gather [hbm4b:s3+s4], $0x20, s16, s4, $0xb8;
	[tilespmem:$0x15B80] =	vst v63  }
0x25c: {  	s16 =	sld [smem:$0x7FB]  }
0x25d: {  	[tilespmem:s23], [sflag:$0x1] =	stream.indirect.gather [hbm4b:s3+s4], $0x20, s0, s4, $0xb8;
	[tilespmem:$0x15B80] =	vst v63  }
0x25e: {  	_ = 	snop  }
0x25f: {  	[tilespmem:s24], [sflag:$0x1] =	stream.indirect.gather [hbm4b:s3+s4], $0x20, s16, s4, $0xb8;
	[tilespmem:$0x15B80] =	vst v63  }
0x260: {  	_ =	swait.ge [sflag:s7], $0x1000  }
0x261: {  	[sflag:s7] =	ssyncset.done $0x0  }
0x262: {  	[sflag:s7] =	ssyncadd.s32 $0xFFFFF000  }
0x263: {  	_ =	swait.ge [sflag:s7], $0x1000  }
0x264: {  	[sflag:s7] =	ssyncset.done $0x0  }
0x265: {  	[sflag:s7] =	ssyncadd.s32 $0xFFFFF000  }
0x266: {  	_ =	swait.ge [sflag:s7], $0x1000  }
0x267: {  	[sflag:s7] =	ssyncset.done $0x0  }
0x268: {  	[sflag:s7] =	ssyncadd.s32 $0xFFFFF000  }
0x269: {  	_ =	swait.ge [sflag:s7], $0x1000  }
0x26a: {  	[sflag:s7] =	ssyncset.done $0x0  }
0x26b: {  	[sflag:s7] =	ssyncadd.s32 $0xFFFFF000  }
0x26c: {  	_ =	swait.ge [sflag:s7], $0x1000  }
0x26d: {  	[sflag:s7] =	ssyncset.done $0x0  }
0x26e: {  	[sflag:s7] =	ssyncadd.s32 $0xFFFFF000  }
0x26f: {  	_ =	swait.ge [sflag:s7], $0x1000  }
0x270: {  	[sflag:s7] =	ssyncset.done $0x0  }
0x271: {  	[sflag:s7] =	ssyncadd.s32 $0xFFFFF000  }
0x272: {  	_ =	swait.ge [sflag:s7], $0x1000  }
0x273: {  	[sflag:s7] =	ssyncset.done $0x0  }
0x274: {  	[sflag:s7] =	ssyncadd.s32 $0xFFFFF000  }
0x275: {  	_ =	swait.ge [sflag:s7], $0x1000  }
0x276: {  	[sflag:s7] =	ssyncset.done $0x0  }
0x277: {  	[sflag:s7] =	ssyncadd.s32 $0xFFFFF000  }
0x278: {  	_ =	swait.ge [sflag:s7], $0x1000  }
0x279: {  	[sflag:s7] =	ssyncset.done $0x0  }
0x27a: {  	[sflag:s7] =	ssyncadd.s32 $0xFFFFF000  }
0x27b: {  	_ =	swait.ge [sflag:s7], $0x1000  }
0x27c: {  	[sflag:s7] =	ssyncset.done $0x0  }
0x27d: {  	s16 =	rddreg [dreg:$0xa];
	[sflag:s7] =	ssyncadd.s32 $0xFFFFF000  }
0x27e: {  	[hbm4b:s16+s2] =	stream.linear.scatter [tilespmem:s6], [sflag:$0x2], $0xA000, $0x38;
	[tilespmem:$0x15B80] =	vst v63  }
0x27f: {  	_ =	swait.ge [sflag:s9], $0xA000  }
0x280: {  	[sflag:s9] =	ssyncset.done $0x0  }
0x281: {  	s0 =	sld [smem:$0x7FC];
	[sflag:s9] =	ssyncadd.s32 $0xFFFF6000  }
0x282: {  	[tilespmem:s8], [sflag:$0x1] =	stream.indirect.gather [hbm4b:s3+s4], $0x20, s5, s4, $0xb8;
	[tilespmem:$0x15B80] =	vst v63  }
0x283: {  	s16 =	sld [smem:$0x7FD]  }
0x284: {  	[tilespmem:s10], [sflag:$0x1] =	stream.indirect.gather [hbm4b:s3+s4], $0x20, s0, s4, $0xb8;
	[tilespmem:$0x15B80] =	vst v63  }
0x285: {  	_ = 	snop  }
0x286: {  	[tilespmem:s11], [sflag:$0x1] =	stream.indirect.gather [hbm4b:s3+s4], $0x20, s16, s4, $0xb8;
	[tilespmem:$0x15B80] =	vst v63  }
0x287: {  	s16 =	simm.s32 $0x1A80  }
0x288: {  	[tilespmem:s12], [sflag:$0x1] =	stream.indirect.gather [hbm4b:s3+s4], $0x20, s16, s4, $0xb8;
	[tilespmem:$0x15B80] =	vst v63  }
0x289: {  	_ = 	snop  }
0x28a: {  	[tilespmem:s13], [sflag:$0x1] =	stream.indirect.gather [hbm4b:s3+s4], $0x20, s17, s4, $0xb8;
	[tilespmem:$0x15B80] =	vst v63  }
0x28b: {  	_ =	swait.ge [sflag:s7], $0x1000  }
0x28c: {  	[sflag:s7] =	ssyncset.done $0x0  }
0x28d: {  	[sflag:s7] =	ssyncadd.s32 $0xFFFFF000  }
0x28e: {  	_ =	swait.ge [sflag:s7], $0x1000  }
0x28f: {  	[sflag:s7] =	ssyncset.done $0x0  }
0x290: {  	[sflag:s7] =	ssyncadd.s32 $0xFFFFF000  }
0x291: {  	_ =	swait.ge [sflag:s7], $0x1000  }
0x292: {  	[sflag:s7] =	ssyncset.done $0x0  }
0x293: {  	[sflag:s7] =	ssyncadd.s32 $0xFFFFF000  }
0x294: {  	_ =	swait.ge [sflag:s7], $0x1000  }
0x295: {  	[sflag:s7] =	ssyncset.done $0x0  }
0x296: {  	[sflag:s7] =	ssyncadd.s32 $0xFFFFF000  }
0x297: {  	_ =	swait.ge [sflag:s7], $0x1000  }
0x298: {  	[sflag:s7] =	ssyncset.done $0x0  }
0x299: {  	p1 =	sne.s32 s1, $0x1;
	s16 =	rddreg [dreg:$0xb];
	[sflag:s7] =	ssyncadd.s32 $0xFFFFF000  }
0x29a: {  	[hbm4b:s16+s2] =	stream.linear.scatter [tilespmem:s8], [sflag:$0x2], $0x5000, $0x38;
	[tilespmem:$0x15B80] =	vst v63  }
.Ltmp2:
0x29b: {  	_ =	swait.ge [sflag:s9], $0xA000;
	(pc) =	sbr.rel @p1 .LBB2_4-.Ltmp2, $4  }
0x29c: {  	[sflag:s9] =	ssyncset.done $0x0  }
0x29d: {  	[sflag:s9] =	ssyncadd.s32 $0xFFFF6000  }
0x29e: {  	_ =	swait.ge [sflag:s9], $0x5000  }
0x29f: {  	s1 =	sadd.s32 $0xFFFFFFFF, s1;
	s0 =	rddreg [dreg:$0x4];
	[sflag:s9] =	ssyncset.done $0x0  }
0x2a0: {  	s17 =	simm.s32 $0x1A80;
	s16 =	stileid.u32  }
.LBB2_6:
0x2a1: {  	[sflag:s9] =	ssyncadd.s32 @p0 $0xFFFFB000  }
0x2a2: {  	[tilespmem:s2], [sflag:$0x3] =	stream.linear.gather [hbm4b:s0+s2], $0x1900, $0x38;
	[tilespmem:$0x15B80] =	vst v63  }
0x2a3: {  	_ =	swait.ge [sflag:s31], $0x1900  }
0x2a4: {  	[sflag:s31] =	ssyncset.done $0x0  }
0x2a5: {  	s1 =	rddreg [dreg:$0x5];
	[sflag:s31] =	ssyncadd.s32 $0xFFFFE700  }
0x2a6: {  	[tilespmem:s5], [sflag:$0x3] =	stream.linear.gather [hbm4b:s1+s2], $0x280, $0x38;
	[tilespmem:$0x15B80] =	vst v63  }
0x2a7: {  	_ =	swait.ge [sflag:s31], $0x280  }
0x2a8: {  	[sflag:s31] =	ssyncset.done $0x0  }
0x2a9: {  	[sflag:s31] =	ssyncadd.s32 $0xFFFFFD80  }
0x2aa: {  	[tilespmem:s6], [sflag:$0x1] =	stream.indirect.gather [hbm4b:s3+s4], $0x20, s2, s4, $0xb8;
	[tilespmem:$0x15B80] =	vst v63  }
0x2ab: {  	_ = 	snop  }
0x2ac: {  	[tilespmem:s14], [sflag:$0x1] =	stream.indirect.gather [hbm4b:s3+s4], $0x20, s4, s4, $0xb8;
	[tilespmem:$0x15B80] =	vst v63  }
0x2ad: {  	s31 =	rddreg [dreg:$0xc]  }
0x2ae: {  	[tilespmem:s15], [sflag:$0x1] =	stream.indirect.gather [hbm4b:s3+s4], $0x20, s31, s4, $0xb8;
	[tilespmem:$0x15B80] =	vst v63  }
0x2af: {  	s1 =	rddreg [dreg:$0xd]  }
0x2b0: {  	[tilespmem:s18], [sflag:$0x1] =	stream.indirect.gather [hbm4b:s3+s4], $0x20, s1, s4, $0xb8;
	[tilespmem:$0x15B80] =	vst v63  }
0x2b1: {  	s0 =	rddreg [dreg:$0xe]  }
0x2b2: {  	[tilespmem:s19], [sflag:$0x1] =	stream.indirect.gather [hbm4b:s3+s4], $0x20, s0, s4, $0xb8;
	[tilespmem:$0x15B80] =	vst v63  }
0x2b3: {  	s31 =	rddreg [dreg:$0xf]  }
0x2b4: {  	[tilespmem:s20], [sflag:$0x1] =	stream.indirect.gather [hbm4b:s3+s4], $0x20, s31, s4, $0xb8;
	[tilespmem:$0x15B80] =	vst v63  }
0x2b5: {  	s0 =	rddreg [dreg:$0x10]  }
0x2b6: {  	[tilespmem:s21], [sflag:$0x1] =	stream.indirect.gather [hbm4b:s3+s4], $0x20, s0, s4, $0xb8;
	[tilespmem:$0x15B80] =	vst v63  }
0x2b7: {  	s31 =	rddreg [dreg:$0x11]  }
0x2b8: {  	[tilespmem:s22], [sflag:$0x1] =	stream.indirect.gather [hbm4b:s3+s4], $0x20, s31, s4, $0xb8;
	[tilespmem:$0x15B80] =	vst v63  }
0x2b9: {  	s0 =	rddreg [dreg:$0x12]  }
0x2ba: {  	[tilespmem:s23], [sflag:$0x1] =	stream.indirect.gather [hbm4b:s3+s4], $0x20, s0, s4, $0xb8;
	[tilespmem:$0x15B80] =	vst v63  }
0x2bb: {  	s31 =	rddreg [dreg:$0x13]  }
0x2bc: {  	[tilespmem:s24], [sflag:$0x1] =	stream.indirect.gather [hbm4b:s3+s4], $0x20, s31, s4, $0xb8;
	[tilespmem:$0x15B80] =	vst v63  }
0x2bd: {  	_ =	swait.ge [sflag:s7], $0x1000  }
0x2be: {  	[sflag:s7] =	ssyncset.done $0x0  }
0x2bf: {  	[sflag:s7] =	ssyncadd.s32 $0xFFFFF000  }
0x2c0: {  	_ =	swait.ge [sflag:s7], $0x1000  }
0x2c1: {  	[sflag:s7] =	ssyncset.done $0x0  }
0x2c2: {  	[sflag:s7] =	ssyncadd.s32 $0xFFFFF000  }
0x2c3: {  	_ =	swait.ge [sflag:s7], $0x1000  }
0x2c4: {  	[sflag:s7] =	ssyncset.done $0x0  }
0x2c5: {  	[sflag:s7] =	ssyncadd.s32 $0xFFFFF000  }
0x2c6: {  	_ =	swait.ge [sflag:s7], $0x1000  }
0x2c7: {  	[sflag:s7] =	ssyncset.done $0x0  }
0x2c8: {  	[sflag:s7] =	ssyncadd.s32 $0xFFFFF000  }
0x2c9: {  	_ =	swait.ge [sflag:s7], $0x1000  }
0x2ca: {  	[sflag:s7] =	ssyncset.done $0x0  }
0x2cb: {  	[sflag:s7] =	ssyncadd.s32 $0xFFFFF000  }
0x2cc: {  	_ =	swait.ge [sflag:s7], $0x1000  }
0x2cd: {  	[sflag:s7] =	ssyncset.done $0x0  }
0x2ce: {  	[sflag:s7] =	ssyncadd.s32 $0xFFFFF000  }
0x2cf: {  	_ =	swait.ge [sflag:s7], $0x1000  }
0x2d0: {  	[sflag:s7] =	ssyncset.done $0x0  }
0x2d1: {  	[sflag:s7] =	ssyncadd.s32 $0xFFFFF000  }
0x2d2: {  	_ =	swait.ge [sflag:s7], $0x1000  }
0x2d3: {  	[sflag:s7] =	ssyncset.done $0x0  }
0x2d4: {  	[sflag:s7] =	ssyncadd.s32 $0xFFFFF000  }
0x2d5: {  	_ =	swait.ge [sflag:s7], $0x1000  }
0x2d6: {  	[sflag:s7] =	ssyncset.done $0x0  }
0x2d7: {  	[sflag:s7] =	ssyncadd.s32 $0xFFFFF000  }
0x2d8: {  	_ =	swait.ge [sflag:s7], $0x1000  }
0x2d9: {  	[sflag:s7] =	ssyncset.done $0x0  }
0x2da: {  	s31 =	rddreg [dreg:$0x6];
	[sflag:s7] =	ssyncadd.s32 $0xFFFFF000  }
0x2db: {  	[hbm4b:s31+s2] =	stream.linear.scatter [tilespmem:s6], [sflag:$0x2], $0xA000, $0x38;
	[tilespmem:$0x15B80] =	vst v63  }
0x2dc: {  	s1 =	rddreg [dreg:$0x14]  }
0x2dd: {  	[tilespmem:s8], [sflag:$0x1] =	stream.indirect.gather [hbm4b:s3+s4], $0x20, s1, s4, $0xb8;
	[tilespmem:$0x15B80] =	vst v63  }
0x2de: {  	s31 =	rddreg [dreg:$0x15]  }
0x2df: {  	[tilespmem:s10], [sflag:$0x1] =	stream.indirect.gather [hbm4b:s3+s4], $0x20, s31, s4, $0xb8;
	[tilespmem:$0x15B80] =	vst v63  }
0x2e0: {  	s1 =	rddreg [dreg:$0x16]  }
0x2e1: {  	[tilespmem:s11], [sflag:$0x1] =	stream.indirect.gather [hbm4b:s3+s4], $0x20, s1, s4, $0xb8;
	[tilespmem:$0x15B80] =	vst v63  }
0x2e2: {  	s31 =	rddreg [dreg:$0x17]  }
0x2e3: {  	[tilespmem:s12], [sflag:$0x1] =	stream.indirect.gather [hbm4b:s3+s4], $0x20, s31, s4, $0xb8;
	[tilespmem:$0x15B80] =	vst v63  }
0x2e4: {  	s1 =	rddreg [dreg:$0x18]  }
0x2e5: {  	[tilespmem:s13], [sflag:$0x1] =	stream.indirect.gather [hbm4b:s3+s4], $0x20, s1, s4, $0xb8;
	[tilespmem:$0x15B80] =	vst v63  }
0x2e6: {  	s31 =	rddreg [dreg:$0x19]  }
0x2e7: {  	[tilespmem:s25], [sflag:$0x1] =	stream.indirect.gather [hbm4b:s3+s4], $0x20, s31, s4, $0xb8;
	[tilespmem:$0x15B80] =	vst v63  }
0x2e8: {  	s1 =	rddreg [dreg:$0x1a]  }
0x2e9: {  	[tilespmem:s26], [sflag:$0x1] =	stream.indirect.gather [hbm4b:s3+s4], $0x20, s1, s4, $0xb8;
	[tilespmem:$0x15B80] =	vst v63  }
0x2ea: {  	s31 =	rddreg [dreg:$0x1b]  }
0x2eb: {  	[tilespmem:s30], [sflag:$0x1] =	stream.indirect.gather [hbm4b:s3+s4], $0x20, s31, s4, $0xb8;
	[tilespmem:$0x15B80] =	vst v63  }
0x2ec: {  	s1 =	rddreg [dreg:$0x1c]  }
0x2ed: {  	[tilespmem:s28], [sflag:$0x1] =	stream.indirect.gather [hbm4b:s3+s4], $0x20, s1, s4, $0xb8;
	[tilespmem:$0x15B80] =	vst v63  }
0x2ee: {  	s31 =	rddreg [dreg:$0x1d]  }
0x2ef: {  	[tilespmem:s29], [sflag:$0x1] =	stream.indirect.gather [hbm4b:s3+s4], $0x20, s31, s4, $0xb8;
	[tilespmem:$0x15B80] =	vst v63  }
0x2f0: {  	_ =	swait.ge [sflag:s7], $0x1000  }
0x2f1: {  	[sflag:s7] =	ssyncset.done $0x0  }
0x2f2: {  	[sflag:s7] =	ssyncadd.s32 $0xFFFFF000  }
0x2f3: {  	_ =	swait.ge [sflag:s7], $0x1000  }
0x2f4: {  	[sflag:s7] =	ssyncset.done $0x0  }
0x2f5: {  	[sflag:s7] =	ssyncadd.s32 $0xFFFFF000  }
0x2f6: {  	_ =	swait.ge [sflag:s7], $0x1000  }
0x2f7: {  	[sflag:s7] =	ssyncset.done $0x0  }
0x2f8: {  	[sflag:s7] =	ssyncadd.s32 $0xFFFFF000  }
0x2f9: {  	_ =	swait.ge [sflag:s7], $0x1000  }
0x2fa: {  	[sflag:s7] =	ssyncset.done $0x0  }
0x2fb: {  	[sflag:s7] =	ssyncadd.s32 $0xFFFFF000  }
0x2fc: {  	_ =	swait.ge [sflag:s7], $0x1000  }
0x2fd: {  	[sflag:s7] =	ssyncset.done $0x0  }
0x2fe: {  	[sflag:s7] =	ssyncadd.s32 $0xFFFFF000  }
0x2ff: {  	_ =	swait.ge [sflag:s7], $0x1000  }
0x300: {  	[sflag:s7] =	ssyncset.done $0x0  }
0x301: {  	[sflag:s7] =	ssyncadd.s32 $0xFFFFF000  }
0x302: {  	_ =	swait.ge [sflag:s7], $0x1000  }
0x303: {  	[sflag:s7] =	ssyncset.done $0x0  }
0x304: {  	[sflag:s7] =	ssyncadd.s32 $0xFFFFF000  }
0x305: {  	_ =	swait.ge [sflag:s7], $0x1000  }
0x306: {  	[sflag:s7] =	ssyncset.done $0x0  }
0x307: {  	[sflag:s7] =	ssyncadd.s32 $0xFFFFF000  }
0x308: {  	_ =	swait.ge [sflag:s7], $0x1000  }
0x309: {  	[sflag:s7] =	ssyncset.done $0x0  }
0x30a: {  	[sflag:s7] =	ssyncadd.s32 $0xFFFFF000  }
0x30b: {  	_ =	swait.ge [sflag:s7], $0x1000  }
0x30c: {  	[sflag:s7] =	ssyncset.done $0x0  }
0x30d: {  	s31 =	rddreg [dreg:$0x7];
	[sflag:s7] =	ssyncadd.s32 $0xFFFFF000  }
0x30e: {  	[hbm4b:s31+s2] =	stream.linear.scatter [tilespmem:s8], [sflag:$0x2], $0xA000, $0x38;
	[tilespmem:$0x15B80] =	vst v63  }
0x30f: {  	_ =	swait.ge [sflag:s9], $0xA000  }
0x310: {  	s1 =	rddreg [dreg:$0x1e];
	[sflag:s9] =	ssyncset.done $0x0  }
0x311: {  	s31 =	rddreg [dreg:$0x1f];
	[sflag:s9] =	ssyncadd.s32 $0xFFFF6000  }
0x312: {  	[tilespmem:s6], [sflag:$0x1] =	stream.indirect.gather [hbm4b:s3+s4], $0x20, s1, s4, $0xb8;
	[tilespmem:$0x15B80] =	vst v63  }
0x313: {  	s0 =	sld [smem:$0x7E0]  }
0x314: {  	[tilespmem:s14], [sflag:$0x1] =	stream.indirect.gather [hbm4b:s3+s4], $0x20, s31, s4, $0xb8;
	[tilespmem:$0x15B80] =	vst v63  }
0x315: {  	s31 =	sld [smem:$0x7E1]  }
0x316: {  	[tilespmem:s15], [sflag:$0x1] =	stream.indirect.gather [hbm4b:s3+s4], $0x20, s0, s4, $0xb8;
	[tilespmem:$0x15B80] =	vst v63  }
0x317: {  	s0 =	sld [smem:$0x7E2]  }
0x318: {  	[tilespmem:s18], [sflag:$0x1] =	stream.indirect.gather [hbm4b:s3+s4], $0x20, s31, s4, $0xb8;
	[tilespmem:$0x15B80] =	vst v63  }
0x319: {  	s31 =	sld [smem:$0x7E3]  }
0x31a: {  	[tilespmem:s19], [sflag:$0x1] =	stream.indirect.gather [hbm4b:s3+s4], $0x20, s0, s4, $0xb8;
	[tilespmem:$0x15B80] =	vst v63  }
0x31b: {  	s0 =	sld [smem:$0x7E4]  }
0x31c: {  	[tilespmem:s20], [sflag:$0x1] =	stream.indirect.gather [hbm4b:s3+s4], $0x20, s31, s4, $0xb8;
	[tilespmem:$0x15B80] =	vst v63  }
0x31d: {  	s31 =	sld [smem:$0x7E5]  }
0x31e: {  	[tilespmem:s21], [sflag:$0x1] =	stream.indirect.gather [hbm4b:s3+s4], $0x20, s0, s4, $0xb8;
	[tilespmem:$0x15B80] =	vst v63  }
0x31f: {  	s0 =	sld [smem:$0x7E6]  }
0x320: {  	[tilespmem:s22], [sflag:$0x1] =	stream.indirect.gather [hbm4b:s3+s4], $0x20, s31, s4, $0xb8;
	[tilespmem:$0x15B80] =	vst v63  }
0x321: {  	s31 =	sld [smem:$0x7E7]  }
0x322: {  	[tilespmem:s23], [sflag:$0x1] =	stream.indirect.gather [hbm4b:s3+s4], $0x20, s0, s4, $0xb8;
	[tilespmem:$0x15B80] =	vst v63  }
0x323: {  	_ = 	snop  }
0x324: {  	[tilespmem:s24], [sflag:$0x1] =	stream.indirect.gather [hbm4b:s3+s4], $0x20, s31, s4, $0xb8;
	[tilespmem:$0x15B80] =	vst v63  }
0x325: {  	_ =	swait.ge [sflag:s7], $0x1000  }
0x326: {  	[sflag:s7] =	ssyncset.done $0x0  }
0x327: {  	[sflag:s7] =	ssyncadd.s32 $0xFFFFF000  }
0x328: {  	_ =	swait.ge [sflag:s7], $0x1000  }
0x329: {  	[sflag:s7] =	ssyncset.done $0x0  }
0x32a: {  	[sflag:s7] =	ssyncadd.s32 $0xFFFFF000  }
0x32b: {  	_ =	swait.ge [sflag:s7], $0x1000  }
0x32c: {  	[sflag:s7] =	ssyncset.done $0x0  }
0x32d: {  	[sflag:s7] =	ssyncadd.s32 $0xFFFFF000  }
0x32e: {  	_ =	swait.ge [sflag:s7], $0x1000  }
0x32f: {  	[sflag:s7] =	ssyncset.done $0x0  }
0x330: {  	[sflag:s7] =	ssyncadd.s32 $0xFFFFF000  }
0x331: {  	_ =	swait.ge [sflag:s7], $0x1000  }
0x332: {  	[sflag:s7] =	ssyncset.done $0x0  }
0x333: {  	[sflag:s7] =	ssyncadd.s32 $0xFFFFF000  }
0x334: {  	_ =	swait.ge [sflag:s7], $0x1000  }
0x335: {  	[sflag:s7] =	ssyncset.done $0x0  }
0x336: {  	[sflag:s7] =	ssyncadd.s32 $0xFFFFF000  }
0x337: {  	_ =	swait.ge [sflag:s7], $0x1000  }
0x338: {  	[sflag:s7] =	ssyncset.done $0x0  }
0x339: {  	[sflag:s7] =	ssyncadd.s32 $0xFFFFF000  }
0x33a: {  	_ =	swait.ge [sflag:s7], $0x1000  }
0x33b: {  	[sflag:s7] =	ssyncset.done $0x0  }
0x33c: {  	[sflag:s7] =	ssyncadd.s32 $0xFFFFF000  }
0x33d: {  	_ =	swait.ge [sflag:s7], $0x1000  }
0x33e: {  	[sflag:s7] =	ssyncset.done $0x0  }
0x33f: {  	[sflag:s7] =	ssyncadd.s32 $0xFFFFF000  }
0x340: {  	_ =	swait.ge [sflag:s7], $0x1000  }
0x341: {  	[sflag:s7] =	ssyncset.done $0x0  }
0x342: {  	s31 =	rddreg [dreg:$0x8];
	[sflag:s7] =	ssyncadd.s32 $0xFFFFF000  }
0x343: {  	[hbm4b:s31+s2] =	stream.linear.scatter [tilespmem:s6], [sflag:$0x2], $0xA000, $0x38;
	[tilespmem:$0x15B80] =	vst v63  }
0x344: {  	_ =	swait.ge [sflag:s9], $0xA000  }
0x345: {  	s1 =	sld [smem:$0x7E8]  }
0x346: {  	[sflag:s9] =	ssyncset.done $0x0  }
0x347: {  	s31 =	sld [smem:$0x7E9];
	[sflag:s9] =	ssyncadd.s32 $0xFFFF6000  }
0x348: {  	[tilespmem:s8], [sflag:$0x1] =	stream.indirect.gather [hbm4b:s3+s4], $0x20, s1, s4, $0xb8;
	[tilespmem:$0x15B80] =	vst v63  }
0x349: {  	s0 =	sld [smem:$0x7EA]  }
0x34a: {  	[tilespmem:s10], [sflag:$0x1] =	stream.indirect.gather [hbm4b:s3+s4], $0x20, s31, s4, $0xb8;
	[tilespmem:$0x15B80] =	vst v63  }
0x34b: {  	s31 =	sld [smem:$0x7EB]  }
0x34c: {  	[tilespmem:s11], [sflag:$0x1] =	stream.indirect.gather [hbm4b:s3+s4], $0x20, s0, s4, $0xb8;
	[tilespmem:$0x15B80] =	vst v63  }
0x34d: {  	s0 =	sld [smem:$0x7EC]  }
0x34e: {  	[tilespmem:s12], [sflag:$0x1] =	stream.indirect.gather [hbm4b:s3+s4], $0x20, s31, s4, $0xb8;
	[tilespmem:$0x15B80] =	vst v63  }
0x34f: {  	s31 =	sld [smem:$0x7ED]  }
0x350: {  	[tilespmem:s13], [sflag:$0x1] =	stream.indirect.gather [hbm4b:s3+s4], $0x20, s0, s4, $0xb8;
	[tilespmem:$0x15B80] =	vst v63  }
0x351: {  	s0 =	sld [smem:$0x7EE]  }
0x352: {  	[tilespmem:s25], [sflag:$0x1] =	stream.indirect.gather [hbm4b:s3+s4], $0x20, s31, s4, $0xb8;
	[tilespmem:$0x15B80] =	vst v63  }
0x353: {  	s31 =	sld [smem:$0x7EF]  }
0x354: {  	[tilespmem:s26], [sflag:$0x1] =	stream.indirect.gather [hbm4b:s3+s4], $0x20, s0, s4, $0xb8;
	[tilespmem:$0x15B80] =	vst v63  }
0x355: {  	s25 =	sld [smem:$0x7F0]  }
0x356: {  	[tilespmem:s30], [sflag:$0x1] =	stream.indirect.gather [hbm4b:s3+s4], $0x20, s31, s4, $0xb8;
	[tilespmem:$0x15B80] =	vst v63  }
0x357: {  	s26 =	sld [smem:$0x7F1]  }
0x358: {  	[tilespmem:s28], [sflag:$0x1] =	stream.indirect.gather [hbm4b:s3+s4], $0x20, s25, s4, $0xb8;
	[tilespmem:$0x15B80] =	vst v63  }
0x359: {  	_ = 	snop  }
0x35a: {  	[tilespmem:s29], [sflag:$0x1] =	stream.indirect.gather [hbm4b:s3+s4], $0x20, s26, s4, $0xb8;
	[tilespmem:$0x15B80] =	vst v63  }
0x35b: {  	_ =	swait.ge [sflag:s7], $0x1000  }
0x35c: {  	[sflag:s7] =	ssyncset.done $0x0  }
0x35d: {  	[sflag:s7] =	ssyncadd.s32 $0xFFFFF000  }
0x35e: {  	_ =	swait.ge [sflag:s7], $0x1000  }
0x35f: {  	[sflag:s7] =	ssyncset.done $0x0  }
0x360: {  	[sflag:s7] =	ssyncadd.s32 $0xFFFFF000  }
0x361: {  	_ =	swait.ge [sflag:s7], $0x1000  }
0x362: {  	[sflag:s7] =	ssyncset.done $0x0  }
0x363: {  	[sflag:s7] =	ssyncadd.s32 $0xFFFFF000  }
0x364: {  	_ =	swait.ge [sflag:s7], $0x1000  }
0x365: {  	[sflag:s7] =	ssyncset.done $0x0  }
0x366: {  	[sflag:s7] =	ssyncadd.s32 $0xFFFFF000  }
0x367: {  	_ =	swait.ge [sflag:s7], $0x1000  }
0x368: {  	[sflag:s7] =	ssyncset.done $0x0  }
0x369: {  	[sflag:s7] =	ssyncadd.s32 $0xFFFFF000  }
0x36a: {  	_ =	swait.ge [sflag:s7], $0x1000  }
0x36b: {  	[sflag:s7] =	ssyncset.done $0x0  }
0x36c: {  	[sflag:s7] =	ssyncadd.s32 $0xFFFFF000  }
0x36d: {  	_ =	swait.ge [sflag:s7], $0x1000  }
0x36e: {  	[sflag:s7] =	ssyncset.done $0x0  }
0x36f: {  	[sflag:s7] =	ssyncadd.s32 $0xFFFFF000  }
0x370: {  	_ =	swait.ge [sflag:s7], $0x1000  }
0x371: {  	[sflag:s7] =	ssyncset.done $0x0  }
0x372: {  	[sflag:s7] =	ssyncadd.s32 $0xFFFFF000  }
0x373: {  	_ =	swait.ge [sflag:s7], $0x1000  }
0x374: {  	[sflag:s7] =	ssyncset.done $0x0  }
0x375: {  	[sflag:s7] =	ssyncadd.s32 $0xFFFFF000  }
0x376: {  	_ =	swait.ge [sflag:s7], $0x1000  }
0x377: {  	[sflag:s7] =	ssyncset.done $0x0  }
0x378: {  	s28 =	rddreg [dreg:$0x9];
	[sflag:s7] =	ssyncadd.s32 $0xFFFFF000  }
0x379: {  	[hbm4b:s28+s2] =	stream.linear.scatter [tilespmem:s8], [sflag:$0x2], $0xA000, $0x38;
	[tilespmem:$0x15B80] =	vst v63  }
0x37a: {  	_ =	swait.ge [sflag:s9], $0xA000  }
0x37b: {  	s29 =	sld [smem:$0x7F2]  }
0x37c: {  	[sflag:s9] =	ssyncset.done $0x0  }
0x37d: {  	s30 =	sld [smem:$0x7F3];
	[sflag:s9] =	ssyncadd.s32 $0xFFFF6000  }
0x37e: {  	[tilespmem:s6], [sflag:$0x1] =	stream.indirect.gather [hbm4b:s3+s4], $0x20, s29, s4, $0xb8;
	[tilespmem:$0x15B80] =	vst v63  }
0x37f: {  	s31 =	sld [smem:$0x7F4]  }
0x380: {  	[tilespmem:s14], [sflag:$0x1] =	stream.indirect.gather [hbm4b:s3+s4], $0x20, s30, s4, $0xb8;
	[tilespmem:$0x15B80] =	vst v63  }
0x381: {  	s14 =	sld [smem:$0x7F5]  }
0x382: {  	[tilespmem:s15], [sflag:$0x1] =	stream.indirect.gather [hbm4b:s3+s4], $0x20, s31, s4, $0xb8;
	[tilespmem:$0x15B80] =	vst v63  }
0x383: {  	s15 =	sld [smem:$0x7F6]  }
0x384: {  	[tilespmem:s18], [sflag:$0x1] =	stream.indirect.gather [hbm4b:s3+s4], $0x20, s14, s4, $0xb8;
	[tilespmem:$0x15B80] =	vst v63  }
0x385: {  	s18 =	sld [smem:$0x7F7]  }
0x386: {  	[tilespmem:s19], [sflag:$0x1] =	stream.indirect.gather [hbm4b:s3+s4], $0x20, s15, s4, $0xb8;
	[tilespmem:$0x15B80] =	vst v63  }
0x387: {  	s19 =	sld [smem:$0x7F8]  }
0x388: {  	[tilespmem:s20], [sflag:$0x1] =	stream.indirect.gather [hbm4b:s3+s4], $0x20, s18, s4, $0xb8;
	[tilespmem:$0x15B80] =	vst v63  }
0x389: {  	s20 =	sld [smem:$0x7F9]  }
0x38a: {  	[tilespmem:s21], [sflag:$0x1] =	stream.indirect.gather [hbm4b:s3+s4], $0x20, s19, s4, $0xb8;
	[tilespmem:$0x15B80] =	vst v63  }
0x38b: {  	s21 =	sld [smem:$0x7FA]  }
0x38c: {  	[tilespmem:s22], [sflag:$0x1] =	stream.indirect.gather [hbm4b:s3+s4], $0x20, s20, s4, $0xb8;
	[tilespmem:$0x15B80] =	vst v63  }
0x38d: {  	s25 =	sld [smem:$0x7FB]  }
0x38e: {  	[tilespmem:s23], [sflag:$0x1] =	stream.indirect.gather [hbm4b:s3+s4], $0x20, s21, s4, $0xb8;
	[tilespmem:$0x15B80] =	vst v63  }
0x38f: {  	_ = 	snop  }
0x390: {  	[tilespmem:s24], [sflag:$0x1] =	stream.indirect.gather [hbm4b:s3+s4], $0x20, s25, s4, $0xb8;
	[tilespmem:$0x15B80] =	vst v63  }
0x391: {  	_ =	swait.ge [sflag:s7], $0x1000  }
0x392: {  	[sflag:s7] =	ssyncset.done $0x0  }
0x393: {  	[sflag:s7] =	ssyncadd.s32 $0xFFFFF000  }
0x394: {  	_ =	swait.ge [sflag:s7], $0x1000  }
0x395: {  	[sflag:s7] =	ssyncset.done $0x0  }
0x396: {  	[sflag:s7] =	ssyncadd.s32 $0xFFFFF000  }
0x397: {  	_ =	swait.ge [sflag:s7], $0x1000  }
0x398: {  	[sflag:s7] =	ssyncset.done $0x0  }
0x399: {  	[sflag:s7] =	ssyncadd.s32 $0xFFFFF000  }
0x39a: {  	_ =	swait.ge [sflag:s7], $0x1000  }
0x39b: {  	[sflag:s7] =	ssyncset.done $0x0  }
0x39c: {  	[sflag:s7] =	ssyncadd.s32 $0xFFFFF000  }
0x39d: {  	_ =	swait.ge [sflag:s7], $0x1000  }
0x39e: {  	[sflag:s7] =	ssyncset.done $0x0  }
0x39f: {  	[sflag:s7] =	ssyncadd.s32 $0xFFFFF000  }
0x3a0: {  	_ =	swait.ge [sflag:s7], $0x1000  }
0x3a1: {  	[sflag:s7] =	ssyncset.done $0x0  }
0x3a2: {  	[sflag:s7] =	ssyncadd.s32 $0xFFFFF000  }
0x3a3: {  	_ =	swait.ge [sflag:s7], $0x1000  }
0x3a4: {  	[sflag:s7] =	ssyncset.done $0x0  }
0x3a5: {  	[sflag:s7] =	ssyncadd.s32 $0xFFFFF000  }
0x3a6: {  	_ =	swait.ge [sflag:s7], $0x1000  }
0x3a7: {  	[sflag:s7] =	ssyncset.done $0x0  }
0x3a8: {  	[sflag:s7] =	ssyncadd.s32 $0xFFFFF000  }
0x3a9: {  	_ =	swait.ge [sflag:s7], $0x1000  }
0x3aa: {  	[sflag:s7] =	ssyncset.done $0x0  }
0x3ab: {  	[sflag:s7] =	ssyncadd.s32 $0xFFFFF000  }
0x3ac: {  	_ =	swait.ge [sflag:s7], $0x1000  }
0x3ad: {  	[sflag:s7] =	ssyncset.done $0x0  }
0x3ae: {  	s26 =	rddreg [dreg:$0xa];
	[sflag:s7] =	ssyncadd.s32 $0xFFFFF000  }
0x3af: {  	[hbm4b:s26+s2] =	stream.linear.scatter [tilespmem:s6], [sflag:$0x2], $0xA000, $0x38;
	[tilespmem:$0x15B80] =	vst v63  }
0x3b0: {  	_ =	swait.ge [sflag:s9], $0xA000  }
0x3b1: {  	[sflag:s9] =	ssyncset.done $0x0  }
0x3b2: {  	s28 =	sld [smem:$0x7FC];
	[sflag:s9] =	ssyncadd.s32 $0xFFFF6000  }
0x3b3: {  	[tilespmem:s8], [sflag:$0x1] =	stream.indirect.gather [hbm4b:s3+s4], $0x20, s5, s4, $0xb8;
	[tilespmem:$0x15B80] =	vst v63  }
0x3b4: {  	s29 =	sld [smem:$0x7FD]  }
0x3b5: {  	[tilespmem:s10], [sflag:$0x1] =	stream.indirect.gather [hbm4b:s3+s4], $0x20, s28, s4, $0xb8;
	[tilespmem:$0x15B80] =	vst v63  }
0x3b6: {  	_ = 	snop  }
0x3b7: {  	[tilespmem:s11], [sflag:$0x1] =	stream.indirect.gather [hbm4b:s3+s4], $0x20, s29, s4, $0xb8;
	[tilespmem:$0x15B80] =	vst v63  }
0x3b8: {  	_ = 	snop  }
0x3b9: {  	[tilespmem:s12], [sflag:$0x1] =	stream.indirect.gather [hbm4b:s3+s4], $0x20, s17, s4, $0xb8;
	[tilespmem:$0x15B80] =	vst v63  }
0x3ba: {  	s30 =	simm.s32 $0x1B00  }
0x3bb: {  	[tilespmem:s13], [sflag:$0x1] =	stream.indirect.gather [hbm4b:s3+s4], $0x20, s30, s4, $0xb8;
	[tilespmem:$0x15B80] =	vst v63  }
0x3bc: {  	_ =	swait.ge [sflag:s7], $0x1000  }
0x3bd: {  	[sflag:s7] =	ssyncset.done $0x0  }
0x3be: {  	[sflag:s7] =	ssyncadd.s32 $0xFFFFF000  }
0x3bf: {  	_ =	swait.ge [sflag:s7], $0x1000  }
0x3c0: {  	[sflag:s7] =	ssyncset.done $0x0  }
0x3c1: {  	[sflag:s7] =	ssyncadd.s32 $0xFFFFF000  }
0x3c2: {  	_ =	swait.ge [sflag:s7], $0x1000  }
0x3c3: {  	[sflag:s7] =	ssyncset.done $0x0  }
0x3c4: {  	[sflag:s7] =	ssyncadd.s32 $0xFFFFF000  }
0x3c5: {  	_ =	swait.ge [sflag:s7], $0x1000  }
0x3c6: {  	[sflag:s7] =	ssyncset.done $0x0  }
0x3c7: {  	[sflag:s7] =	ssyncadd.s32 $0xFFFFF000  }
0x3c8: {  	_ =	swait.ge [sflag:s7], $0x1000  }
0x3c9: {  	[sflag:s7] =	ssyncset.done $0x0  }
0x3ca: {  	s31 =	rddreg [dreg:$0xb];
	[sflag:s7] =	ssyncadd.s32 $0xFFFFF000  }
0x3cb: {  	[hbm4b:s31+s2] =	stream.linear.scatter [tilespmem:s8], [sflag:$0x2], $0x5000, $0x38;
	[tilespmem:$0x15B80] =	vst v63  }
0x3cc: {  	_ =	swait.ge [sflag:s9], $0xA000  }
0x3cd: {  	[sflag:s9] =	ssyncset.done $0x0  }
0x3ce: {  	[sflag:s9] =	ssyncadd.s32 $0xFFFF6000  }
0x3cf: {  	_ =	swait.ge [sflag:s9], $0x5000  }
0x3d0: {  	[sflag:s9] =	ssyncset.done $0x0  }
0x3d1: {  	[sflag:s9] =	ssyncadd.s32 $0xFFFFB000  }
0x3d2: {  	_ =	sfence.sel $0x180000  }
0x3d3: {  	[bflag:$0x0] =	sbarrier.arrive $0xFFFF  }
0x3d4: {  	_ =	strace $0x90000047  }
0x3d5: {  	[bflag:$0x2] =	sbarrier.arrive $0xFFFF  }
0x3d6: {  	p0 =	sne.s32 s16, $0x0;
	s0 =	rddreg [dreg:$0x3]  }
0x3d7: {  	s0 =	sadd.s32 @!p0 $0x100000, s0  }
0x3d8: {  	[sflag:s0] =	ssyncadd.tile.s32 @!p0 $0x1;
	_ =	shalt  }
.LBB2_1:
.Ltmp3:
0x3d9: {  	(pc) =	sbr.rel .LBB2_6-.Ltmp3, $2  }
0x3da: {  	_ =	sdelay $0x2  }
0x3db: {  	s17 =	simm.s32 $0x1A80  }
.LBB2_3:
.Ltmp4:
0x3dc: {  	(pc) =	sbr.rel .LBB2_6-.Ltmp4, $2  }
0x3dd: {  	_ =	sdelay $0x2  }
0x3de: {  	s17 =	simm.s32 $0x1A80;
	s16 =	stileid.u32  }
.Lfunc_end2:
_tile_overlayer_lowered:
.L_overlay_start_2:
0x3df: {  	(tag) =	ssettag $0x2  }
0x3e0: {  	s0 =	rddreg [dreg:$0x0];
	s2 =	stileid.u32  }
0x3e1: {  	s1 =	rddreg [dreg:$0x1];
	p0 =	sne.s32 s2, $0x0  }
0x3e2: {  	s3 =	rddreg [dreg:$0x2];
	[bflag:$0x3] =	sbarrier.arrive $0xFFFF;
	s2 =	simm.s32 @!p0 $0x1C03  }
0x3e3: {  	[timem:s3], [sflag:s2] =	dma.local @!p0 [hbm:s0], s1  }
0x3e4: {  	s0 =	simm.s32 @!p0 $0x3  }
0x3e5: {  	_ =	swait.ge @!p0 [sflag:s0], s1  }
0x3e6: {  	s1 =	ssub.s32 @!p0 $0x0, s1;
	[sflag:s0] =	ssyncset.done @!p0 $0x0  }
0x3e7: {  	[sflag:s0] =	ssyncadd.s32 @!p0 s1  }
0x3e8: {  	[bflag:$0x3] =	sbarrier.arrive $0xFFFF  }
0x3e9: {  	_ =	shalt  }

</sc_bundles>
